<compile_context>
chip_gen: v7x
topology: tpu7x:2x2x1
jax: 0.10.2.dev20260603
libtpu: 0.0.44.dev20260713+nightly
codegen_flags: <defaults>
</compile_context>

<pallas_src>
import functools

import jax
import jax.numpy as jnp
from jax import lax
from jax.experimental import pallas as pl
from jax.experimental.pallas import tpu as pltpu
from jax.experimental.pallas import tpu_sc as plsc

N = 10000
E = 320000
D_IN = 128
D_HID = 128
D_OUT = 64

NC = 2
NS = 16
NW = NC * NS
K = 128
NBUF = 4

J = 80
E_PAD = NW * J * K

N_PAD = 10240
STRIPE = N_PAD // NS
DUMMY = N

_mesh = plsc.VectorSubcoreMesh(
    core_axis_name="c", subcore_axis_name="s", num_cores=NC, num_subcores=NS)


@functools.partial(
    pl.kernel,
    out_type=jax.ShapeDtypeStruct((NW, N_PAD), jnp.float32),
    mesh=_mesh,
    compiler_params=pltpu.CompilerParams(needs_layout_passes=False),
    scratch_types=[
        pltpu.VMEM((J, K), jnp.int32),
        pltpu.VMEM((N_PAD,), jnp.float32),
    ],
)
def _deg_kernel(dst_hbm, out_hbm, idx_v, hist_v):
    c = lax.axis_index("c")
    s = lax.axis_index("s")
    w = c * NS + s
    pltpu.sync_copy(dst_hbm.at[w], idx_v)

    zeros16 = jnp.zeros((16,), jnp.float32)

    def zero_body(i, carry):
        hist_v[pl.ds(i * 16, 16)] = zeros16
        return carry

    lax.fori_loop(0, N_PAD // 16, zero_body, 0)

    ones16 = jnp.ones((16,), jnp.float32)

    def hist_body(i, carry):
        j = i // (K // 16)
        k = i % (K // 16)
        idx = idx_v[j, pl.ds(k * 16, 16)]
        plsc.addupdate_scatter(hist_v, [idx], ones16)
        return carry

    lax.fori_loop(0, (J * K) // 16, hist_body, 0)
    pltpu.sync_copy(hist_v, out_hbm.at[w])


def _make_scatter(D, npass):
    @functools.partial(
        pl.kernel,
        out_type=[jax.ShapeDtypeStruct((NC, N_PAD, D), jnp.float32)] * npass,
        mesh=_mesh,
        compiler_params=pltpu.CompilerParams(use_tc_tiling_on_sc=False),
        scratch_types=[
            pltpu.VMEM((J, K), jnp.int32),
            pltpu.VMEM((J, K), jnp.int32),
            pltpu.VMEM((NBUF, K, D), jnp.float32),
            pltpu.VMEM((K, D), jnp.float32),
            pltpu.VMEM_SHARED((N_PAD, D), jnp.float32),
            [pltpu.SemaphoreType.DMA] * NBUF,
        ],
    )
    def _scatter_kernel(*args):
        g_hbms = args[:npass]
        src_hbm, dst_hbm = args[npass], args[npass + 1]
        out_hbms = args[npass + 2:2 * npass + 2]
        src_v, dst_v, rows_v, zero_v, acc_sh, gsems = args[2 * npass + 2:]
        c = lax.axis_index("c")
        s = lax.axis_index("s")
        w = c * NS + s
        pltpu.sync_copy(src_hbm.at[w], src_v)
        pltpu.sync_copy(dst_hbm.at[w], dst_v)

        def _gather(g_hbm, j, b):
            pltpu.async_copy(g_hbm.at[src_v.at[j]], rows_v.at[b], gsems[b])

        def _gather_wait(g_hbm, j, b):
            pltpu.make_async_copy(
                g_hbm.at[src_v.at[j]], rows_v.at[b], gsems[b]).wait()

        def _scatter_sync(j, b):
            pltpu.sync_copy(rows_v.at[b], acc_sh.at[dst_v.at[j]], add=True)

        def _zero_stripe():
            for p in range(STRIPE // K):
                pltpu.sync_copy(zero_v,
                                acc_sh.at[pl.ds(s * STRIPE + p * K, K)])

        zeros16 = jnp.zeros((16,), jnp.float32)

        def zrow(i, carry):
            r = i // (D // 16)
            l = i % (D // 16)
            zero_v[r, pl.ds(l * 16, 16)] = zeros16
            return carry

        for b in range(NBUF):
            _gather(g_hbms[0], b, b)
        lax.fori_loop(0, (K * D) // 16, zrow, 0)
        _zero_stripe()
        plsc.subcore_barrier()

        ngrp = J // NBUF
        for p in range(npass):
            g_hbm = g_hbms[p]
            nxt = g_hbms[p + 1] if p + 1 < npass else None

            def body(g, carry, g_hbm=g_hbm):
                for b in range(NBUF):
                    j = g * NBUF + b
                    _gather_wait(g_hbm, j, b)
                    _scatter_sync(j, b)
                    _gather(g_hbm, j + NBUF, b)
                return carry

            lax.fori_loop(0, ngrp - 1, body, 0)
            for b in range(NBUF):
                jt = (ngrp - 1) * NBUF + b
                _gather_wait(g_hbm, jt, b)
                _scatter_sync(jt, b)
                if nxt is not None:
                    _gather(nxt, b, b)
            plsc.subcore_barrier()
            pltpu.sync_copy(acc_sh.at[pl.ds(s * STRIPE, STRIPE)],
                            out_hbms[p].at[c, pl.ds(s * STRIPE, STRIPE)])
            if nxt is not None:
                _zero_stripe()
                plsc.subcore_barrier()

    return _scatter_kernel


_scatter_l1 = _make_scatter(D_OUT, 2)
_scatter_l2 = _make_scatter(D_OUT, 1)


_R = 1024


def _dinv_of(hist_blk):
    deg = jnp.sum(hist_blk, axis=1, keepdims=True) + 1.0
    return lax.rsqrt(deg)


def _tc1_body(hist_ref, x_ref, w1_ref, g1a_ref, g1b_ref, dinv_ref):
    dinv = _dinv_of(hist_ref[...])
    g1 = jnp.dot(x_ref[...], w1_ref[...],
                 preferred_element_type=jnp.float32) * dinv
    g1a_ref[...] = g1[:, :D_OUT]
    g1b_ref[...] = g1[:, D_OUT:]
    dinv_ref[...] = dinv


def _tc2_body(dinv_ref, acca_ref, accb_ref, g1a_ref, g1b_ref,
              b1a_ref, b1b_ref, w2a_ref, w2b_ref, g2_ref):
    dinv = dinv_ref[...]
    ha = jnp.maximum((acca_ref[0] + acca_ref[1] + g1a_ref[...]) * dinv
                     + b1a_ref[...], 0.0)
    hb = jnp.maximum((accb_ref[0] + accb_ref[1] + g1b_ref[...]) * dinv
                     + b1b_ref[...], 0.0)
    g2 = (jnp.dot(ha, w2a_ref[...], preferred_element_type=jnp.float32)
          + jnp.dot(hb, w2b_ref[...], preferred_element_type=jnp.float32))
    g2_ref[...] = g2 * dinv


def _tc3_body(dinv_ref, acc_ref, g2_ref, b2_ref, out_ref):
    dinv = dinv_ref[...]
    a = acc_ref[0] + acc_ref[1] + g2_ref[...]
    out_ref[...] = jnp.maximum(a * dinv + b2_ref[...], 0.0)


def _row_spec(d):
    return pl.BlockSpec((_R, d), lambda i: (i, 0))


def _acc_spec(d):
    return pl.BlockSpec((NC, _R, d), lambda i: (0, i, 0))


def _full_spec(r, d):
    return pl.BlockSpec((r, d), lambda i: (0, 0))


_GRID = N_PAD // _R

_tc1 = pl.pallas_call(
    _tc1_body,
    grid=(_GRID,),
    in_specs=[_row_spec(NW), _row_spec(D_IN), _full_spec(D_IN, D_HID)],
    out_specs=[_row_spec(D_OUT), _row_spec(D_OUT), _row_spec(1)],
    out_shape=[jax.ShapeDtypeStruct((N_PAD, D_OUT), jnp.float32),
               jax.ShapeDtypeStruct((N_PAD, D_OUT), jnp.float32),
               jax.ShapeDtypeStruct((N_PAD, 1), jnp.float32)],
)

_PK = N_PAD // 2
_PKGRID = _PK // _R

_tc2 = pl.pallas_call(
    _tc2_body,
    grid=(_PKGRID,),
    in_specs=[_row_spec(D_HID), _acc_spec(D_HID), _acc_spec(D_HID),
              _row_spec(D_HID), _row_spec(D_HID),
              _full_spec(1, D_HID), _full_spec(1, D_HID),
              _full_spec(D_HID, D_HID), _full_spec(D_HID, D_HID)],
    out_specs=_row_spec(D_HID),
    out_shape=jax.ShapeDtypeStruct((_PK, D_HID), jnp.float32),
)

_tc3 = pl.pallas_call(
    _tc3_body,
    grid=(_PKGRID,),
    in_specs=[_row_spec(D_HID), _acc_spec(D_HID), _row_spec(D_HID),
              _full_spec(1, D_HID)],
    out_specs=_row_spec(D_HID),
    out_shape=jax.ShapeDtypeStruct((N // 2, D_HID), jnp.float32),
)


def _edge_blocks(idx_flat):
    fill = N + (jnp.arange(E_PAD - E, dtype=jnp.int32) % (N_PAD - N))
    return jnp.concatenate([idx_flat, fill]).reshape(NW, J, K)


def kernel(x, edge_index, W1, b1, W2, b2):
    x_pad = jnp.zeros((N_PAD, D_IN), x.dtype).at[:N].set(x)
    src = _edge_blocks(edge_index[0])
    dst = _edge_blocks(edge_index[1])

    hist = _deg_kernel(dst)
    hist_t = hist.T

    g1a, g1b, dinv = _tc1(hist_t, x_pad, W1)

    pk = lambda a: a.reshape(_PK, D_HID)
    pk2 = lambda a: a.reshape(NC, _PK, D_HID)
    acc1a, acc1b = _scatter_l1(g1a, g1b, src, dst)
    dinv_pk = jnp.repeat(dinv[:, 0], D_OUT).reshape(_PK, D_HID)
    zblk = jnp.zeros((D_OUT, D_OUT), jnp.float32)
    w2a_bd = jnp.block([[W2[:D_OUT], zblk], [zblk, W2[:D_OUT]]])
    w2b_bd = jnp.block([[W2[D_OUT:], zblk], [zblk, W2[D_OUT:]]])
    b1a = jnp.tile(b1[:D_OUT], 2).reshape(1, D_HID)
    b1b = jnp.tile(b1[D_OUT:], 2).reshape(1, D_HID)
    b2pk = jnp.tile(b2, 2).reshape(1, D_HID)

    g2_pk = _tc2(dinv_pk, pk2(acc1a), pk2(acc1b), pk(g1a), pk(g1b),
                 b1a, b1b, w2a_bd, w2b_bd)
    g2 = g2_pk.reshape(N_PAD, D_OUT)
    acc2, = _scatter_l2(g2, src, dst)
    out_pk = _tc3(dinv_pk, pk2(acc2), g2_pk, b2pk)
    return out_pk.reshape(N, D_OUT)

# --- scband reference (transcript-rebuilt; emitter-appended) ---
"""Pipeline reference for scband-encoder-78469052497925 (READ-ONLY COPY).

The authoritative reference and input builder live on the scoring server;
editing this copy changes nothing except your own understanding.
"""

import jax, jax.numpy as jnp
import numpy as np

N = 10000
E = 320000
D_IN = 128
D_HID = 128
D_OUT = 64


def setup_inputs(seed: int = 0) -> dict:
    key = jax.random.key(seed)
    ks = jax.random.split(key, 6)
    x = jax.random.normal(ks[0], (N, D_IN), dtype=jnp.float32)
    edge_index = jax.random.randint(ks[1], (2, E), 0, N, dtype=jnp.int32)
    W1 = jax.random.normal(ks[2], (D_IN, D_HID), dtype=jnp.float32) * (1.0 / np.sqrt(D_IN))
    b1 = jnp.zeros((D_HID,), dtype=jnp.float32)
    W2 = jax.random.normal(ks[3], (D_HID, D_OUT), dtype=jnp.float32) * (1.0 / np.sqrt(D_HID))
    b2 = jnp.zeros((D_OUT,), dtype=jnp.float32)
    return {"x": x, "edge_index": edge_index, "W1": W1, "b1": b1, "W2": W2, "b2": b2}


def gcn_conv(x, edge_index, W, b):
    # GCNConv (PyG semantics): add self loops, symmetric normalization, scatter-add aggregation
    h = x @ W
    loop = jnp.arange(N, dtype=edge_index.dtype)
    src = jnp.concatenate([edge_index[0], loop])
    dst = jnp.concatenate([edge_index[1], loop])
    deg = jnp.zeros((N,), dtype=h.dtype).at[dst].add(1.0)
    dinv = jnp.where(deg > 0, 1.0 / jnp.sqrt(deg), 0.0)
    norm = dinv[src] * dinv[dst]
    msg = h[src] * norm[:, None]
    out = jnp.zeros((N, h.shape[1]), dtype=h.dtype).at[dst].add(msg)
    return out + b


def reference(x, edge_index, W1, b1, W2, b2):
    h = jax.nn.relu(gcn_conv(x, edge_index, W1, b1))
    out = jax.nn.relu(gcn_conv(h, edge_index, W2, b2))
    return out

if __name__ == "__main__":
    import jax
    _d = setup_inputs()
    print(jax.jit(kernel)(*tuple(_d.values())))

</pallas_src>

<mosaic_0001>
#map = affine_map<(d0, d1) -> (0, 0)>
#map1 = affine_map<(d0, d1) -> (0, 0, 0)>
module attributes {stable_mosaic.version = 14 : i64} {
  func.func @_scatter_kernel(%arg0: i32, %arg1: i32, %arg2: memref<10240x64xf32, #tpu.memory_space<hbm>>, %arg3: memref<32x80x128xi32, #tpu.memory_space<hbm>>, %arg4: memref<32x80x128xi32, #tpu.memory_space<hbm>>, %arg5: memref<2x10240x64xf32, #tpu.memory_space<hbm>>, %arg6: memref<80x128xi32, #tpu.memory_space<vmem>>, %arg7: memref<80x128xi32, #tpu.memory_space<vmem>>, %arg8: memref<4x128x64xf32, #tpu.memory_space<vmem>>, %arg9: memref<128x64xf32, #tpu.memory_space<vmem>>, %arg10: memref<10240x64xf32, #tpu.memory_space<vmem_shared>>, %arg11: memref<!tpu.dma_semaphore, #tpu.memory_space<semaphore_mem>>, %arg12: memref<!tpu.dma_semaphore, #tpu.memory_space<semaphore_mem>>, %arg13: memref<!tpu.dma_semaphore, #tpu.memory_space<semaphore_mem>>, %arg14: memref<!tpu.dma_semaphore, #tpu.memory_space<semaphore_mem>>) attributes {dimension_semantics = [#tpu.dimension_semantics<core_parallel>, #tpu.dimension_semantics<subcore_parallel>], iteration_bounds = array<i64: 2, 16>, scalar_prefetch = 0 : i64, scratch_operands = 9 : i64, tpu.core_type = #tpu.core_type<sc_vector_subcore>, window_params = [{transform_indices = #map}, {transform_indices = #map1}, {transform_indices = #map1}, {transform_indices = #map1}]} {
    %mul3A = arith.constant 16 : i32
    %mul3A_0 = arith.muli %arg0, %mul3A : i32
    %add3A = arith.addi %mul3A_0, %arg1 : i32
    "tpu.region"() ({
      %run_scoped3A_139 = tpu.sem_alloc : memref<!tpu.dma_semaphore, #tpu.memory_space<semaphore_mem>>
      %dma_start3A_140 = arith.constant 0 : i32
      %dma_start3A_141 = arith.constant 0 : i32
      %dma_start3A_142 = tpu.memref_slice %arg3[%add3A, %dma_start3A_140, %dma_start3A_141] : memref<32x80x128xi32, #tpu.memory_space<hbm>> -> memref<1x80x128xi32, #tpu.memory_space<hbm>>
      %dma_start3A_143 = tpu.memref_squeeze %dma_start3A_142 : memref<1x80x128xi32, #tpu.memory_space<hbm>> -> memref<80x128xi32, #tpu.memory_space<hbm>>
      %dma_start3A_144 = arith.constant 0 : i32
      %dma_start3A_145 = arith.constant 0 : i32
      %dma_start3A_146 = tpu.memref_slice %arg3[%add3A, %dma_start3A_144, %dma_start3A_145] : memref<32x80x128xi32, #tpu.memory_space<hbm>> -> memref<1x80x128xi32, #tpu.memory_space<hbm>>
      %dma_start3A_147 = tpu.memref_squeeze %dma_start3A_146 : memref<1x80x128xi32, #tpu.memory_space<hbm>> -> memref<80x128xi32, #tpu.memory_space<hbm>>
      tpu.enqueue_dma source(%dma_start3A_147 : memref<80x128xi32, #tpu.memory_space<hbm>>) target(%arg6 : memref<80x128xi32, #tpu.memory_space<vmem>>) target_semaphore(%run_scoped3A_139 : memref<!tpu.dma_semaphore, #tpu.memory_space<semaphore_mem>>)
      %dma_wait3A_148 = arith.constant 0 : i32
      %dma_wait3A_149 = arith.constant 0 : i32
      %dma_wait3A_150 = tpu.memref_slice %arg3[%add3A, %dma_wait3A_148, %dma_wait3A_149] : memref<32x80x128xi32, #tpu.memory_space<hbm>> -> memref<1x80x128xi32, #tpu.memory_space<hbm>>
      %dma_wait3A_151 = tpu.memref_squeeze %dma_wait3A_150 : memref<1x80x128xi32, #tpu.memory_space<hbm>> -> memref<80x128xi32, #tpu.memory_space<hbm>>
      %dma_wait3A_152 = arith.constant 0 : i32
      %dma_wait3A_153 = arith.constant 0 : i32
      %dma_wait3A_154 = tpu.memref_slice %arg3[%add3A, %dma_wait3A_152, %dma_wait3A_153] : memref<32x80x128xi32, #tpu.memory_space<hbm>> -> memref<1x80x128xi32, #tpu.memory_space<hbm>>
      %dma_wait3A_155 = tpu.memref_squeeze %dma_wait3A_154 : memref<1x80x128xi32, #tpu.memory_space<hbm>> -> memref<80x128xi32, #tpu.memory_space<hbm>>
      tpu.wait_dma2 semaphore(%run_scoped3A_139 : memref<!tpu.dma_semaphore, #tpu.memory_space<semaphore_mem>>) src(%dma_wait3A_155 : memref<80x128xi32, #tpu.memory_space<hbm>>) dst(%arg6 : memref<80x128xi32, #tpu.memory_space<vmem>>)
      tpu.yield
    }) : () -> ()
    "tpu.region"() ({
      %run_scoped3A_139 = tpu.sem_alloc : memref<!tpu.dma_semaphore, #tpu.memory_space<semaphore_mem>>
      %dma_start3A_140 = arith.constant 0 : i32
      %dma_start3A_141 = arith.constant 0 : i32
      %dma_start3A_142 = tpu.memref_slice %arg4[%add3A, %dma_start3A_140, %dma_start3A_141] : memref<32x80x128xi32, #tpu.memory_space<hbm>> -> memref<1x80x128xi32, #tpu.memory_space<hbm>>
      %dma_start3A_143 = tpu.memref_squeeze %dma_start3A_142 : memref<1x80x128xi32, #tpu.memory_space<hbm>> -> memref<80x128xi32, #tpu.memory_space<hbm>>
      %dma_start3A_144 = arith.constant 0 : i32
      %dma_start3A_145 = arith.constant 0 : i32
      %dma_start3A_146 = tpu.memref_slice %arg4[%add3A, %dma_start3A_144, %dma_start3A_145] : memref<32x80x128xi32, #tpu.memory_space<hbm>> -> memref<1x80x128xi32, #tpu.memory_space<hbm>>
      %dma_start3A_147 = tpu.memref_squeeze %dma_start3A_146 : memref<1x80x128xi32, #tpu.memory_space<hbm>> -> memref<80x128xi32, #tpu.memory_space<hbm>>
      tpu.enqueue_dma source(%dma_start3A_147 : memref<80x128xi32, #tpu.memory_space<hbm>>) target(%arg7 : memref<80x128xi32, #tpu.memory_space<vmem>>) target_semaphore(%run_scoped3A_139 : memref<!tpu.dma_semaphore, #tpu.memory_space<semaphore_mem>>)
      %dma_wait3A_148 = arith.constant 0 : i32
      %dma_wait3A_149 = arith.constant 0 : i32
      %dma_wait3A_150 = tpu.memref_slice %arg4[%add3A, %dma_wait3A_148, %dma_wait3A_149] : memref<32x80x128xi32, #tpu.memory_space<hbm>> -> memref<1x80x128xi32, #tpu.memory_space<hbm>>
      %dma_wait3A_151 = tpu.memref_squeeze %dma_wait3A_150 : memref<1x80x128xi32, #tpu.memory_space<hbm>> -> memref<80x128xi32, #tpu.memory_space<hbm>>
      %dma_wait3A_152 = arith.constant 0 : i32
      %dma_wait3A_153 = arith.constant 0 : i32
      %dma_wait3A_154 = tpu.memref_slice %arg4[%add3A, %dma_wait3A_152, %dma_wait3A_153] : memref<32x80x128xi32, #tpu.memory_space<hbm>> -> memref<1x80x128xi32, #tpu.memory_space<hbm>>
      %dma_wait3A_155 = tpu.memref_squeeze %dma_wait3A_154 : memref<1x80x128xi32, #tpu.memory_space<hbm>> -> memref<80x128xi32, #tpu.memory_space<hbm>>
      tpu.wait_dma2 semaphore(%run_scoped3A_139 : memref<!tpu.dma_semaphore, #tpu.memory_space<semaphore_mem>>) src(%dma_wait3A_155 : memref<80x128xi32, #tpu.memory_space<hbm>>) dst(%arg7 : memref<80x128xi32, #tpu.memory_space<vmem>>)
      tpu.yield
    }) : () -> ()
    %broadcast_in_dim3A = arith.constant 0.000000e+00 : f32
    %broadcast_in_dim3A_1 = vector.broadcast %broadcast_in_dim3A : f32 to vector<16xf32>
    %dma_start3A = arith.constant 0 : i32
    %dma_start3A_2 = arith.constant 0 : i32
    %dma_start3A_3 = arith.constant 0 : i32
    %dma_start3A_4 = arith.constant 0 : i32
    %dma_start3A_5 = tpu.memref_slice %arg8[%dma_start3A_2, %dma_start3A_3, %dma_start3A_4] : memref<4x128x64xf32, #tpu.memory_space<vmem>> -> memref<1x128x64xf32, #tpu.memory_space<vmem>>
    %dma_start3A_6 = tpu.memref_squeeze %dma_start3A_5 : memref<1x128x64xf32, #tpu.memory_space<vmem>> -> memref<128x64xf32, #tpu.memory_space<vmem>>
    %dma_start3A_7 = arith.constant 0 : i32
    %dma_start3A_8 = tpu.memref_slice %arg6[%dma_start3A, %dma_start3A_7] : memref<80x128xi32, #tpu.memory_space<vmem>> -> memref<1x128xi32, #tpu.memory_space<vmem>>
    %dma_start3A_9 = tpu.memref_squeeze %dma_start3A_8 : memref<1x128xi32, #tpu.memory_space<vmem>> -> memref<128xi32, #tpu.memory_space<vmem>>
    %dma_start3A_10 = arith.constant 0 : i32
    %dma_start3A_11 = arith.constant 0 : i32
    %dma_start3A_12 = tpu.memref_slice %arg2[%dma_start3A_10, %dma_start3A_11] : memref<10240x64xf32, #tpu.memory_space<hbm>> -> memref<10240x64xf32, #tpu.memory_space<hbm>>
    tpu.enqueue_indirect_dma source(%dma_start3A_12 : memref<10240x64xf32, #tpu.memory_space<hbm>>) target(%dma_start3A_6 : memref<128x64xf32, #tpu.memory_space<vmem>>) offsets(%dma_start3A_9 : memref<128xi32, #tpu.memory_space<vmem>>) semaphore(%arg11 : memref<!tpu.dma_semaphore, #tpu.memory_space<semaphore_mem>>)
    %dma_start3A_13 = arith.constant 1 : i32
    %dma_start3A_14 = arith.constant 1 : i32
    %dma_start3A_15 = arith.constant 0 : i32
    %dma_start3A_16 = arith.constant 0 : i32
    %dma_start3A_17 = tpu.memref_slice %arg8[%dma_start3A_14, %dma_start3A_15, %dma_start3A_16] : memref<4x128x64xf32, #tpu.memory_space<vmem>> -> memref<1x128x64xf32, #tpu.memory_space<vmem>>
    %dma_start3A_18 = tpu.memref_squeeze %dma_start3A_17 : memref<1x128x64xf32, #tpu.memory_space<vmem>> -> memref<128x64xf32, #tpu.memory_space<vmem>>
    %dma_start3A_19 = arith.constant 0 : i32
    %dma_start3A_20 = tpu.memref_slice %arg6[%dma_start3A_13, %dma_start3A_19] : memref<80x128xi32, #tpu.memory_space<vmem>> -> memref<1x128xi32, #tpu.memory_space<vmem>>
    %dma_start3A_21 = tpu.memref_squeeze %dma_start3A_20 : memref<1x128xi32, #tpu.memory_space<vmem>> -> memref<128xi32, #tpu.memory_space<vmem>>
    %dma_start3A_22 = arith.constant 0 : i32
    %dma_start3A_23 = arith.constant 0 : i32
    %dma_start3A_24 = tpu.memref_slice %arg2[%dma_start3A_22, %dma_start3A_23] : memref<10240x64xf32, #tpu.memory_space<hbm>> -> memref<10240x64xf32, #tpu.memory_space<hbm>>
    tpu.enqueue_indirect_dma source(%dma_start3A_24 : memref<10240x64xf32, #tpu.memory_space<hbm>>) target(%dma_start3A_18 : memref<128x64xf32, #tpu.memory_space<vmem>>) offsets(%dma_start3A_21 : memref<128xi32, #tpu.memory_space<vmem>>) semaphore(%arg12 : memref<!tpu.dma_semaphore, #tpu.memory_space<semaphore_mem>>)
    %dma_start3A_25 = arith.constant 2 : i32
    %dma_start3A_26 = arith.constant 2 : i32
    %dma_start3A_27 = arith.constant 0 : i32
    %dma_start3A_28 = arith.constant 0 : i32
    %dma_start3A_29 = tpu.memref_slice %arg8[%dma_start3A_26, %dma_start3A_27, %dma_start3A_28] : memref<4x128x64xf32, #tpu.memory_space<vmem>> -> memref<1x128x64xf32, #tpu.memory_space<vmem>>
    %dma_start3A_30 = tpu.memref_squeeze %dma_start3A_29 : memref<1x128x64xf32, #tpu.memory_space<vmem>> -> memref<128x64xf32, #tpu.memory_space<vmem>>
    %dma_start3A_31 = arith.constant 0 : i32
    %dma_start3A_32 = tpu.memref_slice %arg6[%dma_start3A_25, %dma_start3A_31] : memref<80x128xi32, #tpu.memory_space<vmem>> -> memref<1x128xi32, #tpu.memory_space<vmem>>
    %dma_start3A_33 = tpu.memref_squeeze %dma_start3A_32 : memref<1x128xi32, #tpu.memory_space<vmem>> -> memref<128xi32, #tpu.memory_space<vmem>>
    %dma_start3A_34 = arith.constant 0 : i32
    %dma_start3A_35 = arith.constant 0 : i32
    %dma_start3A_36 = tpu.memref_slice %arg2[%dma_start3A_34, %dma_start3A_35] : memref<10240x64xf32, #tpu.memory_space<hbm>> -> memref<10240x64xf32, #tpu.memory_space<hbm>>
    tpu.enqueue_indirect_dma source(%dma_start3A_36 : memref<10240x64xf32, #tpu.memory_space<hbm>>) target(%dma_start3A_30 : memref<128x64xf32, #tpu.memory_space<vmem>>) offsets(%dma_start3A_33 : memref<128xi32, #tpu.memory_space<vmem>>) semaphore(%arg13 : memref<!tpu.dma_semaphore, #tpu.memory_space<semaphore_mem>>)
    %dma_start3A_37 = arith.constant 3 : i32
    %dma_start3A_38 = arith.constant 3 : i32
    %dma_start3A_39 = arith.constant 0 : i32
    %dma_start3A_40 = arith.constant 0 : i32
    %dma_start3A_41 = tpu.memref_slice %arg8[%dma_start3A_38, %dma_start3A_39, %dma_start3A_40] : memref<4x128x64xf32, #tpu.memory_space<vmem>> -> memref<1x128x64xf32, #tpu.memory_space<vmem>>
    %dma_start3A_42 = tpu.memref_squeeze %dma_start3A_41 : memref<1x128x64xf32, #tpu.memory_space<vmem>> -> memref<128x64xf32, #tpu.memory_space<vmem>>
    %dma_start3A_43 = arith.constant 0 : i32
    %dma_start3A_44 = tpu.memref_slice %arg6[%dma_start3A_37, %dma_start3A_43] : memref<80x128xi32, #tpu.memory_space<vmem>> -> memref<1x128xi32, #tpu.memory_space<vmem>>
    %dma_start3A_45 = tpu.memref_squeeze %dma_start3A_44 : memref<1x128xi32, #tpu.memory_space<vmem>> -> memref<128xi32, #tpu.memory_space<vmem>>
    %dma_start3A_46 = arith.constant 0 : i32
    %dma_start3A_47 = arith.constant 0 : i32
    %dma_start3A_48 = tpu.memref_slice %arg2[%dma_start3A_46, %dma_start3A_47] : memref<10240x64xf32, #tpu.memory_space<hbm>> -> memref<10240x64xf32, #tpu.memory_space<hbm>>
    tpu.enqueue_indirect_dma source(%dma_start3A_48 : memref<10240x64xf32, #tpu.memory_space<hbm>>) target(%dma_start3A_42 : memref<128x64xf32, #tpu.memory_space<vmem>>) offsets(%dma_start3A_45 : memref<128xi32, #tpu.memory_space<vmem>>) semaphore(%arg14 : memref<!tpu.dma_semaphore, #tpu.memory_space<semaphore_mem>>)
    %scan3A = arith.constant 0 : i32
    %scan3A_49 = arith.constant 0 : i32
    %scan3A_50 = arith.constant 512 : i32
    %scan3A_51 = arith.addi %scan3A_49, %scan3A_50 : i32
    %scan3A_52 = arith.constant 1 : i32
    scf.for %scan3A_139 = %scan3A_49 to %scan3A_51 step %scan3A_52  : i32 {
      %jit3A = arith.constant 4 : i32
      %div3A = arith.divsi %scan3A_139, %jit3A : i32
      %sign3A = arith.constant 0 : i32
      %sign3A_140 = arith.cmpi sgt, %scan3A_139, %sign3A : i32
      %sign3A_141 = arith.extui %sign3A_140 : i1 to i32
      %sign3A_142 = arith.constant 0 : i32
      %sign3A_143 = arith.cmpi slt, %scan3A_139, %sign3A_142 : i32
      %sign3A_144 = arith.extui %sign3A_143 : i1 to i32
      %sign3A_145 = arith.subi %sign3A_141, %sign3A_144 : i32
      %sign3A_146 = arith.constant 0 : i32
      %sign3A_147 = arith.cmpi sgt, %jit3A, %sign3A_146 : i32
      %sign3A_148 = arith.extui %sign3A_147 : i1 to i32
      %sign3A_149 = arith.constant 0 : i32
      %sign3A_150 = arith.cmpi slt, %jit3A, %sign3A_149 : i32
      %sign3A_151 = arith.extui %sign3A_150 : i1 to i32
      %sign3A_152 = arith.subi %sign3A_148, %sign3A_151 : i32
      %ne3A = arith.cmpi ne, %sign3A_145, %sign3A_152 : i32
      %rem3A = arith.remsi %scan3A_139, %jit3A : i32
      %ne3A_153 = arith.constant 0 : i32
      %ne3A_154 = arith.cmpi ne, %rem3A, %ne3A_153 : i32
      %and3A = arith.andi %ne3A, %ne3A_154 : i1
      %sub3A = arith.constant 1 : i32
      %sub3A_155 = arith.subi %div3A, %sub3A : i32
      %select_n3A = arith.select %and3A, %sub3A_155, %div3A : i32
      %jit3A_156 = arith.constant 4 : i32
      %eq3A = arith.constant 0 : i32
      %eq3A_157 = arith.cmpi eq, %jit3A_156, %eq3A : i32
      %jit3A_158 = arith.constant 1 : i32
      %select_n3A_159 = arith.select %eq3A_157, %jit3A_158, %jit3A_156 : i32
      %rem3A_160 = arith.remsi %scan3A_139, %select_n3A_159 : i32
      %ne3A_161 = arith.constant 0 : i32
      %ne3A_162 = arith.cmpi ne, %rem3A_160, %ne3A_161 : i32
      %lt3A = arith.constant 0 : i32
      %lt3A_163 = arith.cmpi slt, %rem3A_160, %lt3A : i32
      %lt3A_164 = arith.constant 0 : i32
      %lt3A_165 = arith.cmpi slt, %select_n3A_159, %lt3A_164 : i32
      %ne3A_166 = arith.xori %lt3A_163, %lt3A_165 : i1
      %and3A_167 = arith.andi %ne3A_166, %ne3A_162 : i1
      %add3A_168 = arith.addi %rem3A_160, %select_n3A_159 : i32
      %select_n3A_169 = arith.select %and3A_167, %add3A_168, %rem3A_160 : i32
      %mul3A_170 = arith.constant 16 : i32
      %mul3A_171 = arith.muli %select_n3A_169, %mul3A_170 : i32
      %swap3A = arith.index_cast %select_n3A : i32 to index
      %swap3A_172 = arith.index_cast %mul3A_171 : i32 to index
      %swap3A_173 = tpu.vector_load %arg9[%swap3A, %swap3A_172] {strides = array<i32>} : memref<128x64xf32, #tpu.memory_space<vmem>>, vector<1x16xf32>,
      %swap3A_174 = vector.shape_cast %swap3A_173 : vector<1x16xf32> to vector<16xf32>
      %swap3A_175 = vector.shape_cast %broadcast_in_dim3A_1 : vector<16xf32> to vector<1x16xf32>
      tpu.vector_store %arg9[%swap3A, %swap3A_172], %swap3A_175 {strides = array<i32>} : memref<128x64xf32, #tpu.memory_space<vmem>>, vector<1x16xf32>,
    }
    %scan3A_53 = arith.constant 512 : i32
    %mul3A_54 = arith.constant 640 : i32
    %mul3A_55 = arith.muli %arg1, %mul3A_54 : i32
    %add3A_56 = arith.constant 0 : i32
    %add3A_57 = arith.addi %mul3A_55, %add3A_56 : i32
    "tpu.region"() ({
      %run_scoped3A_139 = tpu.sem_alloc : memref<!tpu.dma_semaphore, #tpu.memory_space<semaphore_mem>>
      %dma_start3A_140 = arith.constant 0 : i32
      %dma_start3A_141 = tpu.memref_slice %arg10[%add3A_57, %dma_start3A_140] : memref<10240x64xf32, #tpu.memory_space<vmem_shared>> -> memref<128x64xf32, #tpu.memory_space<vmem_shared>>
      %dma_start3A_142 = arith.constant 0 : i32
      %dma_start3A_143 = tpu.memref_slice %arg10[%add3A_57, %dma_start3A_142] : memref<10240x64xf32, #tpu.memory_space<vmem_shared>> -> memref<128x64xf32, #tpu.memory_space<vmem_shared>>
      tpu.enqueue_dma source(%arg9 : memref<128x64xf32, #tpu.memory_space<vmem>>) target(%dma_start3A_143 : memref<128x64xf32, #tpu.memory_space<vmem_shared>>) target_semaphore(%run_scoped3A_139 : memref<!tpu.dma_semaphore, #tpu.memory_space<semaphore_mem>>)
      %dma_wait3A_144 = arith.constant 0 : i32
      %dma_wait3A_145 = tpu.memref_slice %arg10[%add3A_57, %dma_wait3A_144] : memref<10240x64xf32, #tpu.memory_space<vmem_shared>> -> memref<128x64xf32, #tpu.memory_space<vmem_shared>>
      %dma_wait3A_146 = arith.constant 0 : i32
      %dma_wait3A_147 = tpu.memref_slice %arg10[%add3A_57, %dma_wait3A_146] : memref<10240x64xf32, #tpu.memory_space<vmem_shared>> -> memref<128x64xf32, #tpu.memory_space<vmem_shared>>
      tpu.wait_dma2 semaphore(%run_scoped3A_139 : memref<!tpu.dma_semaphore, #tpu.memory_space<semaphore_mem>>) src(%arg9 : memref<128x64xf32, #tpu.memory_space<vmem>>) dst(%dma_wait3A_147 : memref<128x64xf32, #tpu.memory_space<vmem_shared>>)
      tpu.yield
    }) : () -> ()
    %mul3A_58 = arith.constant 640 : i32
    %mul3A_59 = arith.muli %arg1, %mul3A_58 : i32
    %add3A_60 = arith.constant 128 : i32
    %add3A_61 = arith.addi %mul3A_59, %add3A_60 : i32
    "tpu.region"() ({
      %run_scoped3A_139 = tpu.sem_alloc : memref<!tpu.dma_semaphore, #tpu.memory_space<semaphore_mem>>
      %dma_start3A_140 = arith.constant 0 : i32
      %dma_start3A_141 = tpu.memref_slice %arg10[%add3A_61, %dma_start3A_140] : memref<10240x64xf32, #tpu.memory_space<vmem_shared>> -> memref<128x64xf32, #tpu.memory_space<vmem_shared>>
      %dma_start3A_142 = arith.constant 0 : i32
      %dma_start3A_143 = tpu.memref_slice %arg10[%add3A_61, %dma_start3A_142] : memref<10240x64xf32, #tpu.memory_space<vmem_shared>> -> memref<128x64xf32, #tpu.memory_space<vmem_shared>>
      tpu.enqueue_dma source(%arg9 : memref<128x64xf32, #tpu.memory_space<vmem>>) target(%dma_start3A_143 : memref<128x64xf32, #tpu.memory_space<vmem_shared>>) target_semaphore(%run_scoped3A_139 : memref<!tpu.dma_semaphore, #tpu.memory_space<semaphore_mem>>)
      %dma_wait3A_144 = arith.constant 0 : i32
      %dma_wait3A_145 = tpu.memref_slice %arg10[%add3A_61, %dma_wait3A_144] : memref<10240x64xf32, #tpu.memory_space<vmem_shared>> -> memref<128x64xf32, #tpu.memory_space<vmem_shared>>
      %dma_wait3A_146 = arith.constant 0 : i32
      %dma_wait3A_147 = tpu.memref_slice %arg10[%add3A_61, %dma_wait3A_146] : memref<10240x64xf32, #tpu.memory_space<vmem_shared>> -> memref<128x64xf32, #tpu.memory_space<vmem_shared>>
      tpu.wait_dma2 semaphore(%run_scoped3A_139 : memref<!tpu.dma_semaphore, #tpu.memory_space<semaphore_mem>>) src(%arg9 : memref<128x64xf32, #tpu.memory_space<vmem>>) dst(%dma_wait3A_147 : memref<128x64xf32, #tpu.memory_space<vmem_shared>>)
      tpu.yield
    }) : () -> ()
    %mul3A_62 = arith.constant 640 : i32
    %mul3A_63 = arith.muli %arg1, %mul3A_62 : i32
    %add3A_64 = arith.constant 256 : i32
    %add3A_65 = arith.addi %mul3A_63, %add3A_64 : i32
    "tpu.region"() ({
      %run_scoped3A_139 = tpu.sem_alloc : memref<!tpu.dma_semaphore, #tpu.memory_space<semaphore_mem>>
      %dma_start3A_140 = arith.constant 0 : i32
      %dma_start3A_141 = tpu.memref_slice %arg10[%add3A_65, %dma_start3A_140] : memref<10240x64xf32, #tpu.memory_space<vmem_shared>> -> memref<128x64xf32, #tpu.memory_space<vmem_shared>>
      %dma_start3A_142 = arith.constant 0 : i32
      %dma_start3A_143 = tpu.memref_slice %arg10[%add3A_65, %dma_start3A_142] : memref<10240x64xf32, #tpu.memory_space<vmem_shared>> -> memref<128x64xf32, #tpu.memory_space<vmem_shared>>
      tpu.enqueue_dma source(%arg9 : memref<128x64xf32, #tpu.memory_space<vmem>>) target(%dma_start3A_143 : memref<128x64xf32, #tpu.memory_space<vmem_shared>>) target_semaphore(%run_scoped3A_139 : memref<!tpu.dma_semaphore, #tpu.memory_space<semaphore_mem>>)
      %dma_wait3A_144 = arith.constant 0 : i32
      %dma_wait3A_145 = tpu.memref_slice %arg10[%add3A_65, %dma_wait3A_144] : memref<10240x64xf32, #tpu.memory_space<vmem_shared>> -> memref<128x64xf32, #tpu.memory_space<vmem_shared>>
      %dma_wait3A_146 = arith.constant 0 : i32
      %dma_wait3A_147 = tpu.memref_slice %arg10[%add3A_65, %dma_wait3A_146] : memref<10240x64xf32, #tpu.memory_space<vmem_shared>> -> memref<128x64xf32, #tpu.memory_space<vmem_shared>>
      tpu.wait_dma2 semaphore(%run_scoped3A_139 : memref<!tpu.dma_semaphore, #tpu.memory_space<semaphore_mem>>) src(%arg9 : memref<128x64xf32, #tpu.memory_space<vmem>>) dst(%dma_wait3A_147 : memref<128x64xf32, #tpu.memory_space<vmem_shared>>)
      tpu.yield
    }) : () -> ()
    %mul3A_66 = arith.constant 640 : i32
    %mul3A_67 = arith.muli %arg1, %mul3A_66 : i32
    %add3A_68 = arith.constant 384 : i32
    %add3A_69 = arith.addi %mul3A_67, %add3A_68 : i32
    "tpu.region"() ({
      %run_scoped3A_139 = tpu.sem_alloc : memref<!tpu.dma_semaphore, #tpu.memory_space<semaphore_mem>>
      %dma_start3A_140 = arith.constant 0 : i32
      %dma_start3A_141 = tpu.memref_slice %arg10[%add3A_69, %dma_start3A_140] : memref<10240x64xf32, #tpu.memory_space<vmem_shared>> -> memref<128x64xf32, #tpu.memory_space<vmem_shared>>
      %dma_start3A_142 = arith.constant 0 : i32
      %dma_start3A_143 = tpu.memref_slice %arg10[%add3A_69, %dma_start3A_142] : memref<10240x64xf32, #tpu.memory_space<vmem_shared>> -> memref<128x64xf32, #tpu.memory_space<vmem_shared>>
      tpu.enqueue_dma source(%arg9 : memref<128x64xf32, #tpu.memory_space<vmem>>) target(%dma_start3A_143 : memref<128x64xf32, #tpu.memory_space<vmem_shared>>) target_semaphore(%run_scoped3A_139 : memref<!tpu.dma_semaphore, #tpu.memory_space<semaphore_mem>>)
      %dma_wait3A_144 = arith.constant 0 : i32
      %dma_wait3A_145 = tpu.memref_slice %arg10[%add3A_69, %dma_wait3A_144] : memref<10240x64xf32, #tpu.memory_space<vmem_shared>> -> memref<128x64xf32, #tpu.memory_space<vmem_shared>>
      %dma_wait3A_146 = arith.constant 0 : i32
      %dma_wait3A_147 = tpu.memref_slice %arg10[%add3A_69, %dma_wait3A_146] : memref<10240x64xf32, #tpu.memory_space<vmem_shared>> -> memref<128x64xf32, #tpu.memory_space<vmem_shared>>
      tpu.wait_dma2 semaphore(%run_scoped3A_139 : memref<!tpu.dma_semaphore, #tpu.memory_space<semaphore_mem>>) src(%arg9 : memref<128x64xf32, #tpu.memory_space<vmem>>) dst(%dma_wait3A_147 : memref<128x64xf32, #tpu.memory_space<vmem_shared>>)
      tpu.yield
    }) : () -> ()
    %mul3A_70 = arith.constant 640 : i32
    %mul3A_71 = arith.muli %arg1, %mul3A_70 : i32
    %add3A_72 = arith.constant 512 : i32
    %add3A_73 = arith.addi %mul3A_71, %add3A_72 : i32
    "tpu.region"() ({
      %run_scoped3A_139 = tpu.sem_alloc : memref<!tpu.dma_semaphore, #tpu.memory_space<semaphore_mem>>
      %dma_start3A_140 = arith.constant 0 : i32
      %dma_start3A_141 = tpu.memref_slice %arg10[%add3A_73, %dma_start3A_140] : memref<10240x64xf32, #tpu.memory_space<vmem_shared>> -> memref<128x64xf32, #tpu.memory_space<vmem_shared>>
      %dma_start3A_142 = arith.constant 0 : i32
      %dma_start3A_143 = tpu.memref_slice %arg10[%add3A_73, %dma_start3A_142] : memref<10240x64xf32, #tpu.memory_space<vmem_shared>> -> memref<128x64xf32, #tpu.memory_space<vmem_shared>>
      tpu.enqueue_dma source(%arg9 : memref<128x64xf32, #tpu.memory_space<vmem>>) target(%dma_start3A_143 : memref<128x64xf32, #tpu.memory_space<vmem_shared>>) target_semaphore(%run_scoped3A_139 : memref<!tpu.dma_semaphore, #tpu.memory_space<semaphore_mem>>)
      %dma_wait3A_144 = arith.constant 0 : i32
      %dma_wait3A_145 = tpu.memref_slice %arg10[%add3A_73, %dma_wait3A_144] : memref<10240x64xf32, #tpu.memory_space<vmem_shared>> -> memref<128x64xf32, #tpu.memory_space<vmem_shared>>
      %dma_wait3A_146 = arith.constant 0 : i32
      %dma_wait3A_147 = tpu.memref_slice %arg10[%add3A_73, %dma_wait3A_146] : memref<10240x64xf32, #tpu.memory_space<vmem_shared>> -> memref<128x64xf32, #tpu.memory_space<vmem_shared>>
      tpu.wait_dma2 semaphore(%run_scoped3A_139 : memref<!tpu.dma_semaphore, #tpu.memory_space<semaphore_mem>>) src(%arg9 : memref<128x64xf32, #tpu.memory_space<vmem>>) dst(%dma_wait3A_147 : memref<128x64xf32, #tpu.memory_space<vmem_shared>>)
      tpu.yield
    }) : () -> ()
    %barrier3A = arith.constant 0 : index
    tpu.barrier barrier_id(%barrier3A)
    %scan3A_74 = arith.constant 0 : i32
    %scan3A_75 = arith.constant 0 : i32
    %scan3A_76 = arith.constant 19 : i32
    %scan3A_77 = arith.addi %scan3A_75, %scan3A_76 : i32
    %scan3A_78 = arith.constant 1 : i32
    scf.for %scan3A_139 = %scan3A_75 to %scan3A_77 step %scan3A_78  : i32 {
      %mul3A_140 = arith.constant 4 : i32
      %mul3A_141 = arith.muli %scan3A_139, %mul3A_140 : i32
      %add3A_142 = arith.constant 0 : i32
      %add3A_143 = arith.addi %mul3A_141, %add3A_142 : i32
      %dma_wait3A_144 = arith.constant 0 : i32
      %dma_wait3A_145 = arith.constant 0 : i32
      %dma_wait3A_146 = arith.constant 0 : i32
      %dma_wait3A_147 = tpu.memref_slice %arg8[%dma_wait3A_144, %dma_wait3A_145, %dma_wait3A_146] : memref<4x128x64xf32, #tpu.memory_space<vmem>> -> memref<1x128x64xf32, #tpu.memory_space<vmem>>
      %dma_wait3A_148 = tpu.memref_squeeze %dma_wait3A_147 : memref<1x128x64xf32, #tpu.memory_space<vmem>> -> memref<128x64xf32, #tpu.memory_space<vmem>>
      %dma_wait3A_149 = arith.constant 0 : i32
      %dma_wait3A_150 = tpu.memref_slice %arg6[%add3A_143, %dma_wait3A_149] : memref<80x128xi32, #tpu.memory_space<vmem>> -> memref<1x128xi32, #tpu.memory_space<vmem>>
      %dma_wait3A_151 = tpu.memref_squeeze %dma_wait3A_150 : memref<1x128xi32, #tpu.memory_space<vmem>> -> memref<128xi32, #tpu.memory_space<vmem>>
      %dma_wait3A_152 = arith.constant 0 : i32
      %dma_wait3A_153 = arith.constant 0 : i32
      %dma_wait3A_154 = tpu.memref_slice %arg2[%dma_wait3A_152, %dma_wait3A_153] : memref<10240x64xf32, #tpu.memory_space<hbm>> -> memref<10240x64xf32, #tpu.memory_space<hbm>>
      tpu.wait_indirect_dma semaphore(%arg11 : memref<!tpu.dma_semaphore, #tpu.memory_space<semaphore_mem>>) src(%dma_wait3A_154 : memref<10240x64xf32, #tpu.memory_space<hbm>>) dst(%dma_wait3A_148 : memref<128x64xf32, #tpu.memory_space<vmem>>)
      %run_scoped3A_155 = arith.constant 0 : i32
      "tpu.region"() ({
        %run_scoped3A_256 = tpu.sem_alloc : memref<!tpu.dma_semaphore, #tpu.memory_space<semaphore_mem>>
        %dma_start3A_257 = arith.constant 0 : i32
        %dma_start3A_258 = arith.constant 0 : i32
        %dma_start3A_259 = tpu.memref_slice %arg8[%run_scoped3A_155, %dma_start3A_257, %dma_start3A_258] : memref<4x128x64xf32, #tpu.memory_space<vmem>> -> memref<1x128x64xf32, #tpu.memory_space<vmem>>
        %dma_start3A_260 = tpu.memref_squeeze %dma_start3A_259 : memref<1x128x64xf32, #tpu.memory_space<vmem>> -> memref<128x64xf32, #tpu.memory_space<vmem>>
        %dma_start3A_261 = arith.constant 0 : i32
        %dma_start3A_262 = tpu.memref_slice %arg7[%add3A_143, %dma_start3A_261] : memref<80x128xi32, #tpu.memory_space<vmem>> -> memref<1x128xi32, #tpu.memory_space<vmem>>
        %dma_start3A_263 = tpu.memref_squeeze %dma_start3A_262 : memref<1x128xi32, #tpu.memory_space<vmem>> -> memref<128xi32, #tpu.memory_space<vmem>>
        %dma_start3A_264 = arith.constant 0 : i32
        %dma_start3A_265 = arith.constant 0 : i32
        %dma_start3A_266 = tpu.memref_slice %arg10[%dma_start3A_264, %dma_start3A_265] : memref<10240x64xf32, #tpu.memory_space<vmem_shared>> -> memref<10240x64xf32, #tpu.memory_space<vmem_shared>>
        tpu.enqueue_indirect_dma source(%dma_start3A_260 : memref<128x64xf32, #tpu.memory_space<vmem>>) target(%dma_start3A_266 : memref<10240x64xf32, #tpu.memory_space<vmem_shared>>) offsets(%dma_start3A_263 : memref<128xi32, #tpu.memory_space<vmem>>) semaphore(%run_scoped3A_256 : memref<!tpu.dma_semaphore, #tpu.memory_space<semaphore_mem>>) {add = true}
        %dma_wait3A_267 = arith.constant 0 : i32
        %dma_wait3A_268 = arith.constant 0 : i32
        %dma_wait3A_269 = tpu.memref_slice %arg8[%run_scoped3A_155, %dma_wait3A_267, %dma_wait3A_268] : memref<4x128x64xf32, #tpu.memory_space<vmem>> -> memref<1x128x64xf32, #tpu.memory_space<vmem>>
        %dma_wait3A_270 = tpu.memref_squeeze %dma_wait3A_269 : memref<1x128x64xf32, #tpu.memory_space<vmem>> -> memref<128x64xf32, #tpu.memory_space<vmem>>
        %dma_wait3A_271 = arith.constant 0 : i32
        %dma_wait3A_272 = tpu.memref_slice %arg7[%add3A_143, %dma_wait3A_271] : memref<80x128xi32, #tpu.memory_space<vmem>> -> memref<1x128xi32, #tpu.memory_space<vmem>>
        %dma_wait3A_273 = tpu.memref_squeeze %dma_wait3A_272 : memref<1x128xi32, #tpu.memory_space<vmem>> -> memref<128xi32, #tpu.memory_space<vmem>>
        %dma_wait3A_274 = arith.constant 0 : i32
        %dma_wait3A_275 = arith.constant 0 : i32
        %dma_wait3A_276 = tpu.memref_slice %arg10[%dma_wait3A_274, %dma_wait3A_275] : memref<10240x64xf32, #tpu.memory_space<vmem_shared>> -> memref<10240x64xf32, #tpu.memory_space<vmem_shared>>
        tpu.wait_indirect_dma semaphore(%run_scoped3A_256 : memref<!tpu.dma_semaphore, #tpu.memory_space<semaphore_mem>>) src(%dma_wait3A_270 : memref<128x64xf32, #tpu.memory_space<vmem>>) dst(%dma_wait3A_276 : memref<10240x64xf32, #tpu.memory_space<vmem_shared>>)
        tpu.yield
      }) : () -> ()
      %add3A_156 = arith.constant 4 : i32
      %add3A_157 = arith.addi %add3A_143, %add3A_156 : i32
      %dma_start3A_158 = arith.constant 0 : i32
      %dma_start3A_159 = arith.constant 0 : i32
      %dma_start3A_160 = arith.constant 0 : i32
      %dma_start3A_161 = tpu.memref_slice %arg8[%dma_start3A_158, %dma_start3A_159, %dma_start3A_160] : memref<4x128x64xf32, #tpu.memory_space<vmem>> -> memref<1x128x64xf32, #tpu.memory_space<vmem>>
      %dma_start3A_162 = tpu.memref_squeeze %dma_start3A_161 : memref<1x128x64xf32, #tpu.memory_space<vmem>> -> memref<128x64xf32, #tpu.memory_space<vmem>>
      %dma_start3A_163 = arith.constant 0 : i32
      %dma_start3A_164 = tpu.memref_slice %arg6[%add3A_157, %dma_start3A_163] : memref<80x128xi32, #tpu.memory_space<vmem>> -> memref<1x128xi32, #tpu.memory_space<vmem>>
      %dma_start3A_165 = tpu.memref_squeeze %dma_start3A_164 : memref<1x128xi32, #tpu.memory_space<vmem>> -> memref<128xi32, #tpu.memory_space<vmem>>
      %dma_start3A_166 = arith.constant 0 : i32
      %dma_start3A_167 = arith.constant 0 : i32
      %dma_start3A_168 = tpu.memref_slice %arg2[%dma_start3A_166, %dma_start3A_167] : memref<10240x64xf32, #tpu.memory_space<hbm>> -> memref<10240x64xf32, #tpu.memory_space<hbm>>
      tpu.enqueue_indirect_dma source(%dma_start3A_168 : memref<10240x64xf32, #tpu.memory_space<hbm>>) target(%dma_start3A_162 : memref<128x64xf32, #tpu.memory_space<vmem>>) offsets(%dma_start3A_165 : memref<128xi32, #tpu.memory_space<vmem>>) semaphore(%arg11 : memref<!tpu.dma_semaphore, #tpu.memory_space<semaphore_mem>>)
      %mul3A_169 = arith.constant 4 : i32
      %mul3A_170 = arith.muli %scan3A_139, %mul3A_169 : i32
      %add3A_171 = arith.constant 1 : i32
      %add3A_172 = arith.addi %mul3A_170, %add3A_171 : i32
      %dma_wait3A_173 = arith.constant 1 : i32
      %dma_wait3A_174 = arith.constant 0 : i32
      %dma_wait3A_175 = arith.constant 0 : i32
      %dma_wait3A_176 = tpu.memref_slice %arg8[%dma_wait3A_173, %dma_wait3A_174, %dma_wait3A_175] : memref<4x128x64xf32, #tpu.memory_space<vmem>> -> memref<1x128x64xf32, #tpu.memory_space<vmem>>
      %dma_wait3A_177 = tpu.memref_squeeze %dma_wait3A_176 : memref<1x128x64xf32, #tpu.memory_space<vmem>> -> memref<128x64xf32, #tpu.memory_space<vmem>>
      %dma_wait3A_178 = arith.constant 0 : i32
      %dma_wait3A_179 = tpu.memref_slice %arg6[%add3A_172, %dma_wait3A_178] : memref<80x128xi32, #tpu.memory_space<vmem>> -> memref<1x128xi32, #tpu.memory_space<vmem>>
      %dma_wait3A_180 = tpu.memref_squeeze %dma_wait3A_179 : memref<1x128xi32, #tpu.memory_space<vmem>> -> memref<128xi32, #tpu.memory_space<vmem>>
      %dma_wait3A_181 = arith.constant 0 : i32
      %dma_wait3A_182 = arith.constant 0 : i32
      %dma_wait3A_183 = tpu.memref_slice %arg2[%dma_wait3A_181, %dma_wait3A_182] : memref<10240x64xf32, #tpu.memory_space<hbm>> -> memref<10240x64xf32, #tpu.memory_space<hbm>>
      tpu.wait_indirect_dma semaphore(%arg12 : memref<!tpu.dma_semaphore, #tpu.memory_space<semaphore_mem>>) src(%dma_wait3A_183 : memref<10240x64xf32, #tpu.memory_space<hbm>>) dst(%dma_wait3A_177 : memref<128x64xf32, #tpu.memory_space<vmem>>)
      %run_scoped3A_184 = arith.constant 1 : i32
      "tpu.region"() ({
        %run_scoped3A_256 = tpu.sem_alloc : memref<!tpu.dma_semaphore, #tpu.memory_space<semaphore_mem>>
        %dma_start3A_257 = arith.constant 0 : i32
        %dma_start3A_258 = arith.constant 0 : i32
        %dma_start3A_259 = tpu.memref_slice %arg8[%run_scoped3A_184, %dma_start3A_257, %dma_start3A_258] : memref<4x128x64xf32, #tpu.memory_space<vmem>> -> memref<1x128x64xf32, #tpu.memory_space<vmem>>
        %dma_start3A_260 = tpu.memref_squeeze %dma_start3A_259 : memref<1x128x64xf32, #tpu.memory_space<vmem>> -> memref<128x64xf32, #tpu.memory_space<vmem>>
        %dma_start3A_261 = arith.constant 0 : i32
        %dma_start3A_262 = tpu.memref_slice %arg7[%add3A_172, %dma_start3A_261] : memref<80x128xi32, #tpu.memory_space<vmem>> -> memref<1x128xi32, #tpu.memory_space<vmem>>
        %dma_start3A_263 = tpu.memref_squeeze %dma_start3A_262 : memref<1x128xi32, #tpu.memory_space<vmem>> -> memref<128xi32, #tpu.memory_space<vmem>>
        %dma_start3A_264 = arith.constant 0 : i32
        %dma_start3A_265 = arith.constant 0 : i32
        %dma_start3A_266 = tpu.memref_slice %arg10[%dma_start3A_264, %dma_start3A_265] : memref<10240x64xf32, #tpu.memory_space<vmem_shared>> -> memref<10240x64xf32, #tpu.memory_space<vmem_shared>>
        tpu.enqueue_indirect_dma source(%dma_start3A_260 : memref<128x64xf32, #tpu.memory_space<vmem>>) target(%dma_start3A_266 : memref<10240x64xf32, #tpu.memory_space<vmem_shared>>) offsets(%dma_start3A_263 : memref<128xi32, #tpu.memory_space<vmem>>) semaphore(%run_scoped3A_256 : memref<!tpu.dma_semaphore, #tpu.memory_space<semaphore_mem>>) {add = true}
        %dma_wait3A_267 = arith.constant 0 : i32
        %dma_wait3A_268 = arith.constant 0 : i32
        %dma_wait3A_269 = tpu.memref_slice %arg8[%run_scoped3A_184, %dma_wait3A_267, %dma_wait3A_268] : memref<4x128x64xf32, #tpu.memory_space<vmem>> -> memref<1x128x64xf32, #tpu.memory_space<vmem>>
        %dma_wait3A_270 = tpu.memref_squeeze %dma_wait3A_269 : memref<1x128x64xf32, #tpu.memory_space<vmem>> -> memref<128x64xf32, #tpu.memory_space<vmem>>
        %dma_wait3A_271 = arith.constant 0 : i32
        %dma_wait3A_272 = tpu.memref_slice %arg7[%add3A_172, %dma_wait3A_271] : memref<80x128xi32, #tpu.memory_space<vmem>> -> memref<1x128xi32, #tpu.memory_space<vmem>>
        %dma_wait3A_273 = tpu.memref_squeeze %dma_wait3A_272 : memref<1x128xi32, #tpu.memory_space<vmem>> -> memref<128xi32, #tpu.memory_space<vmem>>
        %dma_wait3A_274 = arith.constant 0 : i32
        %dma_wait3A_275 = arith.constant 0 : i32
        %dma_wait3A_276 = tpu.memref_slice %arg10[%dma_wait3A_274, %dma_wait3A_275] : memref<10240x64xf32, #tpu.memory_space<vmem_shared>> -> memref<10240x64xf32, #tpu.memory_space<vmem_shared>>
        tpu.wait_indirect_dma semaphore(%run_scoped3A_256 : memref<!tpu.dma_semaphore, #tpu.memory_space<semaphore_mem>>) src(%dma_wait3A_270 : memref<128x64xf32, #tpu.memory_space<vmem>>) dst(%dma_wait3A_276 : memref<10240x64xf32, #tpu.memory_space<vmem_shared>>)
        tpu.yield
      }) : () -> ()
      %add3A_185 = arith.constant 4 : i32
      %add3A_186 = arith.addi %add3A_172, %add3A_185 : i32
      %dma_start3A_187 = arith.constant 1 : i32
      %dma_start3A_188 = arith.constant 0 : i32
      %dma_start3A_189 = arith.constant 0 : i32
      %dma_start3A_190 = tpu.memref_slice %arg8[%dma_start3A_187, %dma_start3A_188, %dma_start3A_189] : memref<4x128x64xf32, #tpu.memory_space<vmem>> -> memref<1x128x64xf32, #tpu.memory_space<vmem>>
      %dma_start3A_191 = tpu.memref_squeeze %dma_start3A_190 : memref<1x128x64xf32, #tpu.memory_space<vmem>> -> memref<128x64xf32, #tpu.memory_space<vmem>>
      %dma_start3A_192 = arith.constant 0 : i32
      %dma_start3A_193 = tpu.memref_slice %arg6[%add3A_186, %dma_start3A_192] : memref<80x128xi32, #tpu.memory_space<vmem>> -> memref<1x128xi32, #tpu.memory_space<vmem>>
      %dma_start3A_194 = tpu.memref_squeeze %dma_start3A_193 : memref<1x128xi32, #tpu.memory_space<vmem>> -> memref<128xi32, #tpu.memory_space<vmem>>
      %dma_start3A_195 = arith.constant 0 : i32
      %dma_start3A_196 = arith.constant 0 : i32
      %dma_start3A_197 = tpu.memref_slice %arg2[%dma_start3A_195, %dma_start3A_196] : memref<10240x64xf32, #tpu.memory_space<hbm>> -> memref<10240x64xf32, #tpu.memory_space<hbm>>
      tpu.enqueue_indirect_dma source(%dma_start3A_197 : memref<10240x64xf32, #tpu.memory_space<hbm>>) target(%dma_start3A_191 : memref<128x64xf32, #tpu.memory_space<vmem>>) offsets(%dma_start3A_194 : memref<128xi32, #tpu.memory_space<vmem>>) semaphore(%arg12 : memref<!tpu.dma_semaphore, #tpu.memory_space<semaphore_mem>>)
      %mul3A_198 = arith.constant 4 : i32
      %mul3A_199 = arith.muli %scan3A_139, %mul3A_198 : i32
      %add3A_200 = arith.constant 2 : i32
      %add3A_201 = arith.addi %mul3A_199, %add3A_200 : i32
      %dma_wait3A_202 = arith.constant 2 : i32
      %dma_wait3A_203 = arith.constant 0 : i32
      %dma_wait3A_204 = arith.constant 0 : i32
      %dma_wait3A_205 = tpu.memref_slice %arg8[%dma_wait3A_202, %dma_wait3A_203, %dma_wait3A_204] : memref<4x128x64xf32, #tpu.memory_space<vmem>> -> memref<1x128x64xf32, #tpu.memory_space<vmem>>
      %dma_wait3A_206 = tpu.memref_squeeze %dma_wait3A_205 : memref<1x128x64xf32, #tpu.memory_space<vmem>> -> memref<128x64xf32, #tpu.memory_space<vmem>>
      %dma_wait3A_207 = arith.constant 0 : i32
      %dma_wait3A_208 = tpu.memref_slice %arg6[%add3A_201, %dma_wait3A_207] : memref<80x128xi32, #tpu.memory_space<vmem>> -> memref<1x128xi32, #tpu.memory_space<vmem>>
      %dma_wait3A_209 = tpu.memref_squeeze %dma_wait3A_208 : memref<1x128xi32, #tpu.memory_space<vmem>> -> memref<128xi32, #tpu.memory_space<vmem>>
      %dma_wait3A_210 = arith.constant 0 : i32
      %dma_wait3A_211 = arith.constant 0 : i32
      %dma_wait3A_212 = tpu.memref_slice %arg2[%dma_wait3A_210, %dma_wait3A_211] : memref<10240x64xf32, #tpu.memory_space<hbm>> -> memref<10240x64xf32, #tpu.memory_space<hbm>>
      tpu.wait_indirect_dma semaphore(%arg13 : memref<!tpu.dma_semaphore, #tpu.memory_space<semaphore_mem>>) src(%dma_wait3A_212 : memref<10240x64xf32, #tpu.memory_space<hbm>>) dst(%dma_wait3A_206 : memref<128x64xf32, #tpu.memory_space<vmem>>)
      %run_scoped3A_213 = arith.constant 2 : i32
      "tpu.region"() ({
        %run_scoped3A_256 = tpu.sem_alloc : memref<!tpu.dma_semaphore, #tpu.memory_space<semaphore_mem>>
        %dma_start3A_257 = arith.constant 0 : i32
        %dma_start3A_258 = arith.constant 0 : i32
        %dma_start3A_259 = tpu.memref_slice %arg8[%run_scoped3A_213, %dma_start3A_257, %dma_start3A_258] : memref<4x128x64xf32, #tpu.memory_space<vmem>> -> memref<1x128x64xf32, #tpu.memory_space<vmem>>
        %dma_start3A_260 = tpu.memref_squeeze %dma_start3A_259 : memref<1x128x64xf32, #tpu.memory_space<vmem>> -> memref<128x64xf32, #tpu.memory_space<vmem>>
        %dma_start3A_261 = arith.constant 0 : i32
        %dma_start3A_262 = tpu.memref_slice %arg7[%add3A_201, %dma_start3A_261] : memref<80x128xi32, #tpu.memory_space<vmem>> -> memref<1x128xi32, #tpu.memory_space<vmem>>
        %dma_start3A_263 = tpu.memref_squeeze %dma_start3A_262 : memref<1x128xi32, #tpu.memory_space<vmem>> -> memref<128xi32, #tpu.memory_space<vmem>>
        %dma_start3A_264 = arith.constant 0 : i32
        %dma_start3A_265 = arith.constant 0 : i32
        %dma_start3A_266 = tpu.memref_slice %arg10[%dma_start3A_264, %dma_start3A_265] : memref<10240x64xf32, #tpu.memory_space<vmem_shared>> -> memref<10240x64xf32, #tpu.memory_space<vmem_shared>>
        tpu.enqueue_indirect_dma source(%dma_start3A_260 : memref<128x64xf32, #tpu.memory_space<vmem>>) target(%dma_start3A_266 : memref<10240x64xf32, #tpu.memory_space<vmem_shared>>) offsets(%dma_start3A_263 : memref<128xi32, #tpu.memory_space<vmem>>) semaphore(%run_scoped3A_256 : memref<!tpu.dma_semaphore, #tpu.memory_space<semaphore_mem>>) {add = true}
        %dma_wait3A_267 = arith.constant 0 : i32
        %dma_wait3A_268 = arith.constant 0 : i32
        %dma_wait3A_269 = tpu.memref_slice %arg8[%run_scoped3A_213, %dma_wait3A_267, %dma_wait3A_268] : memref<4x128x64xf32, #tpu.memory_space<vmem>> -> memref<1x128x64xf32, #tpu.memory_space<vmem>>
        %dma_wait3A_270 = tpu.memref_squeeze %dma_wait3A_269 : memref<1x128x64xf32, #tpu.memory_space<vmem>> -> memref<128x64xf32, #tpu.memory_space<vmem>>
        %dma_wait3A_271 = arith.constant 0 : i32
        %dma_wait3A_272 = tpu.memref_slice %arg7[%add3A_201, %dma_wait3A_271] : memref<80x128xi32, #tpu.memory_space<vmem>> -> memref<1x128xi32, #tpu.memory_space<vmem>>
        %dma_wait3A_273 = tpu.memref_squeeze %dma_wait3A_272 : memref<1x128xi32, #tpu.memory_space<vmem>> -> memref<128xi32, #tpu.memory_space<vmem>>
        %dma_wait3A_274 = arith.constant 0 : i32
        %dma_wait3A_275 = arith.constant 0 : i32
        %dma_wait3A_276 = tpu.memref_slice %arg10[%dma_wait3A_274, %dma_wait3A_275] : memref<10240x64xf32, #tpu.memory_space<vmem_shared>> -> memref<10240x64xf32, #tpu.memory_space<vmem_shared>>
        tpu.wait_indirect_dma semaphore(%run_scoped3A_256 : memref<!tpu.dma_semaphore, #tpu.memory_space<semaphore_mem>>) src(%dma_wait3A_270 : memref<128x64xf32, #tpu.memory_space<vmem>>) dst(%dma_wait3A_276 : memref<10240x64xf32, #tpu.memory_space<vmem_shared>>)
        tpu.yield
      }) : () -> ()
      %add3A_214 = arith.constant 4 : i32
      %add3A_215 = arith.addi %add3A_201, %add3A_214 : i32
      %dma_start3A_216 = arith.constant 2 : i32
      %dma_start3A_217 = arith.constant 0 : i32
      %dma_start3A_218 = arith.constant 0 : i32
      %dma_start3A_219 = tpu.memref_slice %arg8[%dma_start3A_216, %dma_start3A_217, %dma_start3A_218] : memref<4x128x64xf32, #tpu.memory_space<vmem>> -> memref<1x128x64xf32, #tpu.memory_space<vmem>>
      %dma_start3A_220 = tpu.memref_squeeze %dma_start3A_219 : memref<1x128x64xf32, #tpu.memory_space<vmem>> -> memref<128x64xf32, #tpu.memory_space<vmem>>
      %dma_start3A_221 = arith.constant 0 : i32
      %dma_start3A_222 = tpu.memref_slice %arg6[%add3A_215, %dma_start3A_221] : memref<80x128xi32, #tpu.memory_space<vmem>> -> memref<1x128xi32, #tpu.memory_space<vmem>>
      %dma_start3A_223 = tpu.memref_squeeze %dma_start3A_222 : memref<1x128xi32, #tpu.memory_space<vmem>> -> memref<128xi32, #tpu.memory_space<vmem>>
      %dma_start3A_224 = arith.constant 0 : i32
      %dma_start3A_225 = arith.constant 0 : i32
      %dma_start3A_226 = tpu.memref_slice %arg2[%dma_start3A_224, %dma_start3A_225] : memref<10240x64xf32, #tpu.memory_space<hbm>> -> memref<10240x64xf32, #tpu.memory_space<hbm>>
      tpu.enqueue_indirect_dma source(%dma_start3A_226 : memref<10240x64xf32, #tpu.memory_space<hbm>>) target(%dma_start3A_220 : memref<128x64xf32, #tpu.memory_space<vmem>>) offsets(%dma_start3A_223 : memref<128xi32, #tpu.memory_space<vmem>>) semaphore(%arg13 : memref<!tpu.dma_semaphore, #tpu.memory_space<semaphore_mem>>)
      %mul3A_227 = arith.constant 4 : i32
      %mul3A_228 = arith.muli %scan3A_139, %mul3A_227 : i32
      %add3A_229 = arith.constant 3 : i32
      %add3A_230 = arith.addi %mul3A_228, %add3A_229 : i32
      %dma_wait3A_231 = arith.constant 3 : i32
      %dma_wait3A_232 = arith.constant 0 : i32
      %dma_wait3A_233 = arith.constant 0 : i32
      %dma_wait3A_234 = tpu.memref_slice %arg8[%dma_wait3A_231, %dma_wait3A_232, %dma_wait3A_233] : memref<4x128x64xf32, #tpu.memory_space<vmem>> -> memref<1x128x64xf32, #tpu.memory_space<vmem>>
      %dma_wait3A_235 = tpu.memref_squeeze %dma_wait3A_234 : memref<1x128x64xf32, #tpu.memory_space<vmem>> -> memref<128x64xf32, #tpu.memory_space<vmem>>
      %dma_wait3A_236 = arith.constant 0 : i32
      %dma_wait3A_237 = tpu.memref_slice %arg6[%add3A_230, %dma_wait3A_236] : memref<80x128xi32, #tpu.memory_space<vmem>> -> memref<1x128xi32, #tpu.memory_space<vmem>>
      %dma_wait3A_238 = tpu.memref_squeeze %dma_wait3A_237 : memref<1x128xi32, #tpu.memory_space<vmem>> -> memref<128xi32, #tpu.memory_space<vmem>>
      %dma_wait3A_239 = arith.constant 0 : i32
      %dma_wait3A_240 = arith.constant 0 : i32
      %dma_wait3A_241 = tpu.memref_slice %arg2[%dma_wait3A_239, %dma_wait3A_240] : memref<10240x64xf32, #tpu.memory_space<hbm>> -> memref<10240x64xf32, #tpu.memory_space<hbm>>
      tpu.wait_indirect_dma semaphore(%arg14 : memref<!tpu.dma_semaphore, #tpu.memory_space<semaphore_mem>>) src(%dma_wait3A_241 : memref<10240x64xf32, #tpu.memory_space<hbm>>) dst(%dma_wait3A_235 : memref<128x64xf32, #tpu.memory_space<vmem>>)
      %run_scoped3A_242 = arith.constant 3 : i32
      "tpu.region"() ({
        %run_scoped3A_256 = tpu.sem_alloc : memref<!tpu.dma_semaphore, #tpu.memory_space<semaphore_mem>>
        %dma_start3A_257 = arith.constant 0 : i32
        %dma_start3A_258 = arith.constant 0 : i32
        %dma_start3A_259 = tpu.memref_slice %arg8[%run_scoped3A_242, %dma_start3A_257, %dma_start3A_258] : memref<4x128x64xf32, #tpu.memory_space<vmem>> -> memref<1x128x64xf32, #tpu.memory_space<vmem>>
        %dma_start3A_260 = tpu.memref_squeeze %dma_start3A_259 : memref<1x128x64xf32, #tpu.memory_space<vmem>> -> memref<128x64xf32, #tpu.memory_space<vmem>>
        %dma_start3A_261 = arith.constant 0 : i32
        %dma_start3A_262 = tpu.memref_slice %arg7[%add3A_230, %dma_start3A_261] : memref<80x128xi32, #tpu.memory_space<vmem>> -> memref<1x128xi32, #tpu.memory_space<vmem>>
        %dma_start3A_263 = tpu.memref_squeeze %dma_start3A_262 : memref<1x128xi32, #tpu.memory_space<vmem>> -> memref<128xi32, #tpu.memory_space<vmem>>
        %dma_start3A_264 = arith.constant 0 : i32
        %dma_start3A_265 = arith.constant 0 : i32
        %dma_start3A_266 = tpu.memref_slice %arg10[%dma_start3A_264, %dma_start3A_265] : memref<10240x64xf32, #tpu.memory_space<vmem_shared>> -> memref<10240x64xf32, #tpu.memory_space<vmem_shared>>
        tpu.enqueue_indirect_dma source(%dma_start3A_260 : memref<128x64xf32, #tpu.memory_space<vmem>>) target(%dma_start3A_266 : memref<10240x64xf32, #tpu.memory_space<vmem_shared>>) offsets(%dma_start3A_263 : memref<128xi32, #tpu.memory_space<vmem>>) semaphore(%run_scoped3A_256 : memref<!tpu.dma_semaphore, #tpu.memory_space<semaphore_mem>>) {add = true}
        %dma_wait3A_267 = arith.constant 0 : i32
        %dma_wait3A_268 = arith.constant 0 : i32
        %dma_wait3A_269 = tpu.memref_slice %arg8[%run_scoped3A_242, %dma_wait3A_267, %dma_wait3A_268] : memref<4x128x64xf32, #tpu.memory_space<vmem>> -> memref<1x128x64xf32, #tpu.memory_space<vmem>>
        %dma_wait3A_270 = tpu.memref_squeeze %dma_wait3A_269 : memref<1x128x64xf32, #tpu.memory_space<vmem>> -> memref<128x64xf32, #tpu.memory_space<vmem>>
        %dma_wait3A_271 = arith.constant 0 : i32
        %dma_wait3A_272 = tpu.memref_slice %arg7[%add3A_230, %dma_wait3A_271] : memref<80x128xi32, #tpu.memory_space<vmem>> -> memref<1x128xi32, #tpu.memory_space<vmem>>
        %dma_wait3A_273 = tpu.memref_squeeze %dma_wait3A_272 : memref<1x128xi32, #tpu.memory_space<vmem>> -> memref<128xi32, #tpu.memory_space<vmem>>
        %dma_wait3A_274 = arith.constant 0 : i32
        %dma_wait3A_275 = arith.constant 0 : i32
        %dma_wait3A_276 = tpu.memref_slice %arg10[%dma_wait3A_274, %dma_wait3A_275] : memref<10240x64xf32, #tpu.memory_space<vmem_shared>> -> memref<10240x64xf32, #tpu.memory_space<vmem_shared>>
        tpu.wait_indirect_dma semaphore(%run_scoped3A_256 : memref<!tpu.dma_semaphore, #tpu.memory_space<semaphore_mem>>) src(%dma_wait3A_270 : memref<128x64xf32, #tpu.memory_space<vmem>>) dst(%dma_wait3A_276 : memref<10240x64xf32, #tpu.memory_space<vmem_shared>>)
        tpu.yield
      }) : () -> ()
      %add3A_243 = arith.constant 4 : i32
      %add3A_244 = arith.addi %add3A_230, %add3A_243 : i32
      %dma_start3A_245 = arith.constant 3 : i32
      %dma_start3A_246 = arith.constant 0 : i32
      %dma_start3A_247 = arith.constant 0 : i32
      %dma_start3A_248 = tpu.memref_slice %arg8[%dma_start3A_245, %dma_start3A_246, %dma_start3A_247] : memref<4x128x64xf32, #tpu.memory_space<vmem>> -> memref<1x128x64xf32, #tpu.memory_space<vmem>>
      %dma_start3A_249 = tpu.memref_squeeze %dma_start3A_248 : memref<1x128x64xf32, #tpu.memory_space<vmem>> -> memref<128x64xf32, #tpu.memory_space<vmem>>
      %dma_start3A_250 = arith.constant 0 : i32
      %dma_start3A_251 = tpu.memref_slice %arg6[%add3A_244, %dma_start3A_250] : memref<80x128xi32, #tpu.memory_space<vmem>> -> memref<1x128xi32, #tpu.memory_space<vmem>>
      %dma_start3A_252 = tpu.memref_squeeze %dma_start3A_251 : memref<1x128xi32, #tpu.memory_space<vmem>> -> memref<128xi32, #tpu.memory_space<vmem>>
      %dma_start3A_253 = arith.constant 0 : i32
      %dma_start3A_254 = arith.constant 0 : i32
      %dma_start3A_255 = tpu.memref_slice %arg2[%dma_start3A_253, %dma_start3A_254] : memref<10240x64xf32, #tpu.memory_space<hbm>> -> memref<10240x64xf32, #tpu.memory_space<hbm>>
      tpu.enqueue_indirect_dma source(%dma_start3A_255 : memref<10240x64xf32, #tpu.memory_space<hbm>>) target(%dma_start3A_249 : memref<128x64xf32, #tpu.memory_space<vmem>>) offsets(%dma_start3A_252 : memref<128xi32, #tpu.memory_space<vmem>>) semaphore(%arg14 : memref<!tpu.dma_semaphore, #tpu.memory_space<semaphore_mem>>)
    }
    %scan3A_79 = arith.constant 19 : i32
    %dma_wait3A = arith.constant 76 : i32
    %dma_wait3A_80 = arith.constant 0 : i32
    %dma_wait3A_81 = arith.constant 0 : i32
    %dma_wait3A_82 = arith.constant 0 : i32
    %dma_wait3A_83 = tpu.memref_slice %arg8[%dma_wait3A_80, %dma_wait3A_81, %dma_wait3A_82] : memref<4x128x64xf32, #tpu.memory_space<vmem>> -> memref<1x128x64xf32, #tpu.memory_space<vmem>>
    %dma_wait3A_84 = tpu.memref_squeeze %dma_wait3A_83 : memref<1x128x64xf32, #tpu.memory_space<vmem>> -> memref<128x64xf32, #tpu.memory_space<vmem>>
    %dma_wait3A_85 = arith.constant 0 : i32
    %dma_wait3A_86 = tpu.memref_slice %arg6[%dma_wait3A, %dma_wait3A_85] : memref<80x128xi32, #tpu.memory_space<vmem>> -> memref<1x128xi32, #tpu.memory_space<vmem>>
    %dma_wait3A_87 = tpu.memref_squeeze %dma_wait3A_86 : memref<1x128xi32, #tpu.memory_space<vmem>> -> memref<128xi32, #tpu.memory_space<vmem>>
    %dma_wait3A_88 = arith.constant 0 : i32
    %dma_wait3A_89 = arith.constant 0 : i32
    %dma_wait3A_90 = tpu.memref_slice %arg2[%dma_wait3A_88, %dma_wait3A_89] : memref<10240x64xf32, #tpu.memory_space<hbm>> -> memref<10240x64xf32, #tpu.memory_space<hbm>>
    tpu.wait_indirect_dma semaphore(%arg11 : memref<!tpu.dma_semaphore, #tpu.memory_space<semaphore_mem>>) src(%dma_wait3A_90 : memref<10240x64xf32, #tpu.memory_space<hbm>>) dst(%dma_wait3A_84 : memref<128x64xf32, #tpu.memory_space<vmem>>)
    %run_scoped3A = arith.constant 0 : i32
    %run_scoped3A_91 = arith.constant 76 : i32
    "tpu.region"() ({
      %run_scoped3A_139 = tpu.sem_alloc : memref<!tpu.dma_semaphore, #tpu.memory_space<semaphore_mem>>
      %dma_start3A_140 = arith.constant 0 : i32
      %dma_start3A_141 = arith.constant 0 : i32
      %dma_start3A_142 = tpu.memref_slice %arg8[%run_scoped3A, %dma_start3A_140, %dma_start3A_141] : memref<4x128x64xf32, #tpu.memory_space<vmem>> -> memref<1x128x64xf32, #tpu.memory_space<vmem>>
      %dma_start3A_143 = tpu.memref_squeeze %dma_start3A_142 : memref<1x128x64xf32, #tpu.memory_space<vmem>> -> memref<128x64xf32, #tpu.memory_space<vmem>>
      %dma_start3A_144 = arith.constant 0 : i32
      %dma_start3A_145 = tpu.memref_slice %arg7[%run_scoped3A_91, %dma_start3A_144] : memref<80x128xi32, #tpu.memory_space<vmem>> -> memref<1x128xi32, #tpu.memory_space<vmem>>
      %dma_start3A_146 = tpu.memref_squeeze %dma_start3A_145 : memref<1x128xi32, #tpu.memory_space<vmem>> -> memref<128xi32, #tpu.memory_space<vmem>>
      %dma_start3A_147 = arith.constant 0 : i32
      %dma_start3A_148 = arith.constant 0 : i32
      %dma_start3A_149 = tpu.memref_slice %arg10[%dma_start3A_147, %dma_start3A_148] : memref<10240x64xf32, #tpu.memory_space<vmem_shared>> -> memref<10240x64xf32, #tpu.memory_space<vmem_shared>>
      tpu.enqueue_indirect_dma source(%dma_start3A_143 : memref<128x64xf32, #tpu.memory_space<vmem>>) target(%dma_start3A_149 : memref<10240x64xf32, #tpu.memory_space<vmem_shared>>) offsets(%dma_start3A_146 : memref<128xi32, #tpu.memory_space<vmem>>) semaphore(%run_scoped3A_139 : memref<!tpu.dma_semaphore, #tpu.memory_space<semaphore_mem>>) {add = true}
      %dma_wait3A_150 = arith.constant 0 : i32
      %dma_wait3A_151 = arith.constant 0 : i32
      %dma_wait3A_152 = tpu.memref_slice %arg8[%run_scoped3A, %dma_wait3A_150, %dma_wait3A_151] : memref<4x128x64xf32, #tpu.memory_space<vmem>> -> memref<1x128x64xf32, #tpu.memory_space<vmem>>
      %dma_wait3A_153 = tpu.memref_squeeze %dma_wait3A_152 : memref<1x128x64xf32, #tpu.memory_space<vmem>> -> memref<128x64xf32, #tpu.memory_space<vmem>>
      %dma_wait3A_154 = arith.constant 0 : i32
      %dma_wait3A_155 = tpu.memref_slice %arg7[%run_scoped3A_91, %dma_wait3A_154] : memref<80x128xi32, #tpu.memory_space<vmem>> -> memref<1x128xi32, #tpu.memory_space<vmem>>
      %dma_wait3A_156 = tpu.memref_squeeze %dma_wait3A_155 : memref<1x128xi32, #tpu.memory_space<vmem>> -> memref<128xi32, #tpu.memory_space<vmem>>
      %dma_wait3A_157 = arith.constant 0 : i32
      %dma_wait3A_158 = arith.constant 0 : i32
      %dma_wait3A_159 = tpu.memref_slice %arg10[%dma_wait3A_157, %dma_wait3A_158] : memref<10240x64xf32, #tpu.memory_space<vmem_shared>> -> memref<10240x64xf32, #tpu.memory_space<vmem_shared>>
      tpu.wait_indirect_dma semaphore(%run_scoped3A_139 : memref<!tpu.dma_semaphore, #tpu.memory_space<semaphore_mem>>) src(%dma_wait3A_153 : memref<128x64xf32, #tpu.memory_space<vmem>>) dst(%dma_wait3A_159 : memref<10240x64xf32, #tpu.memory_space<vmem_shared>>)
      tpu.yield
    }) : () -> ()
    %dma_wait3A_92 = arith.constant 77 : i32
    %dma_wait3A_93 = arith.constant 1 : i32
    %dma_wait3A_94 = arith.constant 0 : i32
    %dma_wait3A_95 = arith.constant 0 : i32
    %dma_wait3A_96 = tpu.memref_slice %arg8[%dma_wait3A_93, %dma_wait3A_94, %dma_wait3A_95] : memref<4x128x64xf32, #tpu.memory_space<vmem>> -> memref<1x128x64xf32, #tpu.memory_space<vmem>>
    %dma_wait3A_97 = tpu.memref_squeeze %dma_wait3A_96 : memref<1x128x64xf32, #tpu.memory_space<vmem>> -> memref<128x64xf32, #tpu.memory_space<vmem>>
    %dma_wait3A_98 = arith.constant 0 : i32
    %dma_wait3A_99 = tpu.memref_slice %arg6[%dma_wait3A_92, %dma_wait3A_98] : memref<80x128xi32, #tpu.memory_space<vmem>> -> memref<1x128xi32, #tpu.memory_space<vmem>>
    %dma_wait3A_100 = tpu.memref_squeeze %dma_wait3A_99 : memref<1x128xi32, #tpu.memory_space<vmem>> -> memref<128xi32, #tpu.memory_space<vmem>>
    %dma_wait3A_101 = arith.constant 0 : i32
    %dma_wait3A_102 = arith.constant 0 : i32
    %dma_wait3A_103 = tpu.memref_slice %arg2[%dma_wait3A_101, %dma_wait3A_102] : memref<10240x64xf32, #tpu.memory_space<hbm>> -> memref<10240x64xf32, #tpu.memory_space<hbm>>
    tpu.wait_indirect_dma semaphore(%arg12 : memref<!tpu.dma_semaphore, #tpu.memory_space<semaphore_mem>>) src(%dma_wait3A_103 : memref<10240x64xf32, #tpu.memory_space<hbm>>) dst(%dma_wait3A_97 : memref<128x64xf32, #tpu.memory_space<vmem>>)
    %run_scoped3A_104 = arith.constant 1 : i32
    %run_scoped3A_105 = arith.constant 77 : i32
    "tpu.region"() ({
      %run_scoped3A_139 = tpu.sem_alloc : memref<!tpu.dma_semaphore, #tpu.memory_space<semaphore_mem>>
      %dma_start3A_140 = arith.constant 0 : i32
      %dma_start3A_141 = arith.constant 0 : i32
      %dma_start3A_142 = tpu.memref_slice %arg8[%run_scoped3A_104, %dma_start3A_140, %dma_start3A_141] : memref<4x128x64xf32, #tpu.memory_space<vmem>> -> memref<1x128x64xf32, #tpu.memory_space<vmem>>
      %dma_start3A_143 = tpu.memref_squeeze %dma_start3A_142 : memref<1x128x64xf32, #tpu.memory_space<vmem>> -> memref<128x64xf32, #tpu.memory_space<vmem>>
      %dma_start3A_144 = arith.constant 0 : i32
      %dma_start3A_145 = tpu.memref_slice %arg7[%run_scoped3A_105, %dma_start3A_144] : memref<80x128xi32, #tpu.memory_space<vmem>> -> memref<1x128xi32, #tpu.memory_space<vmem>>
      %dma_start3A_146 = tpu.memref_squeeze %dma_start3A_145 : memref<1x128xi32, #tpu.memory_space<vmem>> -> memref<128xi32, #tpu.memory_space<vmem>>
      %dma_start3A_147 = arith.constant 0 : i32
      %dma_start3A_148 = arith.constant 0 : i32
      %dma_start3A_149 = tpu.memref_slice %arg10[%dma_start3A_147, %dma_start3A_148] : memref<10240x64xf32, #tpu.memory_space<vmem_shared>> -> memref<10240x64xf32, #tpu.memory_space<vmem_shared>>
      tpu.enqueue_indirect_dma source(%dma_start3A_143 : memref<128x64xf32, #tpu.memory_space<vmem>>) target(%dma_start3A_149 : memref<10240x64xf32, #tpu.memory_space<vmem_shared>>) offsets(%dma_start3A_146 : memref<128xi32, #tpu.memory_space<vmem>>) semaphore(%run_scoped3A_139 : memref<!tpu.dma_semaphore, #tpu.memory_space<semaphore_mem>>) {add = true}
      %dma_wait3A_150 = arith.constant 0 : i32
      %dma_wait3A_151 = arith.constant 0 : i32
      %dma_wait3A_152 = tpu.memref_slice %arg8[%run_scoped3A_104, %dma_wait3A_150, %dma_wait3A_151] : memref<4x128x64xf32, #tpu.memory_space<vmem>> -> memref<1x128x64xf32, #tpu.memory_space<vmem>>
      %dma_wait3A_153 = tpu.memref_squeeze %dma_wait3A_152 : memref<1x128x64xf32, #tpu.memory_space<vmem>> -> memref<128x64xf32, #tpu.memory_space<vmem>>
      %dma_wait3A_154 = arith.constant 0 : i32
      %dma_wait3A_155 = tpu.memref_slice %arg7[%run_scoped3A_105, %dma_wait3A_154] : memref<80x128xi32, #tpu.memory_space<vmem>> -> memref<1x128xi32, #tpu.memory_space<vmem>>
      %dma_wait3A_156 = tpu.memref_squeeze %dma_wait3A_155 : memref<1x128xi32, #tpu.memory_space<vmem>> -> memref<128xi32, #tpu.memory_space<vmem>>
      %dma_wait3A_157 = arith.constant 0 : i32
      %dma_wait3A_158 = arith.constant 0 : i32
      %dma_wait3A_159 = tpu.memref_slice %arg10[%dma_wait3A_157, %dma_wait3A_158] : memref<10240x64xf32, #tpu.memory_space<vmem_shared>> -> memref<10240x64xf32, #tpu.memory_space<vmem_shared>>
      tpu.wait_indirect_dma semaphore(%run_scoped3A_139 : memref<!tpu.dma_semaphore, #tpu.memory_space<semaphore_mem>>) src(%dma_wait3A_153 : memref<128x64xf32, #tpu.memory_space<vmem>>) dst(%dma_wait3A_159 : memref<10240x64xf32, #tpu.memory_space<vmem_shared>>)
      tpu.yield
    }) : () -> ()
    %dma_wait3A_106 = arith.constant 78 : i32
    %dma_wait3A_107 = arith.constant 2 : i32
    %dma_wait3A_108 = arith.constant 0 : i32
    %dma_wait3A_109 = arith.constant 0 : i32
    %dma_wait3A_110 = tpu.memref_slice %arg8[%dma_wait3A_107, %dma_wait3A_108, %dma_wait3A_109] : memref<4x128x64xf32, #tpu.memory_space<vmem>> -> memref<1x128x64xf32, #tpu.memory_space<vmem>>
    %dma_wait3A_111 = tpu.memref_squeeze %dma_wait3A_110 : memref<1x128x64xf32, #tpu.memory_space<vmem>> -> memref<128x64xf32, #tpu.memory_space<vmem>>
    %dma_wait3A_112 = arith.constant 0 : i32
    %dma_wait3A_113 = tpu.memref_slice %arg6[%dma_wait3A_106, %dma_wait3A_112] : memref<80x128xi32, #tpu.memory_space<vmem>> -> memref<1x128xi32, #tpu.memory_space<vmem>>
    %dma_wait3A_114 = tpu.memref_squeeze %dma_wait3A_113 : memref<1x128xi32, #tpu.memory_space<vmem>> -> memref<128xi32, #tpu.memory_space<vmem>>
    %dma_wait3A_115 = arith.constant 0 : i32
    %dma_wait3A_116 = arith.constant 0 : i32
    %dma_wait3A_117 = tpu.memref_slice %arg2[%dma_wait3A_115, %dma_wait3A_116] : memref<10240x64xf32, #tpu.memory_space<hbm>> -> memref<10240x64xf32, #tpu.memory_space<hbm>>
    tpu.wait_indirect_dma semaphore(%arg13 : memref<!tpu.dma_semaphore, #tpu.memory_space<semaphore_mem>>) src(%dma_wait3A_117 : memref<10240x64xf32, #tpu.memory_space<hbm>>) dst(%dma_wait3A_111 : memref<128x64xf32, #tpu.memory_space<vmem>>)
    %run_scoped3A_118 = arith.constant 2 : i32
    %run_scoped3A_119 = arith.constant 78 : i32
    "tpu.region"() ({
      %run_scoped3A_139 = tpu.sem_alloc : memref<!tpu.dma_semaphore, #tpu.memory_space<semaphore_mem>>
      %dma_start3A_140 = arith.constant 0 : i32
      %dma_start3A_141 = arith.constant 0 : i32
      %dma_start3A_142 = tpu.memref_slice %arg8[%run_scoped3A_118, %dma_start3A_140, %dma_start3A_141] : memref<4x128x64xf32, #tpu.memory_space<vmem>> -> memref<1x128x64xf32, #tpu.memory_space<vmem>>
      %dma_start3A_143 = tpu.memref_squeeze %dma_start3A_142 : memref<1x128x64xf32, #tpu.memory_space<vmem>> -> memref<128x64xf32, #tpu.memory_space<vmem>>
      %dma_start3A_144 = arith.constant 0 : i32
      %dma_start3A_145 = tpu.memref_slice %arg7[%run_scoped3A_119, %dma_start3A_144] : memref<80x128xi32, #tpu.memory_space<vmem>> -> memref<1x128xi32, #tpu.memory_space<vmem>>
      %dma_start3A_146 = tpu.memref_squeeze %dma_start3A_145 : memref<1x128xi32, #tpu.memory_space<vmem>> -> memref<128xi32, #tpu.memory_space<vmem>>
      %dma_start3A_147 = arith.constant 0 : i32
      %dma_start3A_148 = arith.constant 0 : i32
      %dma_start3A_149 = tpu.memref_slice %arg10[%dma_start3A_147, %dma_start3A_148] : memref<10240x64xf32, #tpu.memory_space<vmem_shared>> -> memref<10240x64xf32, #tpu.memory_space<vmem_shared>>
      tpu.enqueue_indirect_dma source(%dma_start3A_143 : memref<128x64xf32, #tpu.memory_space<vmem>>) target(%dma_start3A_149 : memref<10240x64xf32, #tpu.memory_space<vmem_shared>>) offsets(%dma_start3A_146 : memref<128xi32, #tpu.memory_space<vmem>>) semaphore(%run_scoped3A_139 : memref<!tpu.dma_semaphore, #tpu.memory_space<semaphore_mem>>) {add = true}
      %dma_wait3A_150 = arith.constant 0 : i32
      %dma_wait3A_151 = arith.constant 0 : i32
      %dma_wait3A_152 = tpu.memref_slice %arg8[%run_scoped3A_118, %dma_wait3A_150, %dma_wait3A_151] : memref<4x128x64xf32, #tpu.memory_space<vmem>> -> memref<1x128x64xf32, #tpu.memory_space<vmem>>
      %dma_wait3A_153 = tpu.memref_squeeze %dma_wait3A_152 : memref<1x128x64xf32, #tpu.memory_space<vmem>> -> memref<128x64xf32, #tpu.memory_space<vmem>>
      %dma_wait3A_154 = arith.constant 0 : i32
      %dma_wait3A_155 = tpu.memref_slice %arg7[%run_scoped3A_119, %dma_wait3A_154] : memref<80x128xi32, #tpu.memory_space<vmem>> -> memref<1x128xi32, #tpu.memory_space<vmem>>
      %dma_wait3A_156 = tpu.memref_squeeze %dma_wait3A_155 : memref<1x128xi32, #tpu.memory_space<vmem>> -> memref<128xi32, #tpu.memory_space<vmem>>
      %dma_wait3A_157 = arith.constant 0 : i32
      %dma_wait3A_158 = arith.constant 0 : i32
      %dma_wait3A_159 = tpu.memref_slice %arg10[%dma_wait3A_157, %dma_wait3A_158] : memref<10240x64xf32, #tpu.memory_space<vmem_shared>> -> memref<10240x64xf32, #tpu.memory_space<vmem_shared>>
      tpu.wait_indirect_dma semaphore(%run_scoped3A_139 : memref<!tpu.dma_semaphore, #tpu.memory_space<semaphore_mem>>) src(%dma_wait3A_153 : memref<128x64xf32, #tpu.memory_space<vmem>>) dst(%dma_wait3A_159 : memref<10240x64xf32, #tpu.memory_space<vmem_shared>>)
      tpu.yield
    }) : () -> ()
    %dma_wait3A_120 = arith.constant 79 : i32
    %dma_wait3A_121 = arith.constant 3 : i32
    %dma_wait3A_122 = arith.constant 0 : i32
    %dma_wait3A_123 = arith.constant 0 : i32
    %dma_wait3A_124 = tpu.memref_slice %arg8[%dma_wait3A_121, %dma_wait3A_122, %dma_wait3A_123] : memref<4x128x64xf32, #tpu.memory_space<vmem>> -> memref<1x128x64xf32, #tpu.memory_space<vmem>>
    %dma_wait3A_125 = tpu.memref_squeeze %dma_wait3A_124 : memref<1x128x64xf32, #tpu.memory_space<vmem>> -> memref<128x64xf32, #tpu.memory_space<vmem>>
    %dma_wait3A_126 = arith.constant 0 : i32
    %dma_wait3A_127 = tpu.memref_slice %arg6[%dma_wait3A_120, %dma_wait3A_126] : memref<80x128xi32, #tpu.memory_space<vmem>> -> memref<1x128xi32, #tpu.memory_space<vmem>>
    %dma_wait3A_128 = tpu.memref_squeeze %dma_wait3A_127 : memref<1x128xi32, #tpu.memory_space<vmem>> -> memref<128xi32, #tpu.memory_space<vmem>>
    %dma_wait3A_129 = arith.constant 0 : i32
    %dma_wait3A_130 = arith.constant 0 : i32
    %dma_wait3A_131 = tpu.memref_slice %arg2[%dma_wait3A_129, %dma_wait3A_130] : memref<10240x64xf32, #tpu.memory_space<hbm>> -> memref<10240x64xf32, #tpu.memory_space<hbm>>
    tpu.wait_indirect_dma semaphore(%arg14 : memref<!tpu.dma_semaphore, #tpu.memory_space<semaphore_mem>>) src(%dma_wait3A_131 : memref<10240x64xf32, #tpu.memory_space<hbm>>) dst(%dma_wait3A_125 : memref<128x64xf32, #tpu.memory_space<vmem>>)
    %run_scoped3A_132 = arith.constant 3 : i32
    %run_scoped3A_133 = arith.constant 79 : i32
    "tpu.region"() ({
      %run_scoped3A_139 = tpu.sem_alloc : memref<!tpu.dma_semaphore, #tpu.memory_space<semaphore_mem>>
      %dma_start3A_140 = arith.constant 0 : i32
      %dma_start3A_141 = arith.constant 0 : i32
      %dma_start3A_142 = tpu.memref_slice %arg8[%run_scoped3A_132, %dma_start3A_140, %dma_start3A_141] : memref<4x128x64xf32, #tpu.memory_space<vmem>> -> memref<1x128x64xf32, #tpu.memory_space<vmem>>
      %dma_start3A_143 = tpu.memref_squeeze %dma_start3A_142 : memref<1x128x64xf32, #tpu.memory_space<vmem>> -> memref<128x64xf32, #tpu.memory_space<vmem>>
      %dma_start3A_144 = arith.constant 0 : i32
      %dma_start3A_145 = tpu.memref_slice %arg7[%run_scoped3A_133, %dma_start3A_144] : memref<80x128xi32, #tpu.memory_space<vmem>> -> memref<1x128xi32, #tpu.memory_space<vmem>>
      %dma_start3A_146 = tpu.memref_squeeze %dma_start3A_145 : memref<1x128xi32, #tpu.memory_space<vmem>> -> memref<128xi32, #tpu.memory_space<vmem>>
      %dma_start3A_147 = arith.constant 0 : i32
      %dma_start3A_148 = arith.constant 0 : i32
      %dma_start3A_149 = tpu.memref_slice %arg10[%dma_start3A_147, %dma_start3A_148] : memref<10240x64xf32, #tpu.memory_space<vmem_shared>> -> memref<10240x64xf32, #tpu.memory_space<vmem_shared>>
      tpu.enqueue_indirect_dma source(%dma_start3A_143 : memref<128x64xf32, #tpu.memory_space<vmem>>) target(%dma_start3A_149 : memref<10240x64xf32, #tpu.memory_space<vmem_shared>>) offsets(%dma_start3A_146 : memref<128xi32, #tpu.memory_space<vmem>>) semaphore(%run_scoped3A_139 : memref<!tpu.dma_semaphore, #tpu.memory_space<semaphore_mem>>) {add = true}
      %dma_wait3A_150 = arith.constant 0 : i32
      %dma_wait3A_151 = arith.constant 0 : i32
      %dma_wait3A_152 = tpu.memref_slice %arg8[%run_scoped3A_132, %dma_wait3A_150, %dma_wait3A_151] : memref<4x128x64xf32, #tpu.memory_space<vmem>> -> memref<1x128x64xf32, #tpu.memory_space<vmem>>
      %dma_wait3A_153 = tpu.memref_squeeze %dma_wait3A_152 : memref<1x128x64xf32, #tpu.memory_space<vmem>> -> memref<128x64xf32, #tpu.memory_space<vmem>>
      %dma_wait3A_154 = arith.constant 0 : i32
      %dma_wait3A_155 = tpu.memref_slice %arg7[%run_scoped3A_133, %dma_wait3A_154] : memref<80x128xi32, #tpu.memory_space<vmem>> -> memref<1x128xi32, #tpu.memory_space<vmem>>
      %dma_wait3A_156 = tpu.memref_squeeze %dma_wait3A_155 : memref<1x128xi32, #tpu.memory_space<vmem>> -> memref<128xi32, #tpu.memory_space<vmem>>
      %dma_wait3A_157 = arith.constant 0 : i32
      %dma_wait3A_158 = arith.constant 0 : i32
      %dma_wait3A_159 = tpu.memref_slice %arg10[%dma_wait3A_157, %dma_wait3A_158] : memref<10240x64xf32, #tpu.memory_space<vmem_shared>> -> memref<10240x64xf32, #tpu.memory_space<vmem_shared>>
      tpu.wait_indirect_dma semaphore(%run_scoped3A_139 : memref<!tpu.dma_semaphore, #tpu.memory_space<semaphore_mem>>) src(%dma_wait3A_153 : memref<128x64xf32, #tpu.memory_space<vmem>>) dst(%dma_wait3A_159 : memref<10240x64xf32, #tpu.memory_space<vmem_shared>>)
      tpu.yield
    }) : () -> ()
    %barrier3A_134 = arith.constant 0 : index
    tpu.barrier barrier_id(%barrier3A_134)
    %mul3A_135 = arith.constant 640 : i32
    %mul3A_136 = arith.muli %arg1, %mul3A_135 : i32
    %mul3A_137 = arith.constant 640 : i32
    %mul3A_138 = arith.muli %arg1, %mul3A_137 : i32
    "tpu.region"() ({
      %run_scoped3A_139 = tpu.sem_alloc : memref<!tpu.dma_semaphore, #tpu.memory_space<semaphore_mem>>
      %dma_start3A_140 = arith.constant 0 : i32
      %dma_start3A_141 = tpu.memref_slice %arg5[%arg0, %mul3A_138, %dma_start3A_140] : memref<2x10240x64xf32, #tpu.memory_space<hbm>> -> memref<1x640x64xf32, #tpu.memory_space<hbm>>
      %dma_start3A_142 = tpu.memref_squeeze %dma_start3A_141 : memref<1x640x64xf32, #tpu.memory_space<hbm>> -> memref<640x64xf32, #tpu.memory_space<hbm>>
      %dma_start3A_143 = arith.constant 0 : i32
      %dma_start3A_144 = tpu.memref_slice %arg10[%mul3A_136, %dma_start3A_143] : memref<10240x64xf32, #tpu.memory_space<vmem_shared>> -> memref<640x64xf32, #tpu.memory_space<vmem_shared>>
      tpu.enqueue_dma source(%dma_start3A_144 : memref<640x64xf32, #tpu.memory_space<vmem_shared>>) target(%dma_start3A_142 : memref<640x64xf32, #tpu.memory_space<hbm>>) target_semaphore(%run_scoped3A_139 : memref<!tpu.dma_semaphore, #tpu.memory_space<semaphore_mem>>)
      %dma_wait3A_145 = arith.constant 0 : i32
      %dma_wait3A_146 = tpu.memref_slice %arg5[%arg0, %mul3A_138, %dma_wait3A_145] : memref<2x10240x64xf32, #tpu.memory_space<hbm>> -> memref<1x640x64xf32, #tpu.memory_space<hbm>>
      %dma_wait3A_147 = tpu.memref_squeeze %dma_wait3A_146 : memref<1x640x64xf32, #tpu.memory_space<hbm>> -> memref<640x64xf32, #tpu.memory_space<hbm>>
      %dma_wait3A_148 = arith.constant 0 : i32
      %dma_wait3A_149 = tpu.memref_slice %arg10[%mul3A_136, %dma_wait3A_148] : memref<10240x64xf32, #tpu.memory_space<vmem_shared>> -> memref<640x64xf32, #tpu.memory_space<vmem_shared>>
      tpu.wait_dma2 semaphore(%run_scoped3A_139 : memref<!tpu.dma_semaphore, #tpu.memory_space<semaphore_mem>>) src(%dma_wait3A_149 : memref<640x64xf32, #tpu.memory_space<vmem_shared>>) dst(%dma_wait3A_147 : memref<640x64xf32, #tpu.memory_space<hbm>>)
      tpu.yield
    }) : () -> ()
    return
  }
}

#map = affine_map<(d0, d1) -> (0, 0)>
#map1 = affine_map<(d0, d1) -> (0, 0, 0)>
module attributes {stable_mosaic.version = 14 : i64} {
  func.func @_scatter_kernel(%arg0: i32, %arg1: i32, %arg2: memref<10240x64xf32, #tpu.memory_space<hbm>>, %arg3: memref<10240x64xf32, #tpu.memory_space<hbm>>, %arg4: memref<32x80x128xi32, #tpu.memory_space<hbm>>, %arg5: memref<32x80x128xi32, #tpu.memory_space<hbm>>, %arg6: memref<2x10240x64xf32, #tpu.memory_space<hbm>>, %arg7: memref<2x10240x64xf32, #tpu.memory_space<hbm>>, %arg8: memref<80x128xi32, #tpu.memory_space<vmem>>, %arg9: memref<80x128xi32, #tpu.memory_space<vmem>>, %arg10: memref<4x128x64xf32, #tpu.memory_space<vmem>>, %arg11: memref<128x64xf32, #tpu.memory_space<vmem>>, %arg12: memref<10240x64xf32, #tpu.memory_space<vmem_shared>>, %arg13: memref<!tpu.dma_semaphore, #tpu.memory_space<semaphore_mem>>, %arg14: memref<!tpu.dma_semaphore, #tpu.memory_space<semaphore_mem>>, %arg15: memref<!tpu.dma_semaphore, #tpu.memory_space<semaphore_mem>>, %arg16: memref<!tpu.dma_semaphore, #tpu.memory_space<semaphore_mem>>) attributes {dimension_semantics = [#tpu.dimension_semantics<core_parallel>, #tpu.dimension_semantics<subcore_parallel>], iteration_bounds = array<i64: 2, 16>, scalar_prefetch = 0 : i64, scratch_operands = 9 : i64, tpu.core_type = #tpu.core_type<sc_vector_subcore>, window_params = [{transform_indices = #map}, {transform_indices = #map}, {transform_indices = #map1}, {transform_indices = #map1}, {transform_indices = #map1}, {transform_indices = #map1}]} {
    %mul3A = arith.constant 16 : i32
    %mul3A_0 = arith.muli %arg0, %mul3A : i32
    %add3A = arith.addi %mul3A_0, %arg1 : i32
    "tpu.region"() ({
      %run_scoped3A_275 = tpu.sem_alloc : memref<!tpu.dma_semaphore, #tpu.memory_space<semaphore_mem>>
      %dma_start3A_276 = arith.constant 0 : i32
      %dma_start3A_277 = arith.constant 0 : i32
      %dma_start3A_278 = tpu.memref_slice %arg4[%add3A, %dma_start3A_276, %dma_start3A_277] : memref<32x80x128xi32, #tpu.memory_space<hbm>> -> memref<1x80x128xi32, #tpu.memory_space<hbm>>
      %dma_start3A_279 = tpu.memref_squeeze %dma_start3A_278 : memref<1x80x128xi32, #tpu.memory_space<hbm>> -> memref<80x128xi32, #tpu.memory_space<hbm>>
      %dma_start3A_280 = arith.constant 0 : i32
      %dma_start3A_281 = arith.constant 0 : i32
      %dma_start3A_282 = tpu.memref_slice %arg4[%add3A, %dma_start3A_280, %dma_start3A_281] : memref<32x80x128xi32, #tpu.memory_space<hbm>> -> memref<1x80x128xi32, #tpu.memory_space<hbm>>
      %dma_start3A_283 = tpu.memref_squeeze %dma_start3A_282 : memref<1x80x128xi32, #tpu.memory_space<hbm>> -> memref<80x128xi32, #tpu.memory_space<hbm>>
      tpu.enqueue_dma source(%dma_start3A_283 : memref<80x128xi32, #tpu.memory_space<hbm>>) target(%arg8 : memref<80x128xi32, #tpu.memory_space<vmem>>) target_semaphore(%run_scoped3A_275 : memref<!tpu.dma_semaphore, #tpu.memory_space<semaphore_mem>>)
      %dma_wait3A_284 = arith.constant 0 : i32
      %dma_wait3A_285 = arith.constant 0 : i32
      %dma_wait3A_286 = tpu.memref_slice %arg4[%add3A, %dma_wait3A_284, %dma_wait3A_285] : memref<32x80x128xi32, #tpu.memory_space<hbm>> -> memref<1x80x128xi32, #tpu.memory_space<hbm>>
      %dma_wait3A_287 = tpu.memref_squeeze %dma_wait3A_286 : memref<1x80x128xi32, #tpu.memory_space<hbm>> -> memref<80x128xi32, #tpu.memory_space<hbm>>
      %dma_wait3A_288 = arith.constant 0 : i32
      %dma_wait3A_289 = arith.constant 0 : i32
      %dma_wait3A_290 = tpu.memref_slice %arg4[%add3A, %dma_wait3A_288, %dma_wait3A_289] : memref<32x80x128xi32, #tpu.memory_space<hbm>> -> memref<1x80x128xi32, #tpu.memory_space<hbm>>
      %dma_wait3A_291 = tpu.memref_squeeze %dma_wait3A_290 : memref<1x80x128xi32, #tpu.memory_space<hbm>> -> memref<80x128xi32, #tpu.memory_space<hbm>>
      tpu.wait_dma2 semaphore(%run_scoped3A_275 : memref<!tpu.dma_semaphore, #tpu.memory_space<semaphore_mem>>) src(%dma_wait3A_291 : memref<80x128xi32, #tpu.memory_space<hbm>>) dst(%arg8 : memref<80x128xi32, #tpu.memory_space<vmem>>)
      tpu.yield
    }) : () -> ()
    "tpu.region"() ({
      %run_scoped3A_275 = tpu.sem_alloc : memref<!tpu.dma_semaphore, #tpu.memory_space<semaphore_mem>>
      %dma_start3A_276 = arith.constant 0 : i32
      %dma_start3A_277 = arith.constant 0 : i32
      %dma_start3A_278 = tpu.memref_slice %arg5[%add3A, %dma_start3A_276, %dma_start3A_277] : memref<32x80x128xi32, #tpu.memory_space<hbm>> -> memref<1x80x128xi32, #tpu.memory_space<hbm>>
      %dma_start3A_279 = tpu.memref_squeeze %dma_start3A_278 : memref<1x80x128xi32, #tpu.memory_space<hbm>> -> memref<80x128xi32, #tpu.memory_space<hbm>>
      %dma_start3A_280 = arith.constant 0 : i32
      %dma_start3A_281 = arith.constant 0 : i32
      %dma_start3A_282 = tpu.memref_slice %arg5[%add3A, %dma_start3A_280, %dma_start3A_281] : memref<32x80x128xi32, #tpu.memory_space<hbm>> -> memref<1x80x128xi32, #tpu.memory_space<hbm>>
      %dma_start3A_283 = tpu.memref_squeeze %dma_start3A_282 : memref<1x80x128xi32, #tpu.memory_space<hbm>> -> memref<80x128xi32, #tpu.memory_space<hbm>>
      tpu.enqueue_dma source(%dma_start3A_283 : memref<80x128xi32, #tpu.memory_space<hbm>>) target(%arg9 : memref<80x128xi32, #tpu.memory_space<vmem>>) target_semaphore(%run_scoped3A_275 : memref<!tpu.dma_semaphore, #tpu.memory_space<semaphore_mem>>)
      %dma_wait3A_284 = arith.constant 0 : i32
      %dma_wait3A_285 = arith.constant 0 : i32
      %dma_wait3A_286 = tpu.memref_slice %arg5[%add3A, %dma_wait3A_284, %dma_wait3A_285] : memref<32x80x128xi32, #tpu.memory_space<hbm>> -> memref<1x80x128xi32, #tpu.memory_space<hbm>>
      %dma_wait3A_287 = tpu.memref_squeeze %dma_wait3A_286 : memref<1x80x128xi32, #tpu.memory_space<hbm>> -> memref<80x128xi32, #tpu.memory_space<hbm>>
      %dma_wait3A_288 = arith.constant 0 : i32
      %dma_wait3A_289 = arith.constant 0 : i32
      %dma_wait3A_290 = tpu.memref_slice %arg5[%add3A, %dma_wait3A_288, %dma_wait3A_289] : memref<32x80x128xi32, #tpu.memory_space<hbm>> -> memref<1x80x128xi32, #tpu.memory_space<hbm>>
      %dma_wait3A_291 = tpu.memref_squeeze %dma_wait3A_290 : memref<1x80x128xi32, #tpu.memory_space<hbm>> -> memref<80x128xi32, #tpu.memory_space<hbm>>
      tpu.wait_dma2 semaphore(%run_scoped3A_275 : memref<!tpu.dma_semaphore, #tpu.memory_space<semaphore_mem>>) src(%dma_wait3A_291 : memref<80x128xi32, #tpu.memory_space<hbm>>) dst(%arg9 : memref<80x128xi32, #tpu.memory_space<vmem>>)
      tpu.yield
    }) : () -> ()
    %broadcast_in_dim3A = arith.constant 0.000000e+00 : f32
    %broadcast_in_dim3A_1 = vector.broadcast %broadcast_in_dim3A : f32 to vector<16xf32>
    %dma_start3A = arith.constant 0 : i32
    %dma_start3A_2 = arith.constant 0 : i32
    %dma_start3A_3 = arith.constant 0 : i32
    %dma_start3A_4 = arith.constant 0 : i32
    %dma_start3A_5 = tpu.memref_slice %arg10[%dma_start3A_2, %dma_start3A_3, %dma_start3A_4] : memref<4x128x64xf32, #tpu.memory_space<vmem>> -> memref<1x128x64xf32, #tpu.memory_space<vmem>>
    %dma_start3A_6 = tpu.memref_squeeze %dma_start3A_5 : memref<1x128x64xf32, #tpu.memory_space<vmem>> -> memref<128x64xf32, #tpu.memory_space<vmem>>
    %dma_start3A_7 = arith.constant 0 : i32
    %dma_start3A_8 = tpu.memref_slice %arg8[%dma_start3A, %dma_start3A_7] : memref<80x128xi32, #tpu.memory_space<vmem>> -> memref<1x128xi32, #tpu.memory_space<vmem>>
    %dma_start3A_9 = tpu.memref_squeeze %dma_start3A_8 : memref<1x128xi32, #tpu.memory_space<vmem>> -> memref<128xi32, #tpu.memory_space<vmem>>
    %dma_start3A_10 = arith.constant 0 : i32
    %dma_start3A_11 = arith.constant 0 : i32
    %dma_start3A_12 = tpu.memref_slice %arg2[%dma_start3A_10, %dma_start3A_11] : memref<10240x64xf32, #tpu.memory_space<hbm>> -> memref<10240x64xf32, #tpu.memory_space<hbm>>
    tpu.enqueue_indirect_dma source(%dma_start3A_12 : memref<10240x64xf32, #tpu.memory_space<hbm>>) target(%dma_start3A_6 : memref<128x64xf32, #tpu.memory_space<vmem>>) offsets(%dma_start3A_9 : memref<128xi32, #tpu.memory_space<vmem>>) semaphore(%arg13 : memref<!tpu.dma_semaphore, #tpu.memory_space<semaphore_mem>>)
    %dma_start3A_13 = arith.constant 1 : i32
    %dma_start3A_14 = arith.constant 1 : i32
    %dma_start3A_15 = arith.constant 0 : i32
    %dma_start3A_16 = arith.constant 0 : i32
    %dma_start3A_17 = tpu.memref_slice %arg10[%dma_start3A_14, %dma_start3A_15, %dma_start3A_16] : memref<4x128x64xf32, #tpu.memory_space<vmem>> -> memref<1x128x64xf32, #tpu.memory_space<vmem>>
    %dma_start3A_18 = tpu.memref_squeeze %dma_start3A_17 : memref<1x128x64xf32, #tpu.memory_space<vmem>> -> memref<128x64xf32, #tpu.memory_space<vmem>>
    %dma_start3A_19 = arith.constant 0 : i32
    %dma_start3A_20 = tpu.memref_slice %arg8[%dma_start3A_13, %dma_start3A_19] : memref<80x128xi32, #tpu.memory_space<vmem>> -> memref<1x128xi32, #tpu.memory_space<vmem>>
    %dma_start3A_21 = tpu.memref_squeeze %dma_start3A_20 : memref<1x128xi32, #tpu.memory_space<vmem>> -> memref<128xi32, #tpu.memory_space<vmem>>
    %dma_start3A_22 = arith.constant 0 : i32
    %dma_start3A_23 = arith.constant 0 : i32
    %dma_start3A_24 = tpu.memref_slice %arg2[%dma_start3A_22, %dma_start3A_23] : memref<10240x64xf32, #tpu.memory_space<hbm>> -> memref<10240x64xf32, #tpu.memory_space<hbm>>
    tpu.enqueue_indirect_dma source(%dma_start3A_24 : memref<10240x64xf32, #tpu.memory_space<hbm>>) target(%dma_start3A_18 : memref<128x64xf32, #tpu.memory_space<vmem>>) offsets(%dma_start3A_21 : memref<128xi32, #tpu.memory_space<vmem>>) semaphore(%arg14 : memref<!tpu.dma_semaphore, #tpu.memory_space<semaphore_mem>>)
    %dma_start3A_25 = arith.constant 2 : i32
    %dma_start3A_26 = arith.constant 2 : i32
    %dma_start3A_27 = arith.constant 0 : i32
    %dma_start3A_28 = arith.constant 0 : i32
    %dma_start3A_29 = tpu.memref_slice %arg10[%dma_start3A_26, %dma_start3A_27, %dma_start3A_28] : memref<4x128x64xf32, #tpu.memory_space<vmem>> -> memref<1x128x64xf32, #tpu.memory_space<vmem>>
    %dma_start3A_30 = tpu.memref_squeeze %dma_start3A_29 : memref<1x128x64xf32, #tpu.memory_space<vmem>> -> memref<128x64xf32, #tpu.memory_space<vmem>>
    %dma_start3A_31 = arith.constant 0 : i32
    %dma_start3A_32 = tpu.memref_slice %arg8[%dma_start3A_25, %dma_start3A_31] : memref<80x128xi32, #tpu.memory_space<vmem>> -> memref<1x128xi32, #tpu.memory_space<vmem>>
    %dma_start3A_33 = tpu.memref_squeeze %dma_start3A_32 : memref<1x128xi32, #tpu.memory_space<vmem>> -> memref<128xi32, #tpu.memory_space<vmem>>
    %dma_start3A_34 = arith.constant 0 : i32
    %dma_start3A_35 = arith.constant 0 : i32
    %dma_start3A_36 = tpu.memref_slice %arg2[%dma_start3A_34, %dma_start3A_35] : memref<10240x64xf32, #tpu.memory_space<hbm>> -> memref<10240x64xf32, #tpu.memory_space<hbm>>
    tpu.enqueue_indirect_dma source(%dma_start3A_36 : memref<10240x64xf32, #tpu.memory_space<hbm>>) target(%dma_start3A_30 : memref<128x64xf32, #tpu.memory_space<vmem>>) offsets(%dma_start3A_33 : memref<128xi32, #tpu.memory_space<vmem>>) semaphore(%arg15 : memref<!tpu.dma_semaphore, #tpu.memory_space<semaphore_mem>>)
    %dma_start3A_37 = arith.constant 3 : i32
    %dma_start3A_38 = arith.constant 3 : i32
    %dma_start3A_39 = arith.constant 0 : i32
    %dma_start3A_40 = arith.constant 0 : i32
    %dma_start3A_41 = tpu.memref_slice %arg10[%dma_start3A_38, %dma_start3A_39, %dma_start3A_40] : memref<4x128x64xf32, #tpu.memory_space<vmem>> -> memref<1x128x64xf32, #tpu.memory_space<vmem>>
    %dma_start3A_42 = tpu.memref_squeeze %dma_start3A_41 : memref<1x128x64xf32, #tpu.memory_space<vmem>> -> memref<128x64xf32, #tpu.memory_space<vmem>>
    %dma_start3A_43 = arith.constant 0 : i32
    %dma_start3A_44 = tpu.memref_slice %arg8[%dma_start3A_37, %dma_start3A_43] : memref<80x128xi32, #tpu.memory_space<vmem>> -> memref<1x128xi32, #tpu.memory_space<vmem>>
    %dma_start3A_45 = tpu.memref_squeeze %dma_start3A_44 : memref<1x128xi32, #tpu.memory_space<vmem>> -> memref<128xi32, #tpu.memory_space<vmem>>
    %dma_start3A_46 = arith.constant 0 : i32
    %dma_start3A_47 = arith.constant 0 : i32
    %dma_start3A_48 = tpu.memref_slice %arg2[%dma_start3A_46, %dma_start3A_47] : memref<10240x64xf32, #tpu.memory_space<hbm>> -> memref<10240x64xf32, #tpu.memory_space<hbm>>
    tpu.enqueue_indirect_dma source(%dma_start3A_48 : memref<10240x64xf32, #tpu.memory_space<hbm>>) target(%dma_start3A_42 : memref<128x64xf32, #tpu.memory_space<vmem>>) offsets(%dma_start3A_45 : memref<128xi32, #tpu.memory_space<vmem>>) semaphore(%arg16 : memref<!tpu.dma_semaphore, #tpu.memory_space<semaphore_mem>>)
    %scan3A = arith.constant 0 : i32
    %scan3A_49 = arith.constant 0 : i32
    %scan3A_50 = arith.constant 512 : i32
    %scan3A_51 = arith.addi %scan3A_49, %scan3A_50 : i32
    %scan3A_52 = arith.constant 1 : i32
    scf.for %scan3A_275 = %scan3A_49 to %scan3A_51 step %scan3A_52  : i32 {
      %jit3A = arith.constant 4 : i32
      %div3A = arith.divsi %scan3A_275, %jit3A : i32
      %sign3A = arith.constant 0 : i32
      %sign3A_276 = arith.cmpi sgt, %scan3A_275, %sign3A : i32
      %sign3A_277 = arith.extui %sign3A_276 : i1 to i32
      %sign3A_278 = arith.constant 0 : i32
      %sign3A_279 = arith.cmpi slt, %scan3A_275, %sign3A_278 : i32
      %sign3A_280 = arith.extui %sign3A_279 : i1 to i32
      %sign3A_281 = arith.subi %sign3A_277, %sign3A_280 : i32
      %sign3A_282 = arith.constant 0 : i32
      %sign3A_283 = arith.cmpi sgt, %jit3A, %sign3A_282 : i32
      %sign3A_284 = arith.extui %sign3A_283 : i1 to i32
      %sign3A_285 = arith.constant 0 : i32
      %sign3A_286 = arith.cmpi slt, %jit3A, %sign3A_285 : i32
      %sign3A_287 = arith.extui %sign3A_286 : i1 to i32
      %sign3A_288 = arith.subi %sign3A_284, %sign3A_287 : i32
      %ne3A = arith.cmpi ne, %sign3A_281, %sign3A_288 : i32
      %rem3A = arith.remsi %scan3A_275, %jit3A : i32
      %ne3A_289 = arith.constant 0 : i32
      %ne3A_290 = arith.cmpi ne, %rem3A, %ne3A_289 : i32
      %and3A = arith.andi %ne3A, %ne3A_290 : i1
      %sub3A = arith.constant 1 : i32
      %sub3A_291 = arith.subi %div3A, %sub3A : i32
      %select_n3A = arith.select %and3A, %sub3A_291, %div3A : i32
      %jit3A_292 = arith.constant 4 : i32
      %eq3A = arith.constant 0 : i32
      %eq3A_293 = arith.cmpi eq, %jit3A_292, %eq3A : i32
      %jit3A_294 = arith.constant 1 : i32
      %select_n3A_295 = arith.select %eq3A_293, %jit3A_294, %jit3A_292 : i32
      %rem3A_296 = arith.remsi %scan3A_275, %select_n3A_295 : i32
      %ne3A_297 = arith.constant 0 : i32
      %ne3A_298 = arith.cmpi ne, %rem3A_296, %ne3A_297 : i32
      %lt3A = arith.constant 0 : i32
      %lt3A_299 = arith.cmpi slt, %rem3A_296, %lt3A : i32
      %lt3A_300 = arith.constant 0 : i32
      %lt3A_301 = arith.cmpi slt, %select_n3A_295, %lt3A_300 : i32
      %ne3A_302 = arith.xori %lt3A_299, %lt3A_301 : i1
      %and3A_303 = arith.andi %ne3A_302, %ne3A_298 : i1
      %add3A_304 = arith.addi %rem3A_296, %select_n3A_295 : i32
      %select_n3A_305 = arith.select %and3A_303, %add3A_304, %rem3A_296 : i32
      %mul3A_306 = arith.constant 16 : i32
      %mul3A_307 = arith.muli %select_n3A_305, %mul3A_306 : i32
      %swap3A = arith.index_cast %select_n3A : i32 to index
      %swap3A_308 = arith.index_cast %mul3A_307 : i32 to index
      %swap3A_309 = tpu.vector_load %arg11[%swap3A, %swap3A_308] {strides = array<i32>} : memref<128x64xf32, #tpu.memory_space<vmem>>, vector<1x16xf32>,
      %swap3A_310 = vector.shape_cast %swap3A_309 : vector<1x16xf32> to vector<16xf32>
      %swap3A_311 = vector.shape_cast %broadcast_in_dim3A_1 : vector<16xf32> to vector<1x16xf32>
      tpu.vector_store %arg11[%swap3A, %swap3A_308], %swap3A_311 {strides = array<i32>} : memref<128x64xf32, #tpu.memory_space<vmem>>, vector<1x16xf32>,
    }
    %scan3A_53 = arith.constant 512 : i32
    %mul3A_54 = arith.constant 640 : i32
    %mul3A_55 = arith.muli %arg1, %mul3A_54 : i32
    %add3A_56 = arith.constant 0 : i32
    %add3A_57 = arith.addi %mul3A_55, %add3A_56 : i32
    "tpu.region"() ({
      %run_scoped3A_275 = tpu.sem_alloc : memref<!tpu.dma_semaphore, #tpu.memory_space<semaphore_mem>>
      %dma_start3A_276 = arith.constant 0 : i32
      %dma_start3A_277 = tpu.memref_slice %arg12[%add3A_57, %dma_start3A_276] : memref<10240x64xf32, #tpu.memory_space<vmem_shared>> -> memref<128x64xf32, #tpu.memory_space<vmem_shared>>
      %dma_start3A_278 = arith.constant 0 : i32
      %dma_start3A_279 = tpu.memref_slice %arg12[%add3A_57, %dma_start3A_278] : memref<10240x64xf32, #tpu.memory_space<vmem_shared>> -> memref<128x64xf32, #tpu.memory_space<vmem_shared>>
      tpu.enqueue_dma source(%arg11 : memref<128x64xf32, #tpu.memory_space<vmem>>) target(%dma_start3A_279 : memref<128x64xf32, #tpu.memory_space<vmem_shared>>) target_semaphore(%run_scoped3A_275 : memref<!tpu.dma_semaphore, #tpu.memory_space<semaphore_mem>>)
      %dma_wait3A_280 = arith.constant 0 : i32
      %dma_wait3A_281 = tpu.memref_slice %arg12[%add3A_57, %dma_wait3A_280] : memref<10240x64xf32, #tpu.memory_space<vmem_shared>> -> memref<128x64xf32, #tpu.memory_space<vmem_shared>>
      %dma_wait3A_282 = arith.constant 0 : i32
      %dma_wait3A_283 = tpu.memref_slice %arg12[%add3A_57, %dma_wait3A_282] : memref<10240x64xf32, #tpu.memory_space<vmem_shared>> -> memref<128x64xf32, #tpu.memory_space<vmem_shared>>
      tpu.wait_dma2 semaphore(%run_scoped3A_275 : memref<!tpu.dma_semaphore, #tpu.memory_space<semaphore_mem>>) src(%arg11 : memref<128x64xf32, #tpu.memory_space<vmem>>) dst(%dma_wait3A_283 : memref<128x64xf32, #tpu.memory_space<vmem_shared>>)
      tpu.yield
    }) : () -> ()
    %mul3A_58 = arith.constant 640 : i32
    %mul3A_59 = arith.muli %arg1, %mul3A_58 : i32
    %add3A_60 = arith.constant 128 : i32
    %add3A_61 = arith.addi %mul3A_59, %add3A_60 : i32
    "tpu.region"() ({
      %run_scoped3A_275 = tpu.sem_alloc : memref<!tpu.dma_semaphore, #tpu.memory_space<semaphore_mem>>
      %dma_start3A_276 = arith.constant 0 : i32
      %dma_start3A_277 = tpu.memref_slice %arg12[%add3A_61, %dma_start3A_276] : memref<10240x64xf32, #tpu.memory_space<vmem_shared>> -> memref<128x64xf32, #tpu.memory_space<vmem_shared>>
      %dma_start3A_278 = arith.constant 0 : i32
      %dma_start3A_279 = tpu.memref_slice %arg12[%add3A_61, %dma_start3A_278] : memref<10240x64xf32, #tpu.memory_space<vmem_shared>> -> memref<128x64xf32, #tpu.memory_space<vmem_shared>>
      tpu.enqueue_dma source(%arg11 : memref<128x64xf32, #tpu.memory_space<vmem>>) target(%dma_start3A_279 : memref<128x64xf32, #tpu.memory_space<vmem_shared>>) target_semaphore(%run_scoped3A_275 : memref<!tpu.dma_semaphore, #tpu.memory_space<semaphore_mem>>)
      %dma_wait3A_280 = arith.constant 0 : i32
      %dma_wait3A_281 = tpu.memref_slice %arg12[%add3A_61, %dma_wait3A_280] : memref<10240x64xf32, #tpu.memory_space<vmem_shared>> -> memref<128x64xf32, #tpu.memory_space<vmem_shared>>
      %dma_wait3A_282 = arith.constant 0 : i32
      %dma_wait3A_283 = tpu.memref_slice %arg12[%add3A_61, %dma_wait3A_282] : memref<10240x64xf32, #tpu.memory_space<vmem_shared>> -> memref<128x64xf32, #tpu.memory_space<vmem_shared>>
      tpu.wait_dma2 semaphore(%run_scoped3A_275 : memref<!tpu.dma_semaphore, #tpu.memory_space<semaphore_mem>>) src(%arg11 : memref<128x64xf32, #tpu.memory_space<vmem>>) dst(%dma_wait3A_283 : memref<128x64xf32, #tpu.memory_space<vmem_shared>>)
      tpu.yield
    }) : () -> ()
    %mul3A_62 = arith.constant 640 : i32
    %mul3A_63 = arith.muli %arg1, %mul3A_62 : i32
    %add3A_64 = arith.constant 256 : i32
    %add3A_65 = arith.addi %mul3A_63, %add3A_64 : i32
    "tpu.region"() ({
      %run_scoped3A_275 = tpu.sem_alloc : memref<!tpu.dma_semaphore, #tpu.memory_space<semaphore_mem>>
      %dma_start3A_276 = arith.constant 0 : i32
      %dma_start3A_277 = tpu.memref_slice %arg12[%add3A_65, %dma_start3A_276] : memref<10240x64xf32, #tpu.memory_space<vmem_shared>> -> memref<128x64xf32, #tpu.memory_space<vmem_shared>>
      %dma_start3A_278 = arith.constant 0 : i32
      %dma_start3A_279 = tpu.memref_slice %arg12[%add3A_65, %dma_start3A_278] : memref<10240x64xf32, #tpu.memory_space<vmem_shared>> -> memref<128x64xf32, #tpu.memory_space<vmem_shared>>
      tpu.enqueue_dma source(%arg11 : memref<128x64xf32, #tpu.memory_space<vmem>>) target(%dma_start3A_279 : memref<128x64xf32, #tpu.memory_space<vmem_shared>>) target_semaphore(%run_scoped3A_275 : memref<!tpu.dma_semaphore, #tpu.memory_space<semaphore_mem>>)
      %dma_wait3A_280 = arith.constant 0 : i32
      %dma_wait3A_281 = tpu.memref_slice %arg12[%add3A_65, %dma_wait3A_280] : memref<10240x64xf32, #tpu.memory_space<vmem_shared>> -> memref<128x64xf32, #tpu.memory_space<vmem_shared>>
      %dma_wait3A_282 = arith.constant 0 : i32
      %dma_wait3A_283 = tpu.memref_slice %arg12[%add3A_65, %dma_wait3A_282] : memref<10240x64xf32, #tpu.memory_space<vmem_shared>> -> memref<128x64xf32, #tpu.memory_space<vmem_shared>>
      tpu.wait_dma2 semaphore(%run_scoped3A_275 : memref<!tpu.dma_semaphore, #tpu.memory_space<semaphore_mem>>) src(%arg11 : memref<128x64xf32, #tpu.memory_space<vmem>>) dst(%dma_wait3A_283 : memref<128x64xf32, #tpu.memory_space<vmem_shared>>)
      tpu.yield
    }) : () -> ()
    %mul3A_66 = arith.constant 640 : i32
    %mul3A_67 = arith.muli %arg1, %mul3A_66 : i32
    %add3A_68 = arith.constant 384 : i32
    %add3A_69 = arith.addi %mul3A_67, %add3A_68 : i32
    "tpu.region"() ({
      %run_scoped3A_275 = tpu.sem_alloc : memref<!tpu.dma_semaphore, #tpu.memory_space<semaphore_mem>>
      %dma_start3A_276 = arith.constant 0 : i32
      %dma_start3A_277 = tpu.memref_slice %arg12[%add3A_69, %dma_start3A_276] : memref<10240x64xf32, #tpu.memory_space<vmem_shared>> -> memref<128x64xf32, #tpu.memory_space<vmem_shared>>
      %dma_start3A_278 = arith.constant 0 : i32
      %dma_start3A_279 = tpu.memref_slice %arg12[%add3A_69, %dma_start3A_278] : memref<10240x64xf32, #tpu.memory_space<vmem_shared>> -> memref<128x64xf32, #tpu.memory_space<vmem_shared>>
      tpu.enqueue_dma source(%arg11 : memref<128x64xf32, #tpu.memory_space<vmem>>) target(%dma_start3A_279 : memref<128x64xf32, #tpu.memory_space<vmem_shared>>) target_semaphore(%run_scoped3A_275 : memref<!tpu.dma_semaphore, #tpu.memory_space<semaphore_mem>>)
      %dma_wait3A_280 = arith.constant 0 : i32
      %dma_wait3A_281 = tpu.memref_slice %arg12[%add3A_69, %dma_wait3A_280] : memref<10240x64xf32, #tpu.memory_space<vmem_shared>> -> memref<128x64xf32, #tpu.memory_space<vmem_shared>>
      %dma_wait3A_282 = arith.constant 0 : i32
      %dma_wait3A_283 = tpu.memref_slice %arg12[%add3A_69, %dma_wait3A_282] : memref<10240x64xf32, #tpu.memory_space<vmem_shared>> -> memref<128x64xf32, #tpu.memory_space<vmem_shared>>
      tpu.wait_dma2 semaphore(%run_scoped3A_275 : memref<!tpu.dma_semaphore, #tpu.memory_space<semaphore_mem>>) src(%arg11 : memref<128x64xf32, #tpu.memory_space<vmem>>) dst(%dma_wait3A_283 : memref<128x64xf32, #tpu.memory_space<vmem_shared>>)
      tpu.yield
    }) : () -> ()
    %mul3A_70 = arith.constant 640 : i32
    %mul3A_71 = arith.muli %arg1, %mul3A_70 : i32
    %add3A_72 = arith.constant 512 : i32
    %add3A_73 = arith.addi %mul3A_71, %add3A_72 : i32
    "tpu.region"() ({
      %run_scoped3A_275 = tpu.sem_alloc : memref<!tpu.dma_semaphore, #tpu.memory_space<semaphore_mem>>
      %dma_start3A_276 = arith.constant 0 : i32
      %dma_start3A_277 = tpu.memref_slice %arg12[%add3A_73, %dma_start3A_276] : memref<10240x64xf32, #tpu.memory_space<vmem_shared>> -> memref<128x64xf32, #tpu.memory_space<vmem_shared>>
      %dma_start3A_278 = arith.constant 0 : i32
      %dma_start3A_279 = tpu.memref_slice %arg12[%add3A_73, %dma_start3A_278] : memref<10240x64xf32, #tpu.memory_space<vmem_shared>> -> memref<128x64xf32, #tpu.memory_space<vmem_shared>>
      tpu.enqueue_dma source(%arg11 : memref<128x64xf32, #tpu.memory_space<vmem>>) target(%dma_start3A_279 : memref<128x64xf32, #tpu.memory_space<vmem_shared>>) target_semaphore(%run_scoped3A_275 : memref<!tpu.dma_semaphore, #tpu.memory_space<semaphore_mem>>)
      %dma_wait3A_280 = arith.constant 0 : i32
      %dma_wait3A_281 = tpu.memref_slice %arg12[%add3A_73, %dma_wait3A_280] : memref<10240x64xf32, #tpu.memory_space<vmem_shared>> -> memref<128x64xf32, #tpu.memory_space<vmem_shared>>
      %dma_wait3A_282 = arith.constant 0 : i32
      %dma_wait3A_283 = tpu.memref_slice %arg12[%add3A_73, %dma_wait3A_282] : memref<10240x64xf32, #tpu.memory_space<vmem_shared>> -> memref<128x64xf32, #tpu.memory_space<vmem_shared>>
      tpu.wait_dma2 semaphore(%run_scoped3A_275 : memref<!tpu.dma_semaphore, #tpu.memory_space<semaphore_mem>>) src(%arg11 : memref<128x64xf32, #tpu.memory_space<vmem>>) dst(%dma_wait3A_283 : memref<128x64xf32, #tpu.memory_space<vmem_shared>>)
      tpu.yield
    }) : () -> ()
    %barrier3A = arith.constant 0 : index
    tpu.barrier barrier_id(%barrier3A)
    %scan3A_74 = arith.constant 0 : i32
    %scan3A_75 = arith.constant 0 : i32
    %scan3A_76 = arith.constant 19 : i32
    %scan3A_77 = arith.addi %scan3A_75, %scan3A_76 : i32
    %scan3A_78 = arith.constant 1 : i32
    scf.for %scan3A_275 = %scan3A_75 to %scan3A_77 step %scan3A_78  : i32 {
      %mul3A_276 = arith.constant 4 : i32
      %mul3A_277 = arith.muli %scan3A_275, %mul3A_276 : i32
      %add3A_278 = arith.constant 0 : i32
      %add3A_279 = arith.addi %mul3A_277, %add3A_278 : i32
      %dma_wait3A_280 = arith.constant 0 : i32
      %dma_wait3A_281 = arith.constant 0 : i32
      %dma_wait3A_282 = arith.constant 0 : i32
      %dma_wait3A_283 = tpu.memref_slice %arg10[%dma_wait3A_280, %dma_wait3A_281, %dma_wait3A_282] : memref<4x128x64xf32, #tpu.memory_space<vmem>> -> memref<1x128x64xf32, #tpu.memory_space<vmem>>
      %dma_wait3A_284 = tpu.memref_squeeze %dma_wait3A_283 : memref<1x128x64xf32, #tpu.memory_space<vmem>> -> memref<128x64xf32, #tpu.memory_space<vmem>>
      %dma_wait3A_285 = arith.constant 0 : i32
      %dma_wait3A_286 = tpu.memref_slice %arg8[%add3A_279, %dma_wait3A_285] : memref<80x128xi32, #tpu.memory_space<vmem>> -> memref<1x128xi32, #tpu.memory_space<vmem>>
      %dma_wait3A_287 = tpu.memref_squeeze %dma_wait3A_286 : memref<1x128xi32, #tpu.memory_space<vmem>> -> memref<128xi32, #tpu.memory_space<vmem>>
      %dma_wait3A_288 = arith.constant 0 : i32
      %dma_wait3A_289 = arith.constant 0 : i32
      %dma_wait3A_290 = tpu.memref_slice %arg2[%dma_wait3A_288, %dma_wait3A_289] : memref<10240x64xf32, #tpu.memory_space<hbm>> -> memref<10240x64xf32, #tpu.memory_space<hbm>>
      tpu.wait_indirect_dma semaphore(%arg13 : memref<!tpu.dma_semaphore, #tpu.memory_space<semaphore_mem>>) src(%dma_wait3A_290 : memref<10240x64xf32, #tpu.memory_space<hbm>>) dst(%dma_wait3A_284 : memref<128x64xf32, #tpu.memory_space<vmem>>)
      %run_scoped3A_291 = arith.constant 0 : i32
      "tpu.region"() ({
        %run_scoped3A_392 = tpu.sem_alloc : memref<!tpu.dma_semaphore, #tpu.memory_space<semaphore_mem>>
        %dma_start3A_393 = arith.constant 0 : i32
        %dma_start3A_394 = arith.constant 0 : i32
        %dma_start3A_395 = tpu.memref_slice %arg10[%run_scoped3A_291, %dma_start3A_393, %dma_start3A_394] : memref<4x128x64xf32, #tpu.memory_space<vmem>> -> memref<1x128x64xf32, #tpu.memory_space<vmem>>
        %dma_start3A_396 = tpu.memref_squeeze %dma_start3A_395 : memref<1x128x64xf32, #tpu.memory_space<vmem>> -> memref<128x64xf32, #tpu.memory_space<vmem>>
        %dma_start3A_397 = arith.constant 0 : i32
        %dma_start3A_398 = tpu.memref_slice %arg9[%add3A_279, %dma_start3A_397] : memref<80x128xi32, #tpu.memory_space<vmem>> -> memref<1x128xi32, #tpu.memory_space<vmem>>
        %dma_start3A_399 = tpu.memref_squeeze %dma_start3A_398 : memref<1x128xi32, #tpu.memory_space<vmem>> -> memref<128xi32, #tpu.memory_space<vmem>>
        %dma_start3A_400 = arith.constant 0 : i32
        %dma_start3A_401 = arith.constant 0 : i32
        %dma_start3A_402 = tpu.memref_slice %arg12[%dma_start3A_400, %dma_start3A_401] : memref<10240x64xf32, #tpu.memory_space<vmem_shared>> -> memref<10240x64xf32, #tpu.memory_space<vmem_shared>>
        tpu.enqueue_indirect_dma source(%dma_start3A_396 : memref<128x64xf32, #tpu.memory_space<vmem>>) target(%dma_start3A_402 : memref<10240x64xf32, #tpu.memory_space<vmem_shared>>) offsets(%dma_start3A_399 : memref<128xi32, #tpu.memory_space<vmem>>) semaphore(%run_scoped3A_392 : memref<!tpu.dma_semaphore, #tpu.memory_space<semaphore_mem>>) {add = true}
        %dma_wait3A_403 = arith.constant 0 : i32
        %dma_wait3A_404 = arith.constant 0 : i32
        %dma_wait3A_405 = tpu.memref_slice %arg10[%run_scoped3A_291, %dma_wait3A_403, %dma_wait3A_404] : memref<4x128x64xf32, #tpu.memory_space<vmem>> -> memref<1x128x64xf32, #tpu.memory_space<vmem>>
        %dma_wait3A_406 = tpu.memref_squeeze %dma_wait3A_405 : memref<1x128x64xf32, #tpu.memory_space<vmem>> -> memref<128x64xf32, #tpu.memory_space<vmem>>
        %dma_wait3A_407 = arith.constant 0 : i32
        %dma_wait3A_408 = tpu.memref_slice %arg9[%add3A_279, %dma_wait3A_407] : memref<80x128xi32, #tpu.memory_space<vmem>> -> memref<1x128xi32, #tpu.memory_space<vmem>>
        %dma_wait3A_409 = tpu.memref_squeeze %dma_wait3A_408 : memref<1x128xi32, #tpu.memory_space<vmem>> -> memref<128xi32, #tpu.memory_space<vmem>>
        %dma_wait3A_410 = arith.constant 0 : i32
        %dma_wait3A_411 = arith.constant 0 : i32
        %dma_wait3A_412 = tpu.memref_slice %arg12[%dma_wait3A_410, %dma_wait3A_411] : memref<10240x64xf32, #tpu.memory_space<vmem_shared>> -> memref<10240x64xf32, #tpu.memory_space<vmem_shared>>
        tpu.wait_indirect_dma semaphore(%run_scoped3A_392 : memref<!tpu.dma_semaphore, #tpu.memory_space<semaphore_mem>>) src(%dma_wait3A_406 : memref<128x64xf32, #tpu.memory_space<vmem>>) dst(%dma_wait3A_412 : memref<10240x64xf32, #tpu.memory_space<vmem_shared>>)
        tpu.yield
      }) : () -> ()
      %add3A_292 = arith.constant 4 : i32
      %add3A_293 = arith.addi %add3A_279, %add3A_292 : i32
      %dma_start3A_294 = arith.constant 0 : i32
      %dma_start3A_295 = arith.constant 0 : i32
      %dma_start3A_296 = arith.constant 0 : i32
      %dma_start3A_297 = tpu.memref_slice %arg10[%dma_start3A_294, %dma_start3A_295, %dma_start3A_296] : memref<4x128x64xf32, #tpu.memory_space<vmem>> -> memref<1x128x64xf32, #tpu.memory_space<vmem>>
      %dma_start3A_298 = tpu.memref_squeeze %dma_start3A_297 : memref<1x128x64xf32, #tpu.memory_space<vmem>> -> memref<128x64xf32, #tpu.memory_space<vmem>>
      %dma_start3A_299 = arith.constant 0 : i32
      %dma_start3A_300 = tpu.memref_slice %arg8[%add3A_293, %dma_start3A_299] : memref<80x128xi32, #tpu.memory_space<vmem>> -> memref<1x128xi32, #tpu.memory_space<vmem>>
      %dma_start3A_301 = tpu.memref_squeeze %dma_start3A_300 : memref<1x128xi32, #tpu.memory_space<vmem>> -> memref<128xi32, #tpu.memory_space<vmem>>
      %dma_start3A_302 = arith.constant 0 : i32
      %dma_start3A_303 = arith.constant 0 : i32
      %dma_start3A_304 = tpu.memref_slice %arg2[%dma_start3A_302, %dma_start3A_303] : memref<10240x64xf32, #tpu.memory_space<hbm>> -> memref<10240x64xf32, #tpu.memory_space<hbm>>
      tpu.enqueue_indirect_dma source(%dma_start3A_304 : memref<10240x64xf32, #tpu.memory_space<hbm>>) target(%dma_start3A_298 : memref<128x64xf32, #tpu.memory_space<vmem>>) offsets(%dma_start3A_301 : memref<128xi32, #tpu.memory_space<vmem>>) semaphore(%arg13 : memref<!tpu.dma_semaphore, #tpu.memory_space<semaphore_mem>>)
      %mul3A_305 = arith.constant 4 : i32
      %mul3A_306 = arith.muli %scan3A_275, %mul3A_305 : i32
      %add3A_307 = arith.constant 1 : i32
      %add3A_308 = arith.addi %mul3A_306, %add3A_307 : i32
      %dma_wait3A_309 = arith.constant 1 : i32
      %dma_wait3A_310 = arith.constant 0 : i32
      %dma_wait3A_311 = arith.constant 0 : i32
      %dma_wait3A_312 = tpu.memref_slice %arg10[%dma_wait3A_309, %dma_wait3A_310, %dma_wait3A_311] : memref<4x128x64xf32, #tpu.memory_space<vmem>> -> memref<1x128x64xf32, #tpu.memory_space<vmem>>
      %dma_wait3A_313 = tpu.memref_squeeze %dma_wait3A_312 : memref<1x128x64xf32, #tpu.memory_space<vmem>> -> memref<128x64xf32, #tpu.memory_space<vmem>>
      %dma_wait3A_314 = arith.constant 0 : i32
      %dma_wait3A_315 = tpu.memref_slice %arg8[%add3A_308, %dma_wait3A_314] : memref<80x128xi32, #tpu.memory_space<vmem>> -> memref<1x128xi32, #tpu.memory_space<vmem>>
      %dma_wait3A_316 = tpu.memref_squeeze %dma_wait3A_315 : memref<1x128xi32, #tpu.memory_space<vmem>> -> memref<128xi32, #tpu.memory_space<vmem>>
      %dma_wait3A_317 = arith.constant 0 : i32
      %dma_wait3A_318 = arith.constant 0 : i32
      %dma_wait3A_319 = tpu.memref_slice %arg2[%dma_wait3A_317, %dma_wait3A_318] : memref<10240x64xf32, #tpu.memory_space<hbm>> -> memref<10240x64xf32, #tpu.memory_space<hbm>>
      tpu.wait_indirect_dma semaphore(%arg14 : memref<!tpu.dma_semaphore, #tpu.memory_space<semaphore_mem>>) src(%dma_wait3A_319 : memref<10240x64xf32, #tpu.memory_space<hbm>>) dst(%dma_wait3A_313 : memref<128x64xf32, #tpu.memory_space<vmem>>)
      %run_scoped3A_320 = arith.constant 1 : i32
      "tpu.region"() ({
        %run_scoped3A_392 = tpu.sem_alloc : memref<!tpu.dma_semaphore, #tpu.memory_space<semaphore_mem>>
        %dma_start3A_393 = arith.constant 0 : i32
        %dma_start3A_394 = arith.constant 0 : i32
        %dma_start3A_395 = tpu.memref_slice %arg10[%run_scoped3A_320, %dma_start3A_393, %dma_start3A_394] : memref<4x128x64xf32, #tpu.memory_space<vmem>> -> memref<1x128x64xf32, #tpu.memory_space<vmem>>
        %dma_start3A_396 = tpu.memref_squeeze %dma_start3A_395 : memref<1x128x64xf32, #tpu.memory_space<vmem>> -> memref<128x64xf32, #tpu.memory_space<vmem>>
        %dma_start3A_397 = arith.constant 0 : i32
        %dma_start3A_398 = tpu.memref_slice %arg9[%add3A_308, %dma_start3A_397] : memref<80x128xi32, #tpu.memory_space<vmem>> -> memref<1x128xi32, #tpu.memory_space<vmem>>
        %dma_start3A_399 = tpu.memref_squeeze %dma_start3A_398 : memref<1x128xi32, #tpu.memory_space<vmem>> -> memref<128xi32, #tpu.memory_space<vmem>>
        %dma_start3A_400 = arith.constant 0 : i32
        %dma_start3A_401 = arith.constant 0 : i32
        %dma_start3A_402 = tpu.memref_slice %arg12[%dma_start3A_400, %dma_start3A_401] : memref<10240x64xf32, #tpu.memory_space<vmem_shared>> -> memref<10240x64xf32, #tpu.memory_space<vmem_shared>>
        tpu.enqueue_indirect_dma source(%dma_start3A_396 : memref<128x64xf32, #tpu.memory_space<vmem>>) target(%dma_start3A_402 : memref<10240x64xf32, #tpu.memory_space<vmem_shared>>) offsets(%dma_start3A_399 : memref<128xi32, #tpu.memory_space<vmem>>) semaphore(%run_scoped3A_392 : memref<!tpu.dma_semaphore, #tpu.memory_space<semaphore_mem>>) {add = true}
        %dma_wait3A_403 = arith.constant 0 : i32
        %dma_wait3A_404 = arith.constant 0 : i32
        %dma_wait3A_405 = tpu.memref_slice %arg10[%run_scoped3A_320, %dma_wait3A_403, %dma_wait3A_404] : memref<4x128x64xf32, #tpu.memory_space<vmem>> -> memref<1x128x64xf32, #tpu.memory_space<vmem>>
        %dma_wait3A_406 = tpu.memref_squeeze %dma_wait3A_405 : memref<1x128x64xf32, #tpu.memory_space<vmem>> -> memref<128x64xf32, #tpu.memory_space<vmem>>
        %dma_wait3A_407 = arith.constant 0 : i32
        %dma_wait3A_408 = tpu.memref_slice %arg9[%add3A_308, %dma_wait3A_407] : memref<80x128xi32, #tpu.memory_space<vmem>> -> memref<1x128xi32, #tpu.memory_space<vmem>>
        %dma_wait3A_409 = tpu.memref_squeeze %dma_wait3A_408 : memref<1x128xi32, #tpu.memory_space<vmem>> -> memref<128xi32, #tpu.memory_space<vmem>>
        %dma_wait3A_410 = arith.constant 0 : i32
        %dma_wait3A_411 = arith.constant 0 : i32
        %dma_wait3A_412 = tpu.memref_slice %arg12[%dma_wait3A_410, %dma_wait3A_411] : memref<10240x64xf32, #tpu.memory_space<vmem_shared>> -> memref<10240x64xf32, #tpu.memory_space<vmem_shared>>
        tpu.wait_indirect_dma semaphore(%run_scoped3A_392 : memref<!tpu.dma_semaphore, #tpu.memory_space<semaphore_mem>>) src(%dma_wait3A_406 : memref<128x64xf32, #tpu.memory_space<vmem>>) dst(%dma_wait3A_412 : memref<10240x64xf32, #tpu.memory_space<vmem_shared>>)
        tpu.yield
      }) : () -> ()
      %add3A_321 = arith.constant 4 : i32
      %add3A_322 = arith.addi %add3A_308, %add3A_321 : i32
      %dma_start3A_323 = arith.constant 1 : i32
      %dma_start3A_324 = arith.constant 0 : i32
      %dma_start3A_325 = arith.constant 0 : i32
      %dma_start3A_326 = tpu.memref_slice %arg10[%dma_start3A_323, %dma_start3A_324, %dma_start3A_325] : memref<4x128x64xf32, #tpu.memory_space<vmem>> -> memref<1x128x64xf32, #tpu.memory_space<vmem>>
      %dma_start3A_327 = tpu.memref_squeeze %dma_start3A_326 : memref<1x128x64xf32, #tpu.memory_space<vmem>> -> memref<128x64xf32, #tpu.memory_space<vmem>>
      %dma_start3A_328 = arith.constant 0 : i32
      %dma_start3A_329 = tpu.memref_slice %arg8[%add3A_322, %dma_start3A_328] : memref<80x128xi32, #tpu.memory_space<vmem>> -> memref<1x128xi32, #tpu.memory_space<vmem>>
      %dma_start3A_330 = tpu.memref_squeeze %dma_start3A_329 : memref<1x128xi32, #tpu.memory_space<vmem>> -> memref<128xi32, #tpu.memory_space<vmem>>
      %dma_start3A_331 = arith.constant 0 : i32
      %dma_start3A_332 = arith.constant 0 : i32
      %dma_start3A_333 = tpu.memref_slice %arg2[%dma_start3A_331, %dma_start3A_332] : memref<10240x64xf32, #tpu.memory_space<hbm>> -> memref<10240x64xf32, #tpu.memory_space<hbm>>
      tpu.enqueue_indirect_dma source(%dma_start3A_333 : memref<10240x64xf32, #tpu.memory_space<hbm>>) target(%dma_start3A_327 : memref<128x64xf32, #tpu.memory_space<vmem>>) offsets(%dma_start3A_330 : memref<128xi32, #tpu.memory_space<vmem>>) semaphore(%arg14 : memref<!tpu.dma_semaphore, #tpu.memory_space<semaphore_mem>>)
      %mul3A_334 = arith.constant 4 : i32
      %mul3A_335 = arith.muli %scan3A_275, %mul3A_334 : i32
      %add3A_336 = arith.constant 2 : i32
      %add3A_337 = arith.addi %mul3A_335, %add3A_336 : i32
      %dma_wait3A_338 = arith.constant 2 : i32
      %dma_wait3A_339 = arith.constant 0 : i32
      %dma_wait3A_340 = arith.constant 0 : i32
      %dma_wait3A_341 = tpu.memref_slice %arg10[%dma_wait3A_338, %dma_wait3A_339, %dma_wait3A_340] : memref<4x128x64xf32, #tpu.memory_space<vmem>> -> memref<1x128x64xf32, #tpu.memory_space<vmem>>
      %dma_wait3A_342 = tpu.memref_squeeze %dma_wait3A_341 : memref<1x128x64xf32, #tpu.memory_space<vmem>> -> memref<128x64xf32, #tpu.memory_space<vmem>>
      %dma_wait3A_343 = arith.constant 0 : i32
      %dma_wait3A_344 = tpu.memref_slice %arg8[%add3A_337, %dma_wait3A_343] : memref<80x128xi32, #tpu.memory_space<vmem>> -> memref<1x128xi32, #tpu.memory_space<vmem>>
      %dma_wait3A_345 = tpu.memref_squeeze %dma_wait3A_344 : memref<1x128xi32, #tpu.memory_space<vmem>> -> memref<128xi32, #tpu.memory_space<vmem>>
      %dma_wait3A_346 = arith.constant 0 : i32
      %dma_wait3A_347 = arith.constant 0 : i32
      %dma_wait3A_348 = tpu.memref_slice %arg2[%dma_wait3A_346, %dma_wait3A_347] : memref<10240x64xf32, #tpu.memory_space<hbm>> -> memref<10240x64xf32, #tpu.memory_space<hbm>>
      tpu.wait_indirect_dma semaphore(%arg15 : memref<!tpu.dma_semaphore, #tpu.memory_space<semaphore_mem>>) src(%dma_wait3A_348 : memref<10240x64xf32, #tpu.memory_space<hbm>>) dst(%dma_wait3A_342 : memref<128x64xf32, #tpu.memory_space<vmem>>)
      %run_scoped3A_349 = arith.constant 2 : i32
      "tpu.region"() ({
        %run_scoped3A_392 = tpu.sem_alloc : memref<!tpu.dma_semaphore, #tpu.memory_space<semaphore_mem>>
        %dma_start3A_393 = arith.constant 0 : i32
        %dma_start3A_394 = arith.constant 0 : i32
        %dma_start3A_395 = tpu.memref_slice %arg10[%run_scoped3A_349, %dma_start3A_393, %dma_start3A_394] : memref<4x128x64xf32, #tpu.memory_space<vmem>> -> memref<1x128x64xf32, #tpu.memory_space<vmem>>
        %dma_start3A_396 = tpu.memref_squeeze %dma_start3A_395 : memref<1x128x64xf32, #tpu.memory_space<vmem>> -> memref<128x64xf32, #tpu.memory_space<vmem>>
        %dma_start3A_397 = arith.constant 0 : i32
        %dma_start3A_398 = tpu.memref_slice %arg9[%add3A_337, %dma_start3A_397] : memref<80x128xi32, #tpu.memory_space<vmem>> -> memref<1x128xi32, #tpu.memory_space<vmem>>
        %dma_start3A_399 = tpu.memref_squeeze %dma_start3A_398 : memref<1x128xi32, #tpu.memory_space<vmem>> -> memref<128xi32, #tpu.memory_space<vmem>>
        %dma_start3A_400 = arith.constant 0 : i32
        %dma_start3A_401 = arith.constant 0 : i32
        %dma_start3A_402 = tpu.memref_slice %arg12[%dma_start3A_400, %dma_start3A_401] : memref<10240x64xf32, #tpu.memory_space<vmem_shared>> -> memref<10240x64xf32, #tpu.memory_space<vmem_shared>>
        tpu.enqueue_indirect_dma source(%dma_start3A_396 : memref<128x64xf32, #tpu.memory_space<vmem>>) target(%dma_start3A_402 : memref<10240x64xf32, #tpu.memory_space<vmem_shared>>) offsets(%dma_start3A_399 : memref<128xi32, #tpu.memory_space<vmem>>) semaphore(%run_scoped3A_392 : memref<!tpu.dma_semaphore, #tpu.memory_space<semaphore_mem>>) {add = true}
        %dma_wait3A_403 = arith.constant 0 : i32
        %dma_wait3A_404 = arith.constant 0 : i32
        %dma_wait3A_405 = tpu.memref_slice %arg10[%run_scoped3A_349, %dma_wait3A_403, %dma_wait3A_404] : memref<4x128x64xf32, #tpu.memory_space<vmem>> -> memref<1x128x64xf32, #tpu.memory_space<vmem>>
        %dma_wait3A_406 = tpu.memref_squeeze %dma_wait3A_405 : memref<1x128x64xf32, #tpu.memory_space<vmem>> -> memref<128x64xf32, #tpu.memory_space<vmem>>
        %dma_wait3A_407 = arith.constant 0 : i32
        %dma_wait3A_408 = tpu.memref_slice %arg9[%add3A_337, %dma_wait3A_407] : memref<80x128xi32, #tpu.memory_space<vmem>> -> memref<1x128xi32, #tpu.memory_space<vmem>>
        %dma_wait3A_409 = tpu.memref_squeeze %dma_wait3A_408 : memref<1x128xi32, #tpu.memory_space<vmem>> -> memref<128xi32, #tpu.memory_space<vmem>>
        %dma_wait3A_410 = arith.constant 0 : i32
        %dma_wait3A_411 = arith.constant 0 : i32
        %dma_wait3A_412 = tpu.memref_slice %arg12[%dma_wait3A_410, %dma_wait3A_411] : memref<10240x64xf32, #tpu.memory_space<vmem_shared>> -> memref<10240x64xf32, #tpu.memory_space<vmem_shared>>
        tpu.wait_indirect_dma semaphore(%run_scoped3A_392 : memref<!tpu.dma_semaphore, #tpu.memory_space<semaphore_mem>>) src(%dma_wait3A_406 : memref<128x64xf32, #tpu.memory_space<vmem>>) dst(%dma_wait3A_412 : memref<10240x64xf32, #tpu.memory_space<vmem_shared>>)
        tpu.yield
      }) : () -> ()
      %add3A_350 = arith.constant 4 : i32
      %add3A_351 = arith.addi %add3A_337, %add3A_350 : i32
      %dma_start3A_352 = arith.constant 2 : i32
      %dma_start3A_353 = arith.constant 0 : i32
      %dma_start3A_354 = arith.constant 0 : i32
      %dma_start3A_355 = tpu.memref_slice %arg10[%dma_start3A_352, %dma_start3A_353, %dma_start3A_354] : memref<4x128x64xf32, #tpu.memory_space<vmem>> -> memref<1x128x64xf32, #tpu.memory_space<vmem>>
      %dma_start3A_356 = tpu.memref_squeeze %dma_start3A_355 : memref<1x128x64xf32, #tpu.memory_space<vmem>> -> memref<128x64xf32, #tpu.memory_space<vmem>>
      %dma_start3A_357 = arith.constant 0 : i32
      %dma_start3A_358 = tpu.memref_slice %arg8[%add3A_351, %dma_start3A_357] : memref<80x128xi32, #tpu.memory_space<vmem>> -> memref<1x128xi32, #tpu.memory_space<vmem>>
      %dma_start3A_359 = tpu.memref_squeeze %dma_start3A_358 : memref<1x128xi32, #tpu.memory_space<vmem>> -> memref<128xi32, #tpu.memory_space<vmem>>
      %dma_start3A_360 = arith.constant 0 : i32
      %dma_start3A_361 = arith.constant 0 : i32
      %dma_start3A_362 = tpu.memref_slice %arg2[%dma_start3A_360, %dma_start3A_361] : memref<10240x64xf32, #tpu.memory_space<hbm>> -> memref<10240x64xf32, #tpu.memory_space<hbm>>
      tpu.enqueue_indirect_dma source(%dma_start3A_362 : memref<10240x64xf32, #tpu.memory_space<hbm>>) target(%dma_start3A_356 : memref<128x64xf32, #tpu.memory_space<vmem>>) offsets(%dma_start3A_359 : memref<128xi32, #tpu.memory_space<vmem>>) semaphore(%arg15 : memref<!tpu.dma_semaphore, #tpu.memory_space<semaphore_mem>>)
      %mul3A_363 = arith.constant 4 : i32
      %mul3A_364 = arith.muli %scan3A_275, %mul3A_363 : i32
      %add3A_365 = arith.constant 3 : i32
      %add3A_366 = arith.addi %mul3A_364, %add3A_365 : i32
      %dma_wait3A_367 = arith.constant 3 : i32
      %dma_wait3A_368 = arith.constant 0 : i32
      %dma_wait3A_369 = arith.constant 0 : i32
      %dma_wait3A_370 = tpu.memref_slice %arg10[%dma_wait3A_367, %dma_wait3A_368, %dma_wait3A_369] : memref<4x128x64xf32, #tpu.memory_space<vmem>> -> memref<1x128x64xf32, #tpu.memory_space<vmem>>
      %dma_wait3A_371 = tpu.memref_squeeze %dma_wait3A_370 : memref<1x128x64xf32, #tpu.memory_space<vmem>> -> memref<128x64xf32, #tpu.memory_space<vmem>>
      %dma_wait3A_372 = arith.constant 0 : i32
      %dma_wait3A_373 = tpu.memref_slice %arg8[%add3A_366, %dma_wait3A_372] : memref<80x128xi32, #tpu.memory_space<vmem>> -> memref<1x128xi32, #tpu.memory_space<vmem>>
      %dma_wait3A_374 = tpu.memref_squeeze %dma_wait3A_373 : memref<1x128xi32, #tpu.memory_space<vmem>> -> memref<128xi32, #tpu.memory_space<vmem>>
      %dma_wait3A_375 = arith.constant 0 : i32
      %dma_wait3A_376 = arith.constant 0 : i32
      %dma_wait3A_377 = tpu.memref_slice %arg2[%dma_wait3A_375, %dma_wait3A_376] : memref<10240x64xf32, #tpu.memory_space<hbm>> -> memref<10240x64xf32, #tpu.memory_space<hbm>>
      tpu.wait_indirect_dma semaphore(%arg16 : memref<!tpu.dma_semaphore, #tpu.memory_space<semaphore_mem>>) src(%dma_wait3A_377 : memref<10240x64xf32, #tpu.memory_space<hbm>>) dst(%dma_wait3A_371 : memref<128x64xf32, #tpu.memory_space<vmem>>)
      %run_scoped3A_378 = arith.constant 3 : i32
      "tpu.region"() ({
        %run_scoped3A_392 = tpu.sem_alloc : memref<!tpu.dma_semaphore, #tpu.memory_space<semaphore_mem>>
        %dma_start3A_393 = arith.constant 0 : i32
        %dma_start3A_394 = arith.constant 0 : i32
        %dma_start3A_395 = tpu.memref_slice %arg10[%run_scoped3A_378, %dma_start3A_393, %dma_start3A_394] : memref<4x128x64xf32, #tpu.memory_space<vmem>> -> memref<1x128x64xf32, #tpu.memory_space<vmem>>
        %dma_start3A_396 = tpu.memref_squeeze %dma_start3A_395 : memref<1x128x64xf32, #tpu.memory_space<vmem>> -> memref<128x64xf32, #tpu.memory_space<vmem>>
        %dma_start3A_397 = arith.constant 0 : i32
        %dma_start3A_398 = tpu.memref_slice %arg9[%add3A_366, %dma_start3A_397] : memref<80x128xi32, #tpu.memory_space<vmem>> -> memref<1x128xi32, #tpu.memory_space<vmem>>
        %dma_start3A_399 = tpu.memref_squeeze %dma_start3A_398 : memref<1x128xi32, #tpu.memory_space<vmem>> -> memref<128xi32, #tpu.memory_space<vmem>>
        %dma_start3A_400 = arith.constant 0 : i32
        %dma_start3A_401 = arith.constant 0 : i32
        %dma_start3A_402 = tpu.memref_slice %arg12[%dma_start3A_400, %dma_start3A_401] : memref<10240x64xf32, #tpu.memory_space<vmem_shared>> -> memref<10240x64xf32, #tpu.memory_space<vmem_shared>>
        tpu.enqueue_indirect_dma source(%dma_start3A_396 : memref<128x64xf32, #tpu.memory_space<vmem>>) target(%dma_start3A_402 : memref<10240x64xf32, #tpu.memory_space<vmem_shared>>) offsets(%dma_start3A_399 : memref<128xi32, #tpu.memory_space<vmem>>) semaphore(%run_scoped3A_392 : memref<!tpu.dma_semaphore, #tpu.memory_space<semaphore_mem>>) {add = true}
        %dma_wait3A_403 = arith.constant 0 : i32
        %dma_wait3A_404 = arith.constant 0 : i32
        %dma_wait3A_405 = tpu.memref_slice %arg10[%run_scoped3A_378, %dma_wait3A_403, %dma_wait3A_404] : memref<4x128x64xf32, #tpu.memory_space<vmem>> -> memref<1x128x64xf32, #tpu.memory_space<vmem>>
        %dma_wait3A_406 = tpu.memref_squeeze %dma_wait3A_405 : memref<1x128x64xf32, #tpu.memory_space<vmem>> -> memref<128x64xf32, #tpu.memory_space<vmem>>
        %dma_wait3A_407 = arith.constant 0 : i32
        %dma_wait3A_408 = tpu.memref_slice %arg9[%add3A_366, %dma_wait3A_407] : memref<80x128xi32, #tpu.memory_space<vmem>> -> memref<1x128xi32, #tpu.memory_space<vmem>>
        %dma_wait3A_409 = tpu.memref_squeeze %dma_wait3A_408 : memref<1x128xi32, #tpu.memory_space<vmem>> -> memref<128xi32, #tpu.memory_space<vmem>>
        %dma_wait3A_410 = arith.constant 0 : i32
        %dma_wait3A_411 = arith.constant 0 : i32
        %dma_wait3A_412 = tpu.memref_slice %arg12[%dma_wait3A_410, %dma_wait3A_411] : memref<10240x64xf32, #tpu.memory_space<vmem_shared>> -> memref<10240x64xf32, #tpu.memory_space<vmem_shared>>
        tpu.wait_indirect_dma semaphore(%run_scoped3A_392 : memref<!tpu.dma_semaphore, #tpu.memory_space<semaphore_mem>>) src(%dma_wait3A_406 : memref<128x64xf32, #tpu.memory_space<vmem>>) dst(%dma_wait3A_412 : memref<10240x64xf32, #tpu.memory_space<vmem_shared>>)
        tpu.yield
      }) : () -> ()
      %add3A_379 = arith.constant 4 : i32
      %add3A_380 = arith.addi %add3A_366, %add3A_379 : i32
      %dma_start3A_381 = arith.constant 3 : i32
      %dma_start3A_382 = arith.constant 0 : i32
      %dma_start3A_383 = arith.constant 0 : i32
      %dma_start3A_384 = tpu.memref_slice %arg10[%dma_start3A_381, %dma_start3A_382, %dma_start3A_383] : memref<4x128x64xf32, #tpu.memory_space<vmem>> -> memref<1x128x64xf32, #tpu.memory_space<vmem>>
      %dma_start3A_385 = tpu.memref_squeeze %dma_start3A_384 : memref<1x128x64xf32, #tpu.memory_space<vmem>> -> memref<128x64xf32, #tpu.memory_space<vmem>>
      %dma_start3A_386 = arith.constant 0 : i32
      %dma_start3A_387 = tpu.memref_slice %arg8[%add3A_380, %dma_start3A_386] : memref<80x128xi32, #tpu.memory_space<vmem>> -> memref<1x128xi32, #tpu.memory_space<vmem>>
      %dma_start3A_388 = tpu.memref_squeeze %dma_start3A_387 : memref<1x128xi32, #tpu.memory_space<vmem>> -> memref<128xi32, #tpu.memory_space<vmem>>
      %dma_start3A_389 = arith.constant 0 : i32
      %dma_start3A_390 = arith.constant 0 : i32
      %dma_start3A_391 = tpu.memref_slice %arg2[%dma_start3A_389, %dma_start3A_390] : memref<10240x64xf32, #tpu.memory_space<hbm>> -> memref<10240x64xf32, #tpu.memory_space<hbm>>
      tpu.enqueue_indirect_dma source(%dma_start3A_391 : memref<10240x64xf32, #tpu.memory_space<hbm>>) target(%dma_start3A_385 : memref<128x64xf32, #tpu.memory_space<vmem>>) offsets(%dma_start3A_388 : memref<128xi32, #tpu.memory_space<vmem>>) semaphore(%arg16 : memref<!tpu.dma_semaphore, #tpu.memory_space<semaphore_mem>>)
    }
    %scan3A_79 = arith.constant 19 : i32
    %dma_wait3A = arith.constant 76 : i32
    %dma_wait3A_80 = arith.constant 0 : i32
    %dma_wait3A_81 = arith.constant 0 : i32
    %dma_wait3A_82 = arith.constant 0 : i32
    %dma_wait3A_83 = tpu.memref_slice %arg10[%dma_wait3A_80, %dma_wait3A_81, %dma_wait3A_82] : memref<4x128x64xf32, #tpu.memory_space<vmem>> -> memref<1x128x64xf32, #tpu.memory_space<vmem>>
    %dma_wait3A_84 = tpu.memref_squeeze %dma_wait3A_83 : memref<1x128x64xf32, #tpu.memory_space<vmem>> -> memref<128x64xf32, #tpu.memory_space<vmem>>
    %dma_wait3A_85 = arith.constant 0 : i32
    %dma_wait3A_86 = tpu.memref_slice %arg8[%dma_wait3A, %dma_wait3A_85] : memref<80x128xi32, #tpu.memory_space<vmem>> -> memref<1x128xi32, #tpu.memory_space<vmem>>
    %dma_wait3A_87 = tpu.memref_squeeze %dma_wait3A_86 : memref<1x128xi32, #tpu.memory_space<vmem>> -> memref<128xi32, #tpu.memory_space<vmem>>
    %dma_wait3A_88 = arith.constant 0 : i32
    %dma_wait3A_89 = arith.constant 0 : i32
    %dma_wait3A_90 = tpu.memref_slice %arg2[%dma_wait3A_88, %dma_wait3A_89] : memref<10240x64xf32, #tpu.memory_space<hbm>> -> memref<10240x64xf32, #tpu.memory_space<hbm>>
    tpu.wait_indirect_dma semaphore(%arg13 : memref<!tpu.dma_semaphore, #tpu.memory_space<semaphore_mem>>) src(%dma_wait3A_90 : memref<10240x64xf32, #tpu.memory_space<hbm>>) dst(%dma_wait3A_84 : memref<128x64xf32, #tpu.memory_space<vmem>>)
    %run_scoped3A = arith.constant 0 : i32
    %run_scoped3A_91 = arith.constant 76 : i32
    "tpu.region"() ({
      %run_scoped3A_275 = tpu.sem_alloc : memref<!tpu.dma_semaphore, #tpu.memory_space<semaphore_mem>>
      %dma_start3A_276 = arith.constant 0 : i32
      %dma_start3A_277 = arith.constant 0 : i32
      %dma_start3A_278 = tpu.memref_slice %arg10[%run_scoped3A, %dma_start3A_276, %dma_start3A_277] : memref<4x128x64xf32, #tpu.memory_space<vmem>> -> memref<1x128x64xf32, #tpu.memory_space<vmem>>
      %dma_start3A_279 = tpu.memref_squeeze %dma_start3A_278 : memref<1x128x64xf32, #tpu.memory_space<vmem>> -> memref<128x64xf32, #tpu.memory_space<vmem>>
      %dma_start3A_280 = arith.constant 0 : i32
      %dma_start3A_281 = tpu.memref_slice %arg9[%run_scoped3A_91, %dma_start3A_280] : memref<80x128xi32, #tpu.memory_space<vmem>> -> memref<1x128xi32, #tpu.memory_space<vmem>>
      %dma_start3A_282 = tpu.memref_squeeze %dma_start3A_281 : memref<1x128xi32, #tpu.memory_space<vmem>> -> memref<128xi32, #tpu.memory_space<vmem>>
      %dma_start3A_283 = arith.constant 0 : i32
      %dma_start3A_284 = arith.constant 0 : i32
      %dma_start3A_285 = tpu.memref_slice %arg12[%dma_start3A_283, %dma_start3A_284] : memref<10240x64xf32, #tpu.memory_space<vmem_shared>> -> memref<10240x64xf32, #tpu.memory_space<vmem_shared>>
      tpu.enqueue_indirect_dma source(%dma_start3A_279 : memref<128x64xf32, #tpu.memory_space<vmem>>) target(%dma_start3A_285 : memref<10240x64xf32, #tpu.memory_space<vmem_shared>>) offsets(%dma_start3A_282 : memref<128xi32, #tpu.memory_space<vmem>>) semaphore(%run_scoped3A_275 : memref<!tpu.dma_semaphore, #tpu.memory_space<semaphore_mem>>) {add = true}
      %dma_wait3A_286 = arith.constant 0 : i32
      %dma_wait3A_287 = arith.constant 0 : i32
      %dma_wait3A_288 = tpu.memref_slice %arg10[%run_scoped3A, %dma_wait3A_286, %dma_wait3A_287] : memref<4x128x64xf32, #tpu.memory_space<vmem>> -> memref<1x128x64xf32, #tpu.memory_space<vmem>>
      %dma_wait3A_289 = tpu.memref_squeeze %dma_wait3A_288 : memref<1x128x64xf32, #tpu.memory_space<vmem>> -> memref<128x64xf32, #tpu.memory_space<vmem>>
      %dma_wait3A_290 = arith.constant 0 : i32
      %dma_wait3A_291 = tpu.memref_slice %arg9[%run_scoped3A_91, %dma_wait3A_290] : memref<80x128xi32, #tpu.memory_space<vmem>> -> memref<1x128xi32, #tpu.memory_space<vmem>>
      %dma_wait3A_292 = tpu.memref_squeeze %dma_wait3A_291 : memref<1x128xi32, #tpu.memory_space<vmem>> -> memref<128xi32, #tpu.memory_space<vmem>>
      %dma_wait3A_293 = arith.constant 0 : i32
      %dma_wait3A_294 = arith.constant 0 : i32
      %dma_wait3A_295 = tpu.memref_slice %arg12[%dma_wait3A_293, %dma_wait3A_294] : memref<10240x64xf32, #tpu.memory_space<vmem_shared>> -> memref<10240x64xf32, #tpu.memory_space<vmem_shared>>
      tpu.wait_indirect_dma semaphore(%run_scoped3A_275 : memref<!tpu.dma_semaphore, #tpu.memory_space<semaphore_mem>>) src(%dma_wait3A_289 : memref<128x64xf32, #tpu.memory_space<vmem>>) dst(%dma_wait3A_295 : memref<10240x64xf32, #tpu.memory_space<vmem_shared>>)
      tpu.yield
    }) : () -> ()
    %dma_start3A_92 = arith.constant 0 : i32
    %dma_start3A_93 = arith.constant 0 : i32
    %dma_start3A_94 = arith.constant 0 : i32
    %dma_start3A_95 = arith.constant 0 : i32
    %dma_start3A_96 = tpu.memref_slice %arg10[%dma_start3A_93, %dma_start3A_94, %dma_start3A_95] : memref<4x128x64xf32, #tpu.memory_space<vmem>> -> memref<1x128x64xf32, #tpu.memory_space<vmem>>
    %dma_start3A_97 = tpu.memref_squeeze %dma_start3A_96 : memref<1x128x64xf32, #tpu.memory_space<vmem>> -> memref<128x64xf32, #tpu.memory_space<vmem>>
    %dma_start3A_98 = arith.constant 0 : i32
    %dma_start3A_99 = tpu.memref_slice %arg8[%dma_start3A_92, %dma_start3A_98] : memref<80x128xi32, #tpu.memory_space<vmem>> -> memref<1x128xi32, #tpu.memory_space<vmem>>
    %dma_start3A_100 = tpu.memref_squeeze %dma_start3A_99 : memref<1x128xi32, #tpu.memory_space<vmem>> -> memref<128xi32, #tpu.memory_space<vmem>>
    %dma_start3A_101 = arith.constant 0 : i32
    %dma_start3A_102 = arith.constant 0 : i32
    %dma_start3A_103 = tpu.memref_slice %arg3[%dma_start3A_101, %dma_start3A_102] : memref<10240x64xf32, #tpu.memory_space<hbm>> -> memref<10240x64xf32, #tpu.memory_space<hbm>>
    tpu.enqueue_indirect_dma source(%dma_start3A_103 : memref<10240x64xf32, #tpu.memory_space<hbm>>) target(%dma_start3A_97 : memref<128x64xf32, #tpu.memory_space<vmem>>) offsets(%dma_start3A_100 : memref<128xi32, #tpu.memory_space<vmem>>) semaphore(%arg13 : memref<!tpu.dma_semaphore, #tpu.memory_space<semaphore_mem>>)
    %dma_wait3A_104 = arith.constant 77 : i32
    %dma_wait3A_105 = arith.constant 1 : i32
    %dma_wait3A_106 = arith.constant 0 : i32
    %dma_wait3A_107 = arith.constant 0 : i32
    %dma_wait3A_108 = tpu.memref_slice %arg10[%dma_wait3A_105, %dma_wait3A_106, %dma_wait3A_107] : memref<4x128x64xf32, #tpu.memory_space<vmem>> -> memref<1x128x64xf32, #tpu.memory_space<vmem>>
    %dma_wait3A_109 = tpu.memref_squeeze %dma_wait3A_108 : memref<1x128x64xf32, #tpu.memory_space<vmem>> -> memref<128x64xf32, #tpu.memory_space<vmem>>
    %dma_wait3A_110 = arith.constant 0 : i32
    %dma_wait3A_111 = tpu.memref_slice %arg8[%dma_wait3A_104, %dma_wait3A_110] : memref<80x128xi32, #tpu.memory_space<vmem>> -> memref<1x128xi32, #tpu.memory_space<vmem>>
    %dma_wait3A_112 = tpu.memref_squeeze %dma_wait3A_111 : memref<1x128xi32, #tpu.memory_space<vmem>> -> memref<128xi32, #tpu.memory_space<vmem>>
    %dma_wait3A_113 = arith.constant 0 : i32
    %dma_wait3A_114 = arith.constant 0 : i32
    %dma_wait3A_115 = tpu.memref_slice %arg2[%dma_wait3A_113, %dma_wait3A_114] : memref<10240x64xf32, #tpu.memory_space<hbm>> -> memref<10240x64xf32, #tpu.memory_space<hbm>>
    tpu.wait_indirect_dma semaphore(%arg14 : memref<!tpu.dma_semaphore, #tpu.memory_space<semaphore_mem>>) src(%dma_wait3A_115 : memref<10240x64xf32, #tpu.memory_space<hbm>>) dst(%dma_wait3A_109 : memref<128x64xf32, #tpu.memory_space<vmem>>)
    %run_scoped3A_116 = arith.constant 1 : i32
    %run_scoped3A_117 = arith.constant 77 : i32
    "tpu.region"() ({
      %run_scoped3A_275 = tpu.sem_alloc : memref<!tpu.dma_semaphore, #tpu.memory_space<semaphore_mem>>
      %dma_start3A_276 = arith.constant 0 : i32
      %dma_start3A_277 = arith.constant 0 : i32
      %dma_start3A_278 = tpu.memref_slice %arg10[%run_scoped3A_116, %dma_start3A_276, %dma_start3A_277] : memref<4x128x64xf32, #tpu.memory_space<vmem>> -> memref<1x128x64xf32, #tpu.memory_space<vmem>>
      %dma_start3A_279 = tpu.memref_squeeze %dma_start3A_278 : memref<1x128x64xf32, #tpu.memory_space<vmem>> -> memref<128x64xf32, #tpu.memory_space<vmem>>
      %dma_start3A_280 = arith.constant 0 : i32
      %dma_start3A_281 = tpu.memref_slice %arg9[%run_scoped3A_117, %dma_start3A_280] : memref<80x128xi32, #tpu.memory_space<vmem>> -> memref<1x128xi32, #tpu.memory_space<vmem>>
      %dma_start3A_282 = tpu.memref_squeeze %dma_start3A_281 : memref<1x128xi32, #tpu.memory_space<vmem>> -> memref<128xi32, #tpu.memory_space<vmem>>
      %dma_start3A_283 = arith.constant 0 : i32
      %dma_start3A_284 = arith.constant 0 : i32
      %dma_start3A_285 = tpu.memref_slice %arg12[%dma_start3A_283, %dma_start3A_284] : memref<10240x64xf32, #tpu.memory_space<vmem_shared>> -> memref<10240x64xf32, #tpu.memory_space<vmem_shared>>
      tpu.enqueue_indirect_dma source(%dma_start3A_279 : memref<128x64xf32, #tpu.memory_space<vmem>>) target(%dma_start3A_285 : memref<10240x64xf32, #tpu.memory_space<vmem_shared>>) offsets(%dma_start3A_282 : memref<128xi32, #tpu.memory_space<vmem>>) semaphore(%run_scoped3A_275 : memref<!tpu.dma_semaphore, #tpu.memory_space<semaphore_mem>>) {add = true}
      %dma_wait3A_286 = arith.constant 0 : i32
      %dma_wait3A_287 = arith.constant 0 : i32
      %dma_wait3A_288 = tpu.memref_slice %arg10[%run_scoped3A_116, %dma_wait3A_286, %dma_wait3A_287] : memref<4x128x64xf32, #tpu.memory_space<vmem>> -> memref<1x128x64xf32, #tpu.memory_space<vmem>>
      %dma_wait3A_289 = tpu.memref_squeeze %dma_wait3A_288 : memref<1x128x64xf32, #tpu.memory_space<vmem>> -> memref<128x64xf32, #tpu.memory_space<vmem>>
      %dma_wait3A_290 = arith.constant 0 : i32
      %dma_wait3A_291 = tpu.memref_slice %arg9[%run_scoped3A_117, %dma_wait3A_290] : memref<80x128xi32, #tpu.memory_space<vmem>> -> memref<1x128xi32, #tpu.memory_space<vmem>>
      %dma_wait3A_292 = tpu.memref_squeeze %dma_wait3A_291 : memref<1x128xi32, #tpu.memory_space<vmem>> -> memref<128xi32, #tpu.memory_space<vmem>>
      %dma_wait3A_293 = arith.constant 0 : i32
      %dma_wait3A_294 = arith.constant 0 : i32
      %dma_wait3A_295 = tpu.memref_slice %arg12[%dma_wait3A_293, %dma_wait3A_294] : memref<10240x64xf32, #tpu.memory_space<vmem_shared>> -> memref<10240x64xf32, #tpu.memory_space<vmem_shared>>
      tpu.wait_indirect_dma semaphore(%run_scoped3A_275 : memref<!tpu.dma_semaphore, #tpu.memory_space<semaphore_mem>>) src(%dma_wait3A_289 : memref<128x64xf32, #tpu.memory_space<vmem>>) dst(%dma_wait3A_295 : memref<10240x64xf32, #tpu.memory_space<vmem_shared>>)
      tpu.yield
    }) : () -> ()
    %dma_start3A_118 = arith.constant 1 : i32
    %dma_start3A_119 = arith.constant 1 : i32
    %dma_start3A_120 = arith.constant 0 : i32
    %dma_start3A_121 = arith.constant 0 : i32
    %dma_start3A_122 = tpu.memref_slice %arg10[%dma_start3A_119, %dma_start3A_120, %dma_start3A_121] : memref<4x128x64xf32, #tpu.memory_space<vmem>> -> memref<1x128x64xf32, #tpu.memory_space<vmem>>
    %dma_start3A_123 = tpu.memref_squeeze %dma_start3A_122 : memref<1x128x64xf32, #tpu.memory_space<vmem>> -> memref<128x64xf32, #tpu.memory_space<vmem>>
    %dma_start3A_124 = arith.constant 0 : i32
    %dma_start3A_125 = tpu.memref_slice %arg8[%dma_start3A_118, %dma_start3A_124] : memref<80x128xi32, #tpu.memory_space<vmem>> -> memref<1x128xi32, #tpu.memory_space<vmem>>
    %dma_start3A_126 = tpu.memref_squeeze %dma_start3A_125 : memref<1x128xi32, #tpu.memory_space<vmem>> -> memref<128xi32, #tpu.memory_space<vmem>>
    %dma_start3A_127 = arith.constant 0 : i32
    %dma_start3A_128 = arith.constant 0 : i32
    %dma_start3A_129 = tpu.memref_slice %arg3[%dma_start3A_127, %dma_start3A_128] : memref<10240x64xf32, #tpu.memory_space<hbm>> -> memref<10240x64xf32, #tpu.memory_space<hbm>>
    tpu.enqueue_indirect_dma source(%dma_start3A_129 : memref<10240x64xf32, #tpu.memory_space<hbm>>) target(%dma_start3A_123 : memref<128x64xf32, #tpu.memory_space<vmem>>) offsets(%dma_start3A_126 : memref<128xi32, #tpu.memory_space<vmem>>) semaphore(%arg14 : memref<!tpu.dma_semaphore, #tpu.memory_space<semaphore_mem>>)
    %dma_wait3A_130 = arith.constant 78 : i32
    %dma_wait3A_131 = arith.constant 2 : i32
    %dma_wait3A_132 = arith.constant 0 : i32
    %dma_wait3A_133 = arith.constant 0 : i32
    %dma_wait3A_134 = tpu.memref_slice %arg10[%dma_wait3A_131, %dma_wait3A_132, %dma_wait3A_133] : memref<4x128x64xf32, #tpu.memory_space<vmem>> -> memref<1x128x64xf32, #tpu.memory_space<vmem>>
    %dma_wait3A_135 = tpu.memref_squeeze %dma_wait3A_134 : memref<1x128x64xf32, #tpu.memory_space<vmem>> -> memref<128x64xf32, #tpu.memory_space<vmem>>
    %dma_wait3A_136 = arith.constant 0 : i32
    %dma_wait3A_137 = tpu.memref_slice %arg8[%dma_wait3A_130, %dma_wait3A_136] : memref<80x128xi32, #tpu.memory_space<vmem>> -> memref<1x128xi32, #tpu.memory_space<vmem>>
    %dma_wait3A_138 = tpu.memref_squeeze %dma_wait3A_137 : memref<1x128xi32, #tpu.memory_space<vmem>> -> memref<128xi32, #tpu.memory_space<vmem>>
    %dma_wait3A_139 = arith.constant 0 : i32
    %dma_wait3A_140 = arith.constant 0 : i32
    %dma_wait3A_141 = tpu.memref_slice %arg2[%dma_wait3A_139, %dma_wait3A_140] : memref<10240x64xf32, #tpu.memory_space<hbm>> -> memref<10240x64xf32, #tpu.memory_space<hbm>>
    tpu.wait_indirect_dma semaphore(%arg15 : memref<!tpu.dma_semaphore, #tpu.memory_space<semaphore_mem>>) src(%dma_wait3A_141 : memref<10240x64xf32, #tpu.memory_space<hbm>>) dst(%dma_wait3A_135 : memref<128x64xf32, #tpu.memory_space<vmem>>)
    %run_scoped3A_142 = arith.constant 2 : i32
    %run_scoped3A_143 = arith.constant 78 : i32
    "tpu.region"() ({
      %run_scoped3A_275 = tpu.sem_alloc : memref<!tpu.dma_semaphore, #tpu.memory_space<semaphore_mem>>
      %dma_start3A_276 = arith.constant 0 : i32
      %dma_start3A_277 = arith.constant 0 : i32
      %dma_start3A_278 = tpu.memref_slice %arg10[%run_scoped3A_142, %dma_start3A_276, %dma_start3A_277] : memref<4x128x64xf32, #tpu.memory_space<vmem>> -> memref<1x128x64xf32, #tpu.memory_space<vmem>>
      %dma_start3A_279 = tpu.memref_squeeze %dma_start3A_278 : memref<1x128x64xf32, #tpu.memory_space<vmem>> -> memref<128x64xf32, #tpu.memory_space<vmem>>
      %dma_start3A_280 = arith.constant 0 : i32
      %dma_start3A_281 = tpu.memref_slice %arg9[%run_scoped3A_143, %dma_start3A_280] : memref<80x128xi32, #tpu.memory_space<vmem>> -> memref<1x128xi32, #tpu.memory_space<vmem>>
      %dma_start3A_282 = tpu.memref_squeeze %dma_start3A_281 : memref<1x128xi32, #tpu.memory_space<vmem>> -> memref<128xi32, #tpu.memory_space<vmem>>
      %dma_start3A_283 = arith.constant 0 : i32
      %dma_start3A_284 = arith.constant 0 : i32
      %dma_start3A_285 = tpu.memref_slice %arg12[%dma_start3A_283, %dma_start3A_284] : memref<10240x64xf32, #tpu.memory_space<vmem_shared>> -> memref<10240x64xf32, #tpu.memory_space<vmem_shared>>
      tpu.enqueue_indirect_dma source(%dma_start3A_279 : memref<128x64xf32, #tpu.memory_space<vmem>>) target(%dma_start3A_285 : memref<10240x64xf32, #tpu.memory_space<vmem_shared>>) offsets(%dma_start3A_282 : memref<128xi32, #tpu.memory_space<vmem>>) semaphore(%run_scoped3A_275 : memref<!tpu.dma_semaphore, #tpu.memory_space<semaphore_mem>>) {add = true}
      %dma_wait3A_286 = arith.constant 0 : i32
      %dma_wait3A_287 = arith.constant 0 : i32
      %dma_wait3A_288 = tpu.memref_slice %arg10[%run_scoped3A_142, %dma_wait3A_286, %dma_wait3A_287] : memref<4x128x64xf32, #tpu.memory_space<vmem>> -> memref<1x128x64xf32, #tpu.memory_space<vmem>>
      %dma_wait3A_289 = tpu.memref_squeeze %dma_wait3A_288 : memref<1x128x64xf32, #tpu.memory_space<vmem>> -> memref<128x64xf32, #tpu.memory_space<vmem>>
      %dma_wait3A_290 = arith.constant 0 : i32
      %dma_wait3A_291 = tpu.memref_slice %arg9[%run_scoped3A_143, %dma_wait3A_290] : memref<80x128xi32, #tpu.memory_space<vmem>> -> memref<1x128xi32, #tpu.memory_space<vmem>>
      %dma_wait3A_292 = tpu.memref_squeeze %dma_wait3A_291 : memref<1x128xi32, #tpu.memory_space<vmem>> -> memref<128xi32, #tpu.memory_space<vmem>>
      %dma_wait3A_293 = arith.constant 0 : i32
      %dma_wait3A_294 = arith.constant 0 : i32
      %dma_wait3A_295 = tpu.memref_slice %arg12[%dma_wait3A_293, %dma_wait3A_294] : memref<10240x64xf32, #tpu.memory_space<vmem_shared>> -> memref<10240x64xf32, #tpu.memory_space<vmem_shared>>
      tpu.wait_indirect_dma semaphore(%run_scoped3A_275 : memref<!tpu.dma_semaphore, #tpu.memory_space<semaphore_mem>>) src(%dma_wait3A_289 : memref<128x64xf32, #tpu.memory_space<vmem>>) dst(%dma_wait3A_295 : memref<10240x64xf32, #tpu.memory_space<vmem_shared>>)
      tpu.yield
    }) : () -> ()
    %dma_start3A_144 = arith.constant 2 : i32
    %dma_start3A_145 = arith.constant 2 : i32
    %dma_start3A_146 = arith.constant 0 : i32
    %dma_start3A_147 = arith.constant 0 : i32
    %dma_start3A_148 = tpu.memref_slice %arg10[%dma_start3A_145, %dma_start3A_146, %dma_start3A_147] : memref<4x128x64xf32, #tpu.memory_space<vmem>> -> memref<1x128x64xf32, #tpu.memory_space<vmem>>
    %dma_start3A_149 = tpu.memref_squeeze %dma_start3A_148 : memref<1x128x64xf32, #tpu.memory_space<vmem>> -> memref<128x64xf32, #tpu.memory_space<vmem>>
    %dma_start3A_150 = arith.constant 0 : i32
    %dma_start3A_151 = tpu.memref_slice %arg8[%dma_start3A_144, %dma_start3A_150] : memref<80x128xi32, #tpu.memory_space<vmem>> -> memref<1x128xi32, #tpu.memory_space<vmem>>
    %dma_start3A_152 = tpu.memref_squeeze %dma_start3A_151 : memref<1x128xi32, #tpu.memory_space<vmem>> -> memref<128xi32, #tpu.memory_space<vmem>>
    %dma_start3A_153 = arith.constant 0 : i32
    %dma_start3A_154 = arith.constant 0 : i32
    %dma_start3A_155 = tpu.memref_slice %arg3[%dma_start3A_153, %dma_start3A_154] : memref<10240x64xf32, #tpu.memory_space<hbm>> -> memref<10240x64xf32, #tpu.memory_space<hbm>>
    tpu.enqueue_indirect_dma source(%dma_start3A_155 : memref<10240x64xf32, #tpu.memory_space<hbm>>) target(%dma_start3A_149 : memref<128x64xf32, #tpu.memory_space<vmem>>) offsets(%dma_start3A_152 : memref<128xi32, #tpu.memory_space<vmem>>) semaphore(%arg15 : memref<!tpu.dma_semaphore, #tpu.memory_space<semaphore_mem>>)
    %dma_wait3A_156 = arith.constant 79 : i32
    %dma_wait3A_157 = arith.constant 3 : i32
    %dma_wait3A_158 = arith.constant 0 : i32
    %dma_wait3A_159 = arith.constant 0 : i32
    %dma_wait3A_160 = tpu.memref_slice %arg10[%dma_wait3A_157, %dma_wait3A_158, %dma_wait3A_159] : memref<4x128x64xf32, #tpu.memory_space<vmem>> -> memref<1x128x64xf32, #tpu.memory_space<vmem>>
    %dma_wait3A_161 = tpu.memref_squeeze %dma_wait3A_160 : memref<1x128x64xf32, #tpu.memory_space<vmem>> -> memref<128x64xf32, #tpu.memory_space<vmem>>
    %dma_wait3A_162 = arith.constant 0 : i32
    %dma_wait3A_163 = tpu.memref_slice %arg8[%dma_wait3A_156, %dma_wait3A_162] : memref<80x128xi32, #tpu.memory_space<vmem>> -> memref<1x128xi32, #tpu.memory_space<vmem>>
    %dma_wait3A_164 = tpu.memref_squeeze %dma_wait3A_163 : memref<1x128xi32, #tpu.memory_space<vmem>> -> memref<128xi32, #tpu.memory_space<vmem>>
    %dma_wait3A_165 = arith.constant 0 : i32
    %dma_wait3A_166 = arith.constant 0 : i32
    %dma_wait3A_167 = tpu.memref_slice %arg2[%dma_wait3A_165, %dma_wait3A_166] : memref<10240x64xf32, #tpu.memory_space<hbm>> -> memref<10240x64xf32, #tpu.memory_space<hbm>>
    tpu.wait_indirect_dma semaphore(%arg16 : memref<!tpu.dma_semaphore, #tpu.memory_space<semaphore_mem>>) src(%dma_wait3A_167 : memref<10240x64xf32, #tpu.memory_space<hbm>>) dst(%dma_wait3A_161 : memref<128x64xf32, #tpu.memory_space<vmem>>)
    %run_scoped3A_168 = arith.constant 3 : i32
    %run_scoped3A_169 = arith.constant 79 : i32
    "tpu.region"() ({
      %run_scoped3A_275 = tpu.sem_alloc : memref<!tpu.dma_semaphore, #tpu.memory_space<semaphore_mem>>
      %dma_start3A_276 = arith.constant 0 : i32
      %dma_start3A_277 = arith.constant 0 : i32
      %dma_start3A_278 = tpu.memref_slice %arg10[%run_scoped3A_168, %dma_start3A_276, %dma_start3A_277] : memref<4x128x64xf32, #tpu.memory_space<vmem>> -> memref<1x128x64xf32, #tpu.memory_space<vmem>>
      %dma_start3A_279 = tpu.memref_squeeze %dma_start3A_278 : memref<1x128x64xf32, #tpu.memory_space<vmem>> -> memref<128x64xf32, #tpu.memory_space<vmem>>
      %dma_start3A_280 = arith.constant 0 : i32
      %dma_start3A_281 = tpu.memref_slice %arg9[%run_scoped3A_169, %dma_start3A_280] : memref<80x128xi32, #tpu.memory_space<vmem>> -> memref<1x128xi32, #tpu.memory_space<vmem>>
      %dma_start3A_282 = tpu.memref_squeeze %dma_start3A_281 : memref<1x128xi32, #tpu.memory_space<vmem>> -> memref<128xi32, #tpu.memory_space<vmem>>
      %dma_start3A_283 = arith.constant 0 : i32
      %dma_start3A_284 = arith.constant 0 : i32
      %dma_start3A_285 = tpu.memref_slice %arg12[%dma_start3A_283, %dma_start3A_284] : memref<10240x64xf32, #tpu.memory_space<vmem_shared>> -> memref<10240x64xf32, #tpu.memory_space<vmem_shared>>
      tpu.enqueue_indirect_dma source(%dma_start3A_279 : memref<128x64xf32, #tpu.memory_space<vmem>>) target(%dma_start3A_285 : memref<10240x64xf32, #tpu.memory_space<vmem_shared>>) offsets(%dma_start3A_282 : memref<128xi32, #tpu.memory_space<vmem>>) semaphore(%run_scoped3A_275 : memref<!tpu.dma_semaphore, #tpu.memory_space<semaphore_mem>>) {add = true}
      %dma_wait3A_286 = arith.constant 0 : i32
      %dma_wait3A_287 = arith.constant 0 : i32
      %dma_wait3A_288 = tpu.memref_slice %arg10[%run_scoped3A_168, %dma_wait3A_286, %dma_wait3A_287] : memref<4x128x64xf32, #tpu.memory_space<vmem>> -> memref<1x128x64xf32, #tpu.memory_space<vmem>>
      %dma_wait3A_289 = tpu.memref_squeeze %dma_wait3A_288 : memref<1x128x64xf32, #tpu.memory_space<vmem>> -> memref<128x64xf32, #tpu.memory_space<vmem>>
      %dma_wait3A_290 = arith.constant 0 : i32
      %dma_wait3A_291 = tpu.memref_slice %arg9[%run_scoped3A_169, %dma_wait3A_290] : memref<80x128xi32, #tpu.memory_space<vmem>> -> memref<1x128xi32, #tpu.memory_space<vmem>>
      %dma_wait3A_292 = tpu.memref_squeeze %dma_wait3A_291 : memref<1x128xi32, #tpu.memory_space<vmem>> -> memref<128xi32, #tpu.memory_space<vmem>>
      %dma_wait3A_293 = arith.constant 0 : i32
      %dma_wait3A_294 = arith.constant 0 : i32
      %dma_wait3A_295 = tpu.memref_slice %arg12[%dma_wait3A_293, %dma_wait3A_294] : memref<10240x64xf32, #tpu.memory_space<vmem_shared>> -> memref<10240x64xf32, #tpu.memory_space<vmem_shared>>
      tpu.wait_indirect_dma semaphore(%run_scoped3A_275 : memref<!tpu.dma_semaphore, #tpu.memory_space<semaphore_mem>>) src(%dma_wait3A_289 : memref<128x64xf32, #tpu.memory_space<vmem>>) dst(%dma_wait3A_295 : memref<10240x64xf32, #tpu.memory_space<vmem_shared>>)
      tpu.yield
    }) : () -> ()
    %dma_start3A_170 = arith.constant 3 : i32
    %dma_start3A_171 = arith.constant 3 : i32
    %dma_start3A_172 = arith.constant 0 : i32
    %dma_start3A_173 = arith.constant 0 : i32
    %dma_start3A_174 = tpu.memref_slice %arg10[%dma_start3A_171, %dma_start3A_172, %dma_start3A_173] : memref<4x128x64xf32, #tpu.memory_space<vmem>> -> memref<1x128x64xf32, #tpu.memory_space<vmem>>
    %dma_start3A_175 = tpu.memref_squeeze %dma_start3A_174 : memref<1x128x64xf32, #tpu.memory_space<vmem>> -> memref<128x64xf32, #tpu.memory_space<vmem>>
    %dma_start3A_176 = arith.constant 0 : i32
    %dma_start3A_177 = tpu.memref_slice %arg8[%dma_start3A_170, %dma_start3A_176] : memref<80x128xi32, #tpu.memory_space<vmem>> -> memref<1x128xi32, #tpu.memory_space<vmem>>
    %dma_start3A_178 = tpu.memref_squeeze %dma_start3A_177 : memref<1x128xi32, #tpu.memory_space<vmem>> -> memref<128xi32, #tpu.memory_space<vmem>>
    %dma_start3A_179 = arith.constant 0 : i32
    %dma_start3A_180 = arith.constant 0 : i32
    %dma_start3A_181 = tpu.memref_slice %arg3[%dma_start3A_179, %dma_start3A_180] : memref<10240x64xf32, #tpu.memory_space<hbm>> -> memref<10240x64xf32, #tpu.memory_space<hbm>>
    tpu.enqueue_indirect_dma source(%dma_start3A_181 : memref<10240x64xf32, #tpu.memory_space<hbm>>) target(%dma_start3A_175 : memref<128x64xf32, #tpu.memory_space<vmem>>) offsets(%dma_start3A_178 : memref<128xi32, #tpu.memory_space<vmem>>) semaphore(%arg16 : memref<!tpu.dma_semaphore, #tpu.memory_space<semaphore_mem>>)
    %barrier3A_182 = arith.constant 0 : index
    tpu.barrier barrier_id(%barrier3A_182)
    %mul3A_183 = arith.constant 640 : i32
    %mul3A_184 = arith.muli %arg1, %mul3A_183 : i32
    %mul3A_185 = arith.constant 640 : i32
    %mul3A_186 = arith.muli %arg1, %mul3A_185 : i32
    "tpu.region"() ({
      %run_scoped3A_275 = tpu.sem_alloc : memref<!tpu.dma_semaphore, #tpu.memory_space<semaphore_mem>>
      %dma_start3A_276 = arith.constant 0 : i32
      %dma_start3A_277 = tpu.memref_slice %arg6[%arg0, %mul3A_186, %dma_start3A_276] : memref<2x10240x64xf32, #tpu.memory_space<hbm>> -> memref<1x640x64xf32, #tpu.memory_space<hbm>>
      %dma_start3A_278 = tpu.memref_squeeze %dma_start3A_277 : memref<1x640x64xf32, #tpu.memory_space<hbm>> -> memref<640x64xf32, #tpu.memory_space<hbm>>
      %dma_start3A_279 = arith.constant 0 : i32
      %dma_start3A_280 = tpu.memref_slice %arg12[%mul3A_184, %dma_start3A_279] : memref<10240x64xf32, #tpu.memory_space<vmem_shared>> -> memref<640x64xf32, #tpu.memory_space<vmem_shared>>
      tpu.enqueue_dma source(%dma_start3A_280 : memref<640x64xf32, #tpu.memory_space<vmem_shared>>) target(%dma_start3A_278 : memref<640x64xf32, #tpu.memory_space<hbm>>) target_semaphore(%run_scoped3A_275 : memref<!tpu.dma_semaphore, #tpu.memory_space<semaphore_mem>>)
      %dma_wait3A_281 = arith.constant 0 : i32
      %dma_wait3A_282 = tpu.memref_slice %arg6[%arg0, %mul3A_186, %dma_wait3A_281] : memref<2x10240x64xf32, #tpu.memory_space<hbm>> -> memref<1x640x64xf32, #tpu.memory_space<hbm>>
      %dma_wait3A_283 = tpu.memref_squeeze %dma_wait3A_282 : memref<1x640x64xf32, #tpu.memory_space<hbm>> -> memref<640x64xf32, #tpu.memory_space<hbm>>
      %dma_wait3A_284 = arith.constant 0 : i32
      %dma_wait3A_285 = tpu.memref_slice %arg12[%mul3A_184, %dma_wait3A_284] : memref<10240x64xf32, #tpu.memory_space<vmem_shared>> -> memref<640x64xf32, #tpu.memory_space<vmem_shared>>
      tpu.wait_dma2 semaphore(%run_scoped3A_275 : memref<!tpu.dma_semaphore, #tpu.memory_space<semaphore_mem>>) src(%dma_wait3A_285 : memref<640x64xf32, #tpu.memory_space<vmem_shared>>) dst(%dma_wait3A_283 : memref<640x64xf32, #tpu.memory_space<hbm>>)
      tpu.yield
    }) : () -> ()
    %mul3A_187 = arith.constant 640 : i32
    %mul3A_188 = arith.muli %arg1, %mul3A_187 : i32
    %add3A_189 = arith.constant 0 : i32
    %add3A_190 = arith.addi %mul3A_188, %add3A_189 : i32
    "tpu.region"() ({
      %run_scoped3A_275 = tpu.sem_alloc : memref<!tpu.dma_semaphore, #tpu.memory_space<semaphore_mem>>
      %dma_start3A_276 = arith.constant 0 : i32
      %dma_start3A_277 = tpu.memref_slice %arg12[%add3A_190, %dma_start3A_276] : memref<10240x64xf32, #tpu.memory_space<vmem_shared>> -> memref<128x64xf32, #tpu.memory_space<vmem_shared>>
      %dma_start3A_278 = arith.constant 0 : i32
      %dma_start3A_279 = tpu.memref_slice %arg12[%add3A_190, %dma_start3A_278] : memref<10240x64xf32, #tpu.memory_space<vmem_shared>> -> memref<128x64xf32, #tpu.memory_space<vmem_shared>>
      tpu.enqueue_dma source(%arg11 : memref<128x64xf32, #tpu.memory_space<vmem>>) target(%dma_start3A_279 : memref<128x64xf32, #tpu.memory_space<vmem_shared>>) target_semaphore(%run_scoped3A_275 : memref<!tpu.dma_semaphore, #tpu.memory_space<semaphore_mem>>)
      %dma_wait3A_280 = arith.constant 0 : i32
      %dma_wait3A_281 = tpu.memref_slice %arg12[%add3A_190, %dma_wait3A_280] : memref<10240x64xf32, #tpu.memory_space<vmem_shared>> -> memref<128x64xf32, #tpu.memory_space<vmem_shared>>
      %dma_wait3A_282 = arith.constant 0 : i32
      %dma_wait3A_283 = tpu.memref_slice %arg12[%add3A_190, %dma_wait3A_282] : memref<10240x64xf32, #tpu.memory_space<vmem_shared>> -> memref<128x64xf32, #tpu.memory_space<vmem_shared>>
      tpu.wait_dma2 semaphore(%run_scoped3A_275 : memref<!tpu.dma_semaphore, #tpu.memory_space<semaphore_mem>>) src(%arg11 : memref<128x64xf32, #tpu.memory_space<vmem>>) dst(%dma_wait3A_283 : memref<128x64xf32, #tpu.memory_space<vmem_shared>>)
      tpu.yield
    }) : () -> ()
    %mul3A_191 = arith.constant 640 : i32
    %mul3A_192 = arith.muli %arg1, %mul3A_191 : i32
    %add3A_193 = arith.constant 128 : i32
    %add3A_194 = arith.addi %mul3A_192, %add3A_193 : i32
    "tpu.region"() ({
      %run_scoped3A_275 = tpu.sem_alloc : memref<!tpu.dma_semaphore, #tpu.memory_space<semaphore_mem>>
      %dma_start3A_276 = arith.constant 0 : i32
      %dma_start3A_277 = tpu.memref_slice %arg12[%add3A_194, %dma_start3A_276] : memref<10240x64xf32, #tpu.memory_space<vmem_shared>> -> memref<128x64xf32, #tpu.memory_space<vmem_shared>>
      %dma_start3A_278 = arith.constant 0 : i32
      %dma_start3A_279 = tpu.memref_slice %arg12[%add3A_194, %dma_start3A_278] : memref<10240x64xf32, #tpu.memory_space<vmem_shared>> -> memref<128x64xf32, #tpu.memory_space<vmem_shared>>
      tpu.enqueue_dma source(%arg11 : memref<128x64xf32, #tpu.memory_space<vmem>>) target(%dma_start3A_279 : memref<128x64xf32, #tpu.memory_space<vmem_shared>>) target_semaphore(%run_scoped3A_275 : memref<!tpu.dma_semaphore, #tpu.memory_space<semaphore_mem>>)
      %dma_wait3A_280 = arith.constant 0 : i32
      %dma_wait3A_281 = tpu.memref_slice %arg12[%add3A_194, %dma_wait3A_280] : memref<10240x64xf32, #tpu.memory_space<vmem_shared>> -> memref<128x64xf32, #tpu.memory_space<vmem_shared>>
      %dma_wait3A_282 = arith.constant 0 : i32
      %dma_wait3A_283 = tpu.memref_slice %arg12[%add3A_194, %dma_wait3A_282] : memref<10240x64xf32, #tpu.memory_space<vmem_shared>> -> memref<128x64xf32, #tpu.memory_space<vmem_shared>>
      tpu.wait_dma2 semaphore(%run_scoped3A_275 : memref<!tpu.dma_semaphore, #tpu.memory_space<semaphore_mem>>) src(%arg11 : memref<128x64xf32, #tpu.memory_space<vmem>>) dst(%dma_wait3A_283 : memref<128x64xf32, #tpu.memory_space<vmem_shared>>)
      tpu.yield
    }) : () -> ()
    %mul3A_195 = arith.constant 640 : i32
    %mul3A_196 = arith.muli %arg1, %mul3A_195 : i32
    %add3A_197 = arith.constant 256 : i32
    %add3A_198 = arith.addi %mul3A_196, %add3A_197 : i32
    "tpu.region"() ({
      %run_scoped3A_275 = tpu.sem_alloc : memref<!tpu.dma_semaphore, #tpu.memory_space<semaphore_mem>>
      %dma_start3A_276 = arith.constant 0 : i32
      %dma_start3A_277 = tpu.memref_slice %arg12[%add3A_198, %dma_start3A_276] : memref<10240x64xf32, #tpu.memory_space<vmem_shared>> -> memref<128x64xf32, #tpu.memory_space<vmem_shared>>
      %dma_start3A_278 = arith.constant 0 : i32
      %dma_start3A_279 = tpu.memref_slice %arg12[%add3A_198, %dma_start3A_278] : memref<10240x64xf32, #tpu.memory_space<vmem_shared>> -> memref<128x64xf32, #tpu.memory_space<vmem_shared>>
      tpu.enqueue_dma source(%arg11 : memref<128x64xf32, #tpu.memory_space<vmem>>) target(%dma_start3A_279 : memref<128x64xf32, #tpu.memory_space<vmem_shared>>) target_semaphore(%run_scoped3A_275 : memref<!tpu.dma_semaphore, #tpu.memory_space<semaphore_mem>>)
      %dma_wait3A_280 = arith.constant 0 : i32
      %dma_wait3A_281 = tpu.memref_slice %arg12[%add3A_198, %dma_wait3A_280] : memref<10240x64xf32, #tpu.memory_space<vmem_shared>> -> memref<128x64xf32, #tpu.memory_space<vmem_shared>>
      %dma_wait3A_282 = arith.constant 0 : i32
      %dma_wait3A_283 = tpu.memref_slice %arg12[%add3A_198, %dma_wait3A_282] : memref<10240x64xf32, #tpu.memory_space<vmem_shared>> -> memref<128x64xf32, #tpu.memory_space<vmem_shared>>
      tpu.wait_dma2 semaphore(%run_scoped3A_275 : memref<!tpu.dma_semaphore, #tpu.memory_space<semaphore_mem>>) src(%arg11 : memref<128x64xf32, #tpu.memory_space<vmem>>) dst(%dma_wait3A_283 : memref<128x64xf32, #tpu.memory_space<vmem_shared>>)
      tpu.yield
    }) : () -> ()
    %mul3A_199 = arith.constant 640 : i32
    %mul3A_200 = arith.muli %arg1, %mul3A_199 : i32
    %add3A_201 = arith.constant 384 : i32
    %add3A_202 = arith.addi %mul3A_200, %add3A_201 : i32
    "tpu.region"() ({
      %run_scoped3A_275 = tpu.sem_alloc : memref<!tpu.dma_semaphore, #tpu.memory_space<semaphore_mem>>
      %dma_start3A_276 = arith.constant 0 : i32
      %dma_start3A_277 = tpu.memref_slice %arg12[%add3A_202, %dma_start3A_276] : memref<10240x64xf32, #tpu.memory_space<vmem_shared>> -> memref<128x64xf32, #tpu.memory_space<vmem_shared>>
      %dma_start3A_278 = arith.constant 0 : i32
      %dma_start3A_279 = tpu.memref_slice %arg12[%add3A_202, %dma_start3A_278] : memref<10240x64xf32, #tpu.memory_space<vmem_shared>> -> memref<128x64xf32, #tpu.memory_space<vmem_shared>>
      tpu.enqueue_dma source(%arg11 : memref<128x64xf32, #tpu.memory_space<vmem>>) target(%dma_start3A_279 : memref<128x64xf32, #tpu.memory_space<vmem_shared>>) target_semaphore(%run_scoped3A_275 : memref<!tpu.dma_semaphore, #tpu.memory_space<semaphore_mem>>)
      %dma_wait3A_280 = arith.constant 0 : i32
      %dma_wait3A_281 = tpu.memref_slice %arg12[%add3A_202, %dma_wait3A_280] : memref<10240x64xf32, #tpu.memory_space<vmem_shared>> -> memref<128x64xf32, #tpu.memory_space<vmem_shared>>
      %dma_wait3A_282 = arith.constant 0 : i32
      %dma_wait3A_283 = tpu.memref_slice %arg12[%add3A_202, %dma_wait3A_282] : memref<10240x64xf32, #tpu.memory_space<vmem_shared>> -> memref<128x64xf32, #tpu.memory_space<vmem_shared>>
      tpu.wait_dma2 semaphore(%run_scoped3A_275 : memref<!tpu.dma_semaphore, #tpu.memory_space<semaphore_mem>>) src(%arg11 : memref<128x64xf32, #tpu.memory_space<vmem>>) dst(%dma_wait3A_283 : memref<128x64xf32, #tpu.memory_space<vmem_shared>>)
      tpu.yield
    }) : () -> ()
    %mul3A_203 = arith.constant 640 : i32
    %mul3A_204 = arith.muli %arg1, %mul3A_203 : i32
    %add3A_205 = arith.constant 512 : i32
    %add3A_206 = arith.addi %mul3A_204, %add3A_205 : i32
    "tpu.region"() ({
      %run_scoped3A_275 = tpu.sem_alloc : memref<!tpu.dma_semaphore, #tpu.memory_space<semaphore_mem>>
      %dma_start3A_276 = arith.constant 0 : i32
      %dma_start3A_277 = tpu.memref_slice %arg12[%add3A_206, %dma_start3A_276] : memref<10240x64xf32, #tpu.memory_space<vmem_shared>> -> memref<128x64xf32, #tpu.memory_space<vmem_shared>>
      %dma_start3A_278 = arith.constant 0 : i32
      %dma_start3A_279 = tpu.memref_slice %arg12[%add3A_206, %dma_start3A_278] : memref<10240x64xf32, #tpu.memory_space<vmem_shared>> -> memref<128x64xf32, #tpu.memory_space<vmem_shared>>
      tpu.enqueue_dma source(%arg11 : memref<128x64xf32, #tpu.memory_space<vmem>>) target(%dma_start3A_279 : memref<128x64xf32, #tpu.memory_space<vmem_shared>>) target_semaphore(%run_scoped3A_275 : memref<!tpu.dma_semaphore, #tpu.memory_space<semaphore_mem>>)
      %dma_wait3A_280 = arith.constant 0 : i32
      %dma_wait3A_281 = tpu.memref_slice %arg12[%add3A_206, %dma_wait3A_280] : memref<10240x64xf32, #tpu.memory_space<vmem_shared>> -> memref<128x64xf32, #tpu.memory_space<vmem_shared>>
      %dma_wait3A_282 = arith.constant 0 : i32
      %dma_wait3A_283 = tpu.memref_slice %arg12[%add3A_206, %dma_wait3A_282] : memref<10240x64xf32, #tpu.memory_space<vmem_shared>> -> memref<128x64xf32, #tpu.memory_space<vmem_shared>>
      tpu.wait_dma2 semaphore(%run_scoped3A_275 : memref<!tpu.dma_semaphore, #tpu.memory_space<semaphore_mem>>) src(%arg11 : memref<128x64xf32, #tpu.memory_space<vmem>>) dst(%dma_wait3A_283 : memref<128x64xf32, #tpu.memory_space<vmem_shared>>)
      tpu.yield
    }) : () -> ()
    %barrier3A_207 = arith.constant 0 : index
    tpu.barrier barrier_id(%barrier3A_207)
    %scan3A_208 = arith.constant 0 : i32
    %scan3A_209 = arith.constant 0 : i32
    %scan3A_210 = arith.constant 19 : i32
    %scan3A_211 = arith.addi %scan3A_209, %scan3A_210 : i32
    %scan3A_212 = arith.constant 1 : i32
    scf.for %scan3A_275 = %scan3A_209 to %scan3A_211 step %scan3A_212  : i32 {
      %mul3A_276 = arith.constant 4 : i32
      %mul3A_277 = arith.muli %scan3A_275, %mul3A_276 : i32
      %add3A_278 = arith.constant 0 : i32
      %add3A_279 = arith.addi %mul3A_277, %add3A_278 : i32
      %dma_wait3A_280 = arith.constant 0 : i32
      %dma_wait3A_281 = arith.constant 0 : i32
      %dma_wait3A_282 = arith.constant 0 : i32
      %dma_wait3A_283 = tpu.memref_slice %arg10[%dma_wait3A_280, %dma_wait3A_281, %dma_wait3A_282] : memref<4x128x64xf32, #tpu.memory_space<vmem>> -> memref<1x128x64xf32, #tpu.memory_space<vmem>>
      %dma_wait3A_284 = tpu.memref_squeeze %dma_wait3A_283 : memref<1x128x64xf32, #tpu.memory_space<vmem>> -> memref<128x64xf32, #tpu.memory_space<vmem>>
      %dma_wait3A_285 = arith.constant 0 : i32
      %dma_wait3A_286 = tpu.memref_slice %arg8[%add3A_279, %dma_wait3A_285] : memref<80x128xi32, #tpu.memory_space<vmem>> -> memref<1x128xi32, #tpu.memory_space<vmem>>
      %dma_wait3A_287 = tpu.memref_squeeze %dma_wait3A_286 : memref<1x128xi32, #tpu.memory_space<vmem>> -> memref<128xi32, #tpu.memory_space<vmem>>
      %dma_wait3A_288 = arith.constant 0 : i32
      %dma_wait3A_289 = arith.constant 0 : i32
      %dma_wait3A_290 = tpu.memref_slice %arg3[%dma_wait3A_288, %dma_wait3A_289] : memref<10240x64xf32, #tpu.memory_space<hbm>> -> memref<10240x64xf32, #tpu.memory_space<hbm>>
      tpu.wait_indirect_dma semaphore(%arg13 : memref<!tpu.dma_semaphore, #tpu.memory_space<semaphore_mem>>) src(%dma_wait3A_290 : memref<10240x64xf32, #tpu.memory_space<hbm>>) dst(%dma_wait3A_284 : memref<128x64xf32, #tpu.memory_space<vmem>>)
      %run_scoped3A_291 = arith.constant 0 : i32
      "tpu.region"() ({
        %run_scoped3A_392 = tpu.sem_alloc : memref<!tpu.dma_semaphore, #tpu.memory_space<semaphore_mem>>
        %dma_start3A_393 = arith.constant 0 : i32
        %dma_start3A_394 = arith.constant 0 : i32
        %dma_start3A_395 = tpu.memref_slice %arg10[%run_scoped3A_291, %dma_start3A_393, %dma_start3A_394] : memref<4x128x64xf32, #tpu.memory_space<vmem>> -> memref<1x128x64xf32, #tpu.memory_space<vmem>>
        %dma_start3A_396 = tpu.memref_squeeze %dma_start3A_395 : memref<1x128x64xf32, #tpu.memory_space<vmem>> -> memref<128x64xf32, #tpu.memory_space<vmem>>
        %dma_start3A_397 = arith.constant 0 : i32
        %dma_start3A_398 = tpu.memref_slice %arg9[%add3A_279, %dma_start3A_397] : memref<80x128xi32, #tpu.memory_space<vmem>> -> memref<1x128xi32, #tpu.memory_space<vmem>>
        %dma_start3A_399 = tpu.memref_squeeze %dma_start3A_398 : memref<1x128xi32, #tpu.memory_space<vmem>> -> memref<128xi32, #tpu.memory_space<vmem>>
        %dma_start3A_400 = arith.constant 0 : i32
        %dma_start3A_401 = arith.constant 0 : i32
        %dma_start3A_402 = tpu.memref_slice %arg12[%dma_start3A_400, %dma_start3A_401] : memref<10240x64xf32, #tpu.memory_space<vmem_shared>> -> memref<10240x64xf32, #tpu.memory_space<vmem_shared>>
        tpu.enqueue_indirect_dma source(%dma_start3A_396 : memref<128x64xf32, #tpu.memory_space<vmem>>) target(%dma_start3A_402 : memref<10240x64xf32, #tpu.memory_space<vmem_shared>>) offsets(%dma_start3A_399 : memref<128xi32, #tpu.memory_space<vmem>>) semaphore(%run_scoped3A_392 : memref<!tpu.dma_semaphore, #tpu.memory_space<semaphore_mem>>) {add = true}
        %dma_wait3A_403 = arith.constant 0 : i32
        %dma_wait3A_404 = arith.constant 0 : i32
        %dma_wait3A_405 = tpu.memref_slice %arg10[%run_scoped3A_291, %dma_wait3A_403, %dma_wait3A_404] : memref<4x128x64xf32, #tpu.memory_space<vmem>> -> memref<1x128x64xf32, #tpu.memory_space<vmem>>
        %dma_wait3A_406 = tpu.memref_squeeze %dma_wait3A_405 : memref<1x128x64xf32, #tpu.memory_space<vmem>> -> memref<128x64xf32, #tpu.memory_space<vmem>>
        %dma_wait3A_407 = arith.constant 0 : i32
        %dma_wait3A_408 = tpu.memref_slice %arg9[%add3A_279, %dma_wait3A_407] : memref<80x128xi32, #tpu.memory_space<vmem>> -> memref<1x128xi32, #tpu.memory_space<vmem>>
        %dma_wait3A_409 = tpu.memref_squeeze %dma_wait3A_408 : memref<1x128xi32, #tpu.memory_space<vmem>> -> memref<128xi32, #tpu.memory_space<vmem>>
        %dma_wait3A_410 = arith.constant 0 : i32
        %dma_wait3A_411 = arith.constant 0 : i32
        %dma_wait3A_412 = tpu.memref_slice %arg12[%dma_wait3A_410, %dma_wait3A_411] : memref<10240x64xf32, #tpu.memory_space<vmem_shared>> -> memref<10240x64xf32, #tpu.memory_space<vmem_shared>>
        tpu.wait_indirect_dma semaphore(%run_scoped3A_392 : memref<!tpu.dma_semaphore, #tpu.memory_space<semaphore_mem>>) src(%dma_wait3A_406 : memref<128x64xf32, #tpu.memory_space<vmem>>) dst(%dma_wait3A_412 : memref<10240x64xf32, #tpu.memory_space<vmem_shared>>)
        tpu.yield
      }) : () -> ()
      %add3A_292 = arith.constant 4 : i32
      %add3A_293 = arith.addi %add3A_279, %add3A_292 : i32
      %dma_start3A_294 = arith.constant 0 : i32
      %dma_start3A_295 = arith.constant 0 : i32
      %dma_start3A_296 = arith.constant 0 : i32
      %dma_start3A_297 = tpu.memref_slice %arg10[%dma_start3A_294, %dma_start3A_295, %dma_start3A_296] : memref<4x128x64xf32, #tpu.memory_space<vmem>> -> memref<1x128x64xf32, #tpu.memory_space<vmem>>
      %dma_start3A_298 = tpu.memref_squeeze %dma_start3A_297 : memref<1x128x64xf32, #tpu.memory_space<vmem>> -> memref<128x64xf32, #tpu.memory_space<vmem>>
      %dma_start3A_299 = arith.constant 0 : i32
      %dma_start3A_300 = tpu.memref_slice %arg8[%add3A_293, %dma_start3A_299] : memref<80x128xi32, #tpu.memory_space<vmem>> -> memref<1x128xi32, #tpu.memory_space<vmem>>
      %dma_start3A_301 = tpu.memref_squeeze %dma_start3A_300 : memref<1x128xi32, #tpu.memory_space<vmem>> -> memref<128xi32, #tpu.memory_space<vmem>>
      %dma_start3A_302 = arith.constant 0 : i32
      %dma_start3A_303 = arith.constant 0 : i32
      %dma_start3A_304 = tpu.memref_slice %arg3[%dma_start3A_302, %dma_start3A_303] : memref<10240x64xf32, #tpu.memory_space<hbm>> -> memref<10240x64xf32, #tpu.memory_space<hbm>>
      tpu.enqueue_indirect_dma source(%dma_start3A_304 : memref<10240x64xf32, #tpu.memory_space<hbm>>) target(%dma_start3A_298 : memref<128x64xf32, #tpu.memory_space<vmem>>) offsets(%dma_start3A_301 : memref<128xi32, #tpu.memory_space<vmem>>) semaphore(%arg13 : memref<!tpu.dma_semaphore, #tpu.memory_space<semaphore_mem>>)
      %mul3A_305 = arith.constant 4 : i32
      %mul3A_306 = arith.muli %scan3A_275, %mul3A_305 : i32
      %add3A_307 = arith.constant 1 : i32
      %add3A_308 = arith.addi %mul3A_306, %add3A_307 : i32
      %dma_wait3A_309 = arith.constant 1 : i32
      %dma_wait3A_310 = arith.constant 0 : i32
      %dma_wait3A_311 = arith.constant 0 : i32
      %dma_wait3A_312 = tpu.memref_slice %arg10[%dma_wait3A_309, %dma_wait3A_310, %dma_wait3A_311] : memref<4x128x64xf32, #tpu.memory_space<vmem>> -> memref<1x128x64xf32, #tpu.memory_space<vmem>>
      %dma_wait3A_313 = tpu.memref_squeeze %dma_wait3A_312 : memref<1x128x64xf32, #tpu.memory_space<vmem>> -> memref<128x64xf32, #tpu.memory_space<vmem>>
      %dma_wait3A_314 = arith.constant 0 : i32
      %dma_wait3A_315 = tpu.memref_slice %arg8[%add3A_308, %dma_wait3A_314] : memref<80x128xi32, #tpu.memory_space<vmem>> -> memref<1x128xi32, #tpu.memory_space<vmem>>
      %dma_wait3A_316 = tpu.memref_squeeze %dma_wait3A_315 : memref<1x128xi32, #tpu.memory_space<vmem>> -> memref<128xi32, #tpu.memory_space<vmem>>
      %dma_wait3A_317 = arith.constant 0 : i32
      %dma_wait3A_318 = arith.constant 0 : i32
      %dma_wait3A_319 = tpu.memref_slice %arg3[%dma_wait3A_317, %dma_wait3A_318] : memref<10240x64xf32, #tpu.memory_space<hbm>> -> memref<10240x64xf32, #tpu.memory_space<hbm>>
      tpu.wait_indirect_dma semaphore(%arg14 : memref<!tpu.dma_semaphore, #tpu.memory_space<semaphore_mem>>) src(%dma_wait3A_319 : memref<10240x64xf32, #tpu.memory_space<hbm>>) dst(%dma_wait3A_313 : memref<128x64xf32, #tpu.memory_space<vmem>>)
      %run_scoped3A_320 = arith.constant 1 : i32
      "tpu.region"() ({
        %run_scoped3A_392 = tpu.sem_alloc : memref<!tpu.dma_semaphore, #tpu.memory_space<semaphore_mem>>
        %dma_start3A_393 = arith.constant 0 : i32
        %dma_start3A_394 = arith.constant 0 : i32
        %dma_start3A_395 = tpu.memref_slice %arg10[%run_scoped3A_320, %dma_start3A_393, %dma_start3A_394] : memref<4x128x64xf32, #tpu.memory_space<vmem>> -> memref<1x128x64xf32, #tpu.memory_space<vmem>>
        %dma_start3A_396 = tpu.memref_squeeze %dma_start3A_395 : memref<1x128x64xf32, #tpu.memory_space<vmem>> -> memref<128x64xf32, #tpu.memory_space<vmem>>
        %dma_start3A_397 = arith.constant 0 : i32
        %dma_start3A_398 = tpu.memref_slice %arg9[%add3A_308, %dma_start3A_397] : memref<80x128xi32, #tpu.memory_space<vmem>> -> memref<1x128xi32, #tpu.memory_space<vmem>>
        %dma_start3A_399 = tpu.memref_squeeze %dma_start3A_398 : memref<1x128xi32, #tpu.memory_space<vmem>> -> memref<128xi32, #tpu.memory_space<vmem>>
        %dma_start3A_400 = arith.constant 0 : i32
        %dma_start3A_401 = arith.constant 0 : i32
        %dma_start3A_402 = tpu.memref_slice %arg12[%dma_start3A_400, %dma_start3A_401] : memref<10240x64xf32, #tpu.memory_space<vmem_shared>> -> memref<10240x64xf32, #tpu.memory_space<vmem_shared>>
        tpu.enqueue_indirect_dma source(%dma_start3A_396 : memref<128x64xf32, #tpu.memory_space<vmem>>) target(%dma_start3A_402 : memref<10240x64xf32, #tpu.memory_space<vmem_shared>>) offsets(%dma_start3A_399 : memref<128xi32, #tpu.memory_space<vmem>>) semaphore(%run_scoped3A_392 : memref<!tpu.dma_semaphore, #tpu.memory_space<semaphore_mem>>) {add = true}
        %dma_wait3A_403 = arith.constant 0 : i32
        %dma_wait3A_404 = arith.constant 0 : i32
        %dma_wait3A_405 = tpu.memref_slice %arg10[%run_scoped3A_320, %dma_wait3A_403, %dma_wait3A_404] : memref<4x128x64xf32, #tpu.memory_space<vmem>> -> memref<1x128x64xf32, #tpu.memory_space<vmem>>
        %dma_wait3A_406 = tpu.memref_squeeze %dma_wait3A_405 : memref<1x128x64xf32, #tpu.memory_space<vmem>> -> memref<128x64xf32, #tpu.memory_space<vmem>>
        %dma_wait3A_407 = arith.constant 0 : i32
        %dma_wait3A_408 = tpu.memref_slice %arg9[%add3A_308, %dma_wait3A_407] : memref<80x128xi32, #tpu.memory_space<vmem>> -> memref<1x128xi32, #tpu.memory_space<vmem>>
        %dma_wait3A_409 = tpu.memref_squeeze %dma_wait3A_408 : memref<1x128xi32, #tpu.memory_space<vmem>> -> memref<128xi32, #tpu.memory_space<vmem>>
        %dma_wait3A_410 = arith.constant 0 : i32
        %dma_wait3A_411 = arith.constant 0 : i32
        %dma_wait3A_412 = tpu.memref_slice %arg12[%dma_wait3A_410, %dma_wait3A_411] : memref<10240x64xf32, #tpu.memory_space<vmem_shared>> -> memref<10240x64xf32, #tpu.memory_space<vmem_shared>>
        tpu.wait_indirect_dma semaphore(%run_scoped3A_392 : memref<!tpu.dma_semaphore, #tpu.memory_space<semaphore_mem>>) src(%dma_wait3A_406 : memref<128x64xf32, #tpu.memory_space<vmem>>) dst(%dma_wait3A_412 : memref<10240x64xf32, #tpu.memory_space<vmem_shared>>)
        tpu.yield
      }) : () -> ()
      %add3A_321 = arith.constant 4 : i32
      %add3A_322 = arith.addi %add3A_308, %add3A_321 : i32
      %dma_start3A_323 = arith.constant 1 : i32
      %dma_start3A_324 = arith.constant 0 : i32
      %dma_start3A_325 = arith.constant 0 : i32
      %dma_start3A_326 = tpu.memref_slice %arg10[%dma_start3A_323, %dma_start3A_324, %dma_start3A_325] : memref<4x128x64xf32, #tpu.memory_space<vmem>> -> memref<1x128x64xf32, #tpu.memory_space<vmem>>
      %dma_start3A_327 = tpu.memref_squeeze %dma_start3A_326 : memref<1x128x64xf32, #tpu.memory_space<vmem>> -> memref<128x64xf32, #tpu.memory_space<vmem>>
      %dma_start3A_328 = arith.constant 0 : i32
      %dma_start3A_329 = tpu.memref_slice %arg8[%add3A_322, %dma_start3A_328] : memref<80x128xi32, #tpu.memory_space<vmem>> -> memref<1x128xi32, #tpu.memory_space<vmem>>
      %dma_start3A_330 = tpu.memref_squeeze %dma_start3A_329 : memref<1x128xi32, #tpu.memory_space<vmem>> -> memref<128xi32, #tpu.memory_space<vmem>>
      %dma_start3A_331 = arith.constant 0 : i32
      %dma_start3A_332 = arith.constant 0 : i32
      %dma_start3A_333 = tpu.memref_slice %arg3[%dma_start3A_331, %dma_start3A_332] : memref<10240x64xf32, #tpu.memory_space<hbm>> -> memref<10240x64xf32, #tpu.memory_space<hbm>>
      tpu.enqueue_indirect_dma source(%dma_start3A_333 : memref<10240x64xf32, #tpu.memory_space<hbm>>) target(%dma_start3A_327 : memref<128x64xf32, #tpu.memory_space<vmem>>) offsets(%dma_start3A_330 : memref<128xi32, #tpu.memory_space<vmem>>) semaphore(%arg14 : memref<!tpu.dma_semaphore, #tpu.memory_space<semaphore_mem>>)
      %mul3A_334 = arith.constant 4 : i32
      %mul3A_335 = arith.muli %scan3A_275, %mul3A_334 : i32
      %add3A_336 = arith.constant 2 : i32
      %add3A_337 = arith.addi %mul3A_335, %add3A_336 : i32
      %dma_wait3A_338 = arith.constant 2 : i32
      %dma_wait3A_339 = arith.constant 0 : i32
      %dma_wait3A_340 = arith.constant 0 : i32
      %dma_wait3A_341 = tpu.memref_slice %arg10[%dma_wait3A_338, %dma_wait3A_339, %dma_wait3A_340] : memref<4x128x64xf32, #tpu.memory_space<vmem>> -> memref<1x128x64xf32, #tpu.memory_space<vmem>>
      %dma_wait3A_342 = tpu.memref_squeeze %dma_wait3A_341 : memref<1x128x64xf32, #tpu.memory_space<vmem>> -> memref<128x64xf32, #tpu.memory_space<vmem>>
      %dma_wait3A_343 = arith.constant 0 : i32
      %dma_wait3A_344 = tpu.memref_slice %arg8[%add3A_337, %dma_wait3A_343] : memref<80x128xi32, #tpu.memory_space<vmem>> -> memref<1x128xi32, #tpu.memory_space<vmem>>
      %dma_wait3A_345 = tpu.memref_squeeze %dma_wait3A_344 : memref<1x128xi32, #tpu.memory_space<vmem>> -> memref<128xi32, #tpu.memory_space<vmem>>
      %dma_wait3A_346 = arith.constant 0 : i32
      %dma_wait3A_347 = arith.constant 0 : i32
      %dma_wait3A_348 = tpu.memref_slice %arg3[%dma_wait3A_346, %dma_wait3A_347] : memref<10240x64xf32, #tpu.memory_space<hbm>> -> memref<10240x64xf32, #tpu.memory_space<hbm>>
      tpu.wait_indirect_dma semaphore(%arg15 : memref<!tpu.dma_semaphore, #tpu.memory_space<semaphore_mem>>) src(%dma_wait3A_348 : memref<10240x64xf32, #tpu.memory_space<hbm>>) dst(%dma_wait3A_342 : memref<128x64xf32, #tpu.memory_space<vmem>>)
      %run_scoped3A_349 = arith.constant 2 : i32
      "tpu.region"() ({
        %run_scoped3A_392 = tpu.sem_alloc : memref<!tpu.dma_semaphore, #tpu.memory_space<semaphore_mem>>
        %dma_start3A_393 = arith.constant 0 : i32
        %dma_start3A_394 = arith.constant 0 : i32
        %dma_start3A_395 = tpu.memref_slice %arg10[%run_scoped3A_349, %dma_start3A_393, %dma_start3A_394] : memref<4x128x64xf32, #tpu.memory_space<vmem>> -> memref<1x128x64xf32, #tpu.memory_space<vmem>>
        %dma_start3A_396 = tpu.memref_squeeze %dma_start3A_395 : memref<1x128x64xf32, #tpu.memory_space<vmem>> -> memref<128x64xf32, #tpu.memory_space<vmem>>
        %dma_start3A_397 = arith.constant 0 : i32
        %dma_start3A_398 = tpu.memref_slice %arg9[%add3A_337, %dma_start3A_397] : memref<80x128xi32, #tpu.memory_space<vmem>> -> memref<1x128xi32, #tpu.memory_space<vmem>>
        %dma_start3A_399 = tpu.memref_squeeze %dma_start3A_398 : memref<1x128xi32, #tpu.memory_space<vmem>> -> memref<128xi32, #tpu.memory_space<vmem>>
        %dma_start3A_400 = arith.constant 0 : i32
        %dma_start3A_401 = arith.constant 0 : i32
        %dma_start3A_402 = tpu.memref_slice %arg12[%dma_start3A_400, %dma_start3A_401] : memref<10240x64xf32, #tpu.memory_space<vmem_shared>> -> memref<10240x64xf32, #tpu.memory_space<vmem_shared>>
        tpu.enqueue_indirect_dma source(%dma_start3A_396 : memref<128x64xf32, #tpu.memory_space<vmem>>) target(%dma_start3A_402 : memref<10240x64xf32, #tpu.memory_space<vmem_shared>>) offsets(%dma_start3A_399 : memref<128xi32, #tpu.memory_space<vmem>>) semaphore(%run_scoped3A_392 : memref<!tpu.dma_semaphore, #tpu.memory_space<semaphore_mem>>) {add = true}
        %dma_wait3A_403 = arith.constant 0 : i32
        %dma_wait3A_404 = arith.constant 0 : i32
        %dma_wait3A_405 = tpu.memref_slice %arg10[%run_scoped3A_349, %dma_wait3A_403, %dma_wait3A_404] : memref<4x128x64xf32, #tpu.memory_space<vmem>> -> memref<1x128x64xf32, #tpu.memory_space<vmem>>
        %dma_wait3A_406 = tpu.memref_squeeze %dma_wait3A_405 : memref<1x128x64xf32, #tpu.memory_space<vmem>> -> memref<128x64xf32, #tpu.memory_space<vmem>>
        %dma_wait3A_407 = arith.constant 0 : i32
        %dma_wait3A_408 = tpu.memref_slice %arg9[%add3A_337, %dma_wait3A_407] : memref<80x128xi32, #tpu.memory_space<vmem>> -> memref<1x128xi32, #tpu.memory_space<vmem>>
        %dma_wait3A_409 = tpu.memref_squeeze %dma_wait3A_408 : memref<1x128xi32, #tpu.memory_space<vmem>> -> memref<128xi32, #tpu.memory_space<vmem>>
        %dma_wait3A_410 = arith.constant 0 : i32
        %dma_wait3A_411 = arith.constant 0 : i32
        %dma_wait3A_412 = tpu.memref_slice %arg12[%dma_wait3A_410, %dma_wait3A_411] : memref<10240x64xf32, #tpu.memory_space<vmem_shared>> -> memref<10240x64xf32, #tpu.memory_space<vmem_shared>>
        tpu.wait_indirect_dma semaphore(%run_scoped3A_392 : memref<!tpu.dma_semaphore, #tpu.memory_space<semaphore_mem>>) src(%dma_wait3A_406 : memref<128x64xf32, #tpu.memory_space<vmem>>) dst(%dma_wait3A_412 : memref<10240x64xf32, #tpu.memory_space<vmem_shared>>)
        tpu.yield
      }) : () -> ()
      %add3A_350 = arith.constant 4 : i32
      %add3A_351 = arith.addi %add3A_337, %add3A_350 : i32
      %dma_start3A_352 = arith.constant 2 : i32
      %dma_start3A_353 = arith.constant 0 : i32
      %dma_start3A_354 = arith.constant 0 : i32
      %dma_start3A_355 = tpu.memref_slice %arg10[%dma_start3A_352, %dma_start3A_353, %dma_start3A_354] : memref<4x128x64xf32, #tpu.memory_space<vmem>> -> memref<1x128x64xf32, #tpu.memory_space<vmem>>
      %dma_start3A_356 = tpu.memref_squeeze %dma_start3A_355 : memref<1x128x64xf32, #tpu.memory_space<vmem>> -> memref<128x64xf32, #tpu.memory_space<vmem>>
      %dma_start3A_357 = arith.constant 0 : i32
      %dma_start3A_358 = tpu.memref_slice %arg8[%add3A_351, %dma_start3A_357] : memref<80x128xi32, #tpu.memory_space<vmem>> -> memref<1x128xi32, #tpu.memory_space<vmem>>
      %dma_start3A_359 = tpu.memref_squeeze %dma_start3A_358 : memref<1x128xi32, #tpu.memory_space<vmem>> -> memref<128xi32, #tpu.memory_space<vmem>>
      %dma_start3A_360 = arith.constant 0 : i32
      %dma_start3A_361 = arith.constant 0 : i32
      %dma_start3A_362 = tpu.memref_slice %arg3[%dma_start3A_360, %dma_start3A_361] : memref<10240x64xf32, #tpu.memory_space<hbm>> -> memref<10240x64xf32, #tpu.memory_space<hbm>>
      tpu.enqueue_indirect_dma source(%dma_start3A_362 : memref<10240x64xf32, #tpu.memory_space<hbm>>) target(%dma_start3A_356 : memref<128x64xf32, #tpu.memory_space<vmem>>) offsets(%dma_start3A_359 : memref<128xi32, #tpu.memory_space<vmem>>) semaphore(%arg15 : memref<!tpu.dma_semaphore, #tpu.memory_space<semaphore_mem>>)
      %mul3A_363 = arith.constant 4 : i32
      %mul3A_364 = arith.muli %scan3A_275, %mul3A_363 : i32
      %add3A_365 = arith.constant 3 : i32
      %add3A_366 = arith.addi %mul3A_364, %add3A_365 : i32
      %dma_wait3A_367 = arith.constant 3 : i32
      %dma_wait3A_368 = arith.constant 0 : i32
      %dma_wait3A_369 = arith.constant 0 : i32
      %dma_wait3A_370 = tpu.memref_slice %arg10[%dma_wait3A_367, %dma_wait3A_368, %dma_wait3A_369] : memref<4x128x64xf32, #tpu.memory_space<vmem>> -> memref<1x128x64xf32, #tpu.memory_space<vmem>>
      %dma_wait3A_371 = tpu.memref_squeeze %dma_wait3A_370 : memref<1x128x64xf32, #tpu.memory_space<vmem>> -> memref<128x64xf32, #tpu.memory_space<vmem>>
      %dma_wait3A_372 = arith.constant 0 : i32
      %dma_wait3A_373 = tpu.memref_slice %arg8[%add3A_366, %dma_wait3A_372] : memref<80x128xi32, #tpu.memory_space<vmem>> -> memref<1x128xi32, #tpu.memory_space<vmem>>
      %dma_wait3A_374 = tpu.memref_squeeze %dma_wait3A_373 : memref<1x128xi32, #tpu.memory_space<vmem>> -> memref<128xi32, #tpu.memory_space<vmem>>
      %dma_wait3A_375 = arith.constant 0 : i32
      %dma_wait3A_376 = arith.constant 0 : i32
      %dma_wait3A_377 = tpu.memref_slice %arg3[%dma_wait3A_375, %dma_wait3A_376] : memref<10240x64xf32, #tpu.memory_space<hbm>> -> memref<10240x64xf32, #tpu.memory_space<hbm>>
      tpu.wait_indirect_dma semaphore(%arg16 : memref<!tpu.dma_semaphore, #tpu.memory_space<semaphore_mem>>) src(%dma_wait3A_377 : memref<10240x64xf32, #tpu.memory_space<hbm>>) dst(%dma_wait3A_371 : memref<128x64xf32, #tpu.memory_space<vmem>>)
      %run_scoped3A_378 = arith.constant 3 : i32
      "tpu.region"() ({
        %run_scoped3A_392 = tpu.sem_alloc : memref<!tpu.dma_semaphore, #tpu.memory_space<semaphore_mem>>
        %dma_start3A_393 = arith.constant 0 : i32
        %dma_start3A_394 = arith.constant 0 : i32
        %dma_start3A_395 = tpu.memref_slice %arg10[%run_scoped3A_378, %dma_start3A_393, %dma_start3A_394] : memref<4x128x64xf32, #tpu.memory_space<vmem>> -> memref<1x128x64xf32, #tpu.memory_space<vmem>>
        %dma_start3A_396 = tpu.memref_squeeze %dma_start3A_395 : memref<1x128x64xf32, #tpu.memory_space<vmem>> -> memref<128x64xf32, #tpu.memory_space<vmem>>
        %dma_start3A_397 = arith.constant 0 : i32
        %dma_start3A_398 = tpu.memref_slice %arg9[%add3A_366, %dma_start3A_397] : memref<80x128xi32, #tpu.memory_space<vmem>> -> memref<1x128xi32, #tpu.memory_space<vmem>>
        %dma_start3A_399 = tpu.memref_squeeze %dma_start3A_398 : memref<1x128xi32, #tpu.memory_space<vmem>> -> memref<128xi32, #tpu.memory_space<vmem>>
        %dma_start3A_400 = arith.constant 0 : i32
        %dma_start3A_401 = arith.constant 0 : i32
        %dma_start3A_402 = tpu.memref_slice %arg12[%dma_start3A_400, %dma_start3A_401] : memref<10240x64xf32, #tpu.memory_space<vmem_shared>> -> memref<10240x64xf32, #tpu.memory_space<vmem_shared>>
        tpu.enqueue_indirect_dma source(%dma_start3A_396 : memref<128x64xf32, #tpu.memory_space<vmem>>) target(%dma_start3A_402 : memref<10240x64xf32, #tpu.memory_space<vmem_shared>>) offsets(%dma_start3A_399 : memref<128xi32, #tpu.memory_space<vmem>>) semaphore(%run_scoped3A_392 : memref<!tpu.dma_semaphore, #tpu.memory_space<semaphore_mem>>) {add = true}
        %dma_wait3A_403 = arith.constant 0 : i32
        %dma_wait3A_404 = arith.constant 0 : i32
        %dma_wait3A_405 = tpu.memref_slice %arg10[%run_scoped3A_378, %dma_wait3A_403, %dma_wait3A_404] : memref<4x128x64xf32, #tpu.memory_space<vmem>> -> memref<1x128x64xf32, #tpu.memory_space<vmem>>
        %dma_wait3A_406 = tpu.memref_squeeze %dma_wait3A_405 : memref<1x128x64xf32, #tpu.memory_space<vmem>> -> memref<128x64xf32, #tpu.memory_space<vmem>>
        %dma_wait3A_407 = arith.constant 0 : i32
        %dma_wait3A_408 = tpu.memref_slice %arg9[%add3A_366, %dma_wait3A_407] : memref<80x128xi32, #tpu.memory_space<vmem>> -> memref<1x128xi32, #tpu.memory_space<vmem>>
        %dma_wait3A_409 = tpu.memref_squeeze %dma_wait3A_408 : memref<1x128xi32, #tpu.memory_space<vmem>> -> memref<128xi32, #tpu.memory_space<vmem>>
        %dma_wait3A_410 = arith.constant 0 : i32
        %dma_wait3A_411 = arith.constant 0 : i32
        %dma_wait3A_412 = tpu.memref_slice %arg12[%dma_wait3A_410, %dma_wait3A_411] : memref<10240x64xf32, #tpu.memory_space<vmem_shared>> -> memref<10240x64xf32, #tpu.memory_space<vmem_shared>>
        tpu.wait_indirect_dma semaphore(%run_scoped3A_392 : memref<!tpu.dma_semaphore, #tpu.memory_space<semaphore_mem>>) src(%dma_wait3A_406 : memref<128x64xf32, #tpu.memory_space<vmem>>) dst(%dma_wait3A_412 : memref<10240x64xf32, #tpu.memory_space<vmem_shared>>)
        tpu.yield
      }) : () -> ()
      %add3A_379 = arith.constant 4 : i32
      %add3A_380 = arith.addi %add3A_366, %add3A_379 : i32
      %dma_start3A_381 = arith.constant 3 : i32
      %dma_start3A_382 = arith.constant 0 : i32
      %dma_start3A_383 = arith.constant 0 : i32
      %dma_start3A_384 = tpu.memref_slice %arg10[%dma_start3A_381, %dma_start3A_382, %dma_start3A_383] : memref<4x128x64xf32, #tpu.memory_space<vmem>> -> memref<1x128x64xf32, #tpu.memory_space<vmem>>
      %dma_start3A_385 = tpu.memref_squeeze %dma_start3A_384 : memref<1x128x64xf32, #tpu.memory_space<vmem>> -> memref<128x64xf32, #tpu.memory_space<vmem>>
      %dma_start3A_386 = arith.constant 0 : i32
      %dma_start3A_387 = tpu.memref_slice %arg8[%add3A_380, %dma_start3A_386] : memref<80x128xi32, #tpu.memory_space<vmem>> -> memref<1x128xi32, #tpu.memory_space<vmem>>
      %dma_start3A_388 = tpu.memref_squeeze %dma_start3A_387 : memref<1x128xi32, #tpu.memory_space<vmem>> -> memref<128xi32, #tpu.memory_space<vmem>>
      %dma_start3A_389 = arith.constant 0 : i32
      %dma_start3A_390 = arith.constant 0 : i32
      %dma_start3A_391 = tpu.memref_slice %arg3[%dma_start3A_389, %dma_start3A_390] : memref<10240x64xf32, #tpu.memory_space<hbm>> -> memref<10240x64xf32, #tpu.memory_space<hbm>>
      tpu.enqueue_indirect_dma source(%dma_start3A_391 : memref<10240x64xf32, #tpu.memory_space<hbm>>) target(%dma_start3A_385 : memref<128x64xf32, #tpu.memory_space<vmem>>) offsets(%dma_start3A_388 : memref<128xi32, #tpu.memory_space<vmem>>) semaphore(%arg16 : memref<!tpu.dma_semaphore, #tpu.memory_space<semaphore_mem>>)
    }
    %scan3A_213 = arith.constant 19 : i32
    %dma_wait3A_214 = arith.constant 76 : i32
    %dma_wait3A_215 = arith.constant 0 : i32
    %dma_wait3A_216 = arith.constant 0 : i32
    %dma_wait3A_217 = arith.constant 0 : i32
    %dma_wait3A_218 = tpu.memref_slice %arg10[%dma_wait3A_215, %dma_wait3A_216, %dma_wait3A_217] : memref<4x128x64xf32, #tpu.memory_space<vmem>> -> memref<1x128x64xf32, #tpu.memory_space<vmem>>
    %dma_wait3A_219 = tpu.memref_squeeze %dma_wait3A_218 : memref<1x128x64xf32, #tpu.memory_space<vmem>> -> memref<128x64xf32, #tpu.memory_space<vmem>>
    %dma_wait3A_220 = arith.constant 0 : i32
    %dma_wait3A_221 = tpu.memref_slice %arg8[%dma_wait3A_214, %dma_wait3A_220] : memref<80x128xi32, #tpu.memory_space<vmem>> -> memref<1x128xi32, #tpu.memory_space<vmem>>
    %dma_wait3A_222 = tpu.memref_squeeze %dma_wait3A_221 : memref<1x128xi32, #tpu.memory_space<vmem>> -> memref<128xi32, #tpu.memory_space<vmem>>
    %dma_wait3A_223 = arith.constant 0 : i32
    %dma_wait3A_224 = arith.constant 0 : i32
    %dma_wait3A_225 = tpu.memref_slice %arg3[%dma_wait3A_223, %dma_wait3A_224] : memref<10240x64xf32, #tpu.memory_space<hbm>> -> memref<10240x64xf32, #tpu.memory_space<hbm>>
    tpu.wait_indirect_dma semaphore(%arg13 : memref<!tpu.dma_semaphore, #tpu.memory_space<semaphore_mem>>) src(%dma_wait3A_225 : memref<10240x64xf32, #tpu.memory_space<hbm>>) dst(%dma_wait3A_219 : memref<128x64xf32, #tpu.memory_space<vmem>>)
    %run_scoped3A_226 = arith.constant 0 : i32
    %run_scoped3A_227 = arith.constant 76 : i32
    "tpu.region"() ({
      %run_scoped3A_275 = tpu.sem_alloc : memref<!tpu.dma_semaphore, #tpu.memory_space<semaphore_mem>>
      %dma_start3A_276 = arith.constant 0 : i32
      %dma_start3A_277 = arith.constant 0 : i32
      %dma_start3A_278 = tpu.memref_slice %arg10[%run_scoped3A_226, %dma_start3A_276, %dma_start3A_277] : memref<4x128x64xf32, #tpu.memory_space<vmem>> -> memref<1x128x64xf32, #tpu.memory_space<vmem>>
      %dma_start3A_279 = tpu.memref_squeeze %dma_start3A_278 : memref<1x128x64xf32, #tpu.memory_space<vmem>> -> memref<128x64xf32, #tpu.memory_space<vmem>>
      %dma_start3A_280 = arith.constant 0 : i32
      %dma_start3A_281 = tpu.memref_slice %arg9[%run_scoped3A_227, %dma_start3A_280] : memref<80x128xi32, #tpu.memory_space<vmem>> -> memref<1x128xi32, #tpu.memory_space<vmem>>
      %dma_start3A_282 = tpu.memref_squeeze %dma_start3A_281 : memref<1x128xi32, #tpu.memory_space<vmem>> -> memref<128xi32, #tpu.memory_space<vmem>>
      %dma_start3A_283 = arith.constant 0 : i32
      %dma_start3A_284 = arith.constant 0 : i32
      %dma_start3A_285 = tpu.memref_slice %arg12[%dma_start3A_283, %dma_start3A_284] : memref<10240x64xf32, #tpu.memory_space<vmem_shared>> -> memref<10240x64xf32, #tpu.memory_space<vmem_shared>>
      tpu.enqueue_indirect_dma source(%dma_start3A_279 : memref<128x64xf32, #tpu.memory_space<vmem>>) target(%dma_start3A_285 : memref<10240x64xf32, #tpu.memory_space<vmem_shared>>) offsets(%dma_start3A_282 : memref<128xi32, #tpu.memory_space<vmem>>) semaphore(%run_scoped3A_275 : memref<!tpu.dma_semaphore, #tpu.memory_space<semaphore_mem>>) {add = true}
      %dma_wait3A_286 = arith.constant 0 : i32
      %dma_wait3A_287 = arith.constant 0 : i32
      %dma_wait3A_288 = tpu.memref_slice %arg10[%run_scoped3A_226, %dma_wait3A_286, %dma_wait3A_287] : memref<4x128x64xf32, #tpu.memory_space<vmem>> -> memref<1x128x64xf32, #tpu.memory_space<vmem>>
      %dma_wait3A_289 = tpu.memref_squeeze %dma_wait3A_288 : memref<1x128x64xf32, #tpu.memory_space<vmem>> -> memref<128x64xf32, #tpu.memory_space<vmem>>
      %dma_wait3A_290 = arith.constant 0 : i32
      %dma_wait3A_291 = tpu.memref_slice %arg9[%run_scoped3A_227, %dma_wait3A_290] : memref<80x128xi32, #tpu.memory_space<vmem>> -> memref<1x128xi32, #tpu.memory_space<vmem>>
      %dma_wait3A_292 = tpu.memref_squeeze %dma_wait3A_291 : memref<1x128xi32, #tpu.memory_space<vmem>> -> memref<128xi32, #tpu.memory_space<vmem>>
      %dma_wait3A_293 = arith.constant 0 : i32
      %dma_wait3A_294 = arith.constant 0 : i32
      %dma_wait3A_295 = tpu.memref_slice %arg12[%dma_wait3A_293, %dma_wait3A_294] : memref<10240x64xf32, #tpu.memory_space<vmem_shared>> -> memref<10240x64xf32, #tpu.memory_space<vmem_shared>>
      tpu.wait_indirect_dma semaphore(%run_scoped3A_275 : memref<!tpu.dma_semaphore, #tpu.memory_space<semaphore_mem>>) src(%dma_wait3A_289 : memref<128x64xf32, #tpu.memory_space<vmem>>) dst(%dma_wait3A_295 : memref<10240x64xf32, #tpu.memory_space<vmem_shared>>)
      tpu.yield
    }) : () -> ()
    %dma_wait3A_228 = arith.constant 77 : i32
    %dma_wait3A_229 = arith.constant 1 : i32
    %dma_wait3A_230 = arith.constant 0 : i32
    %dma_wait3A_231 = arith.constant 0 : i32
    %dma_wait3A_232 = tpu.memref_slice %arg10[%dma_wait3A_229, %dma_wait3A_230, %dma_wait3A_231] : memref<4x128x64xf32, #tpu.memory_space<vmem>> -> memref<1x128x64xf32, #tpu.memory_space<vmem>>
    %dma_wait3A_233 = tpu.memref_squeeze %dma_wait3A_232 : memref<1x128x64xf32, #tpu.memory_space<vmem>> -> memref<128x64xf32, #tpu.memory_space<vmem>>
    %dma_wait3A_234 = arith.constant 0 : i32
    %dma_wait3A_235 = tpu.memref_slice %arg8[%dma_wait3A_228, %dma_wait3A_234] : memref<80x128xi32, #tpu.memory_space<vmem>> -> memref<1x128xi32, #tpu.memory_space<vmem>>
    %dma_wait3A_236 = tpu.memref_squeeze %dma_wait3A_235 : memref<1x128xi32, #tpu.memory_space<vmem>> -> memref<128xi32, #tpu.memory_space<vmem>>
    %dma_wait3A_237 = arith.constant 0 : i32
    %dma_wait3A_238 = arith.constant 0 : i32
    %dma_wait3A_239 = tpu.memref_slice %arg3[%dma_wait3A_237, %dma_wait3A_238] : memref<10240x64xf32, #tpu.memory_space<hbm>> -> memref<10240x64xf32, #tpu.memory_space<hbm>>
    tpu.wait_indirect_dma semaphore(%arg14 : memref<!tpu.dma_semaphore, #tpu.memory_space<semaphore_mem>>) src(%dma_wait3A_239 : memref<10240x64xf32, #tpu.memory_space<hbm>>) dst(%dma_wait3A_233 : memref<128x64xf32, #tpu.memory_space<vmem>>)
    %run_scoped3A_240 = arith.constant 1 : i32
    %run_scoped3A_241 = arith.constant 77 : i32
    "tpu.region"() ({
      %run_scoped3A_275 = tpu.sem_alloc : memref<!tpu.dma_semaphore, #tpu.memory_space<semaphore_mem>>
      %dma_start3A_276 = arith.constant 0 : i32
      %dma_start3A_277 = arith.constant 0 : i32
      %dma_start3A_278 = tpu.memref_slice %arg10[%run_scoped3A_240, %dma_start3A_276, %dma_start3A_277] : memref<4x128x64xf32, #tpu.memory_space<vmem>> -> memref<1x128x64xf32, #tpu.memory_space<vmem>>
      %dma_start3A_279 = tpu.memref_squeeze %dma_start3A_278 : memref<1x128x64xf32, #tpu.memory_space<vmem>> -> memref<128x64xf32, #tpu.memory_space<vmem>>
      %dma_start3A_280 = arith.constant 0 : i32
      %dma_start3A_281 = tpu.memref_slice %arg9[%run_scoped3A_241, %dma_start3A_280] : memref<80x128xi32, #tpu.memory_space<vmem>> -> memref<1x128xi32, #tpu.memory_space<vmem>>
      %dma_start3A_282 = tpu.memref_squeeze %dma_start3A_281 : memref<1x128xi32, #tpu.memory_space<vmem>> -> memref<128xi32, #tpu.memory_space<vmem>>
      %dma_start3A_283 = arith.constant 0 : i32
      %dma_start3A_284 = arith.constant 0 : i32
      %dma_start3A_285 = tpu.memref_slice %arg12[%dma_start3A_283, %dma_start3A_284] : memref<10240x64xf32, #tpu.memory_space<vmem_shared>> -> memref<10240x64xf32, #tpu.memory_space<vmem_shared>>
      tpu.enqueue_indirect_dma source(%dma_start3A_279 : memref<128x64xf32, #tpu.memory_space<vmem>>) target(%dma_start3A_285 : memref<10240x64xf32, #tpu.memory_space<vmem_shared>>) offsets(%dma_start3A_282 : memref<128xi32, #tpu.memory_space<vmem>>) semaphore(%run_scoped3A_275 : memref<!tpu.dma_semaphore, #tpu.memory_space<semaphore_mem>>) {add = true}
      %dma_wait3A_286 = arith.constant 0 : i32
      %dma_wait3A_287 = arith.constant 0 : i32
      %dma_wait3A_288 = tpu.memref_slice %arg10[%run_scoped3A_240, %dma_wait3A_286, %dma_wait3A_287] : memref<4x128x64xf32, #tpu.memory_space<vmem>> -> memref<1x128x64xf32, #tpu.memory_space<vmem>>
      %dma_wait3A_289 = tpu.memref_squeeze %dma_wait3A_288 : memref<1x128x64xf32, #tpu.memory_space<vmem>> -> memref<128x64xf32, #tpu.memory_space<vmem>>
      %dma_wait3A_290 = arith.constant 0 : i32
      %dma_wait3A_291 = tpu.memref_slice %arg9[%run_scoped3A_241, %dma_wait3A_290] : memref<80x128xi32, #tpu.memory_space<vmem>> -> memref<1x128xi32, #tpu.memory_space<vmem>>
      %dma_wait3A_292 = tpu.memref_squeeze %dma_wait3A_291 : memref<1x128xi32, #tpu.memory_space<vmem>> -> memref<128xi32, #tpu.memory_space<vmem>>
      %dma_wait3A_293 = arith.constant 0 : i32
      %dma_wait3A_294 = arith.constant 0 : i32
      %dma_wait3A_295 = tpu.memref_slice %arg12[%dma_wait3A_293, %dma_wait3A_294] : memref<10240x64xf32, #tpu.memory_space<vmem_shared>> -> memref<10240x64xf32, #tpu.memory_space<vmem_shared>>
      tpu.wait_indirect_dma semaphore(%run_scoped3A_275 : memref<!tpu.dma_semaphore, #tpu.memory_space<semaphore_mem>>) src(%dma_wait3A_289 : memref<128x64xf32, #tpu.memory_space<vmem>>) dst(%dma_wait3A_295 : memref<10240x64xf32, #tpu.memory_space<vmem_shared>>)
      tpu.yield
    }) : () -> ()
    %dma_wait3A_242 = arith.constant 78 : i32
    %dma_wait3A_243 = arith.constant 2 : i32
    %dma_wait3A_244 = arith.constant 0 : i32
    %dma_wait3A_245 = arith.constant 0 : i32
    %dma_wait3A_246 = tpu.memref_slice %arg10[%dma_wait3A_243, %dma_wait3A_244, %dma_wait3A_245] : memref<4x128x64xf32, #tpu.memory_space<vmem>> -> memref<1x128x64xf32, #tpu.memory_space<vmem>>
    %dma_wait3A_247 = tpu.memref_squeeze %dma_wait3A_246 : memref<1x128x64xf32, #tpu.memory_space<vmem>> -> memref<128x64xf32, #tpu.memory_space<vmem>>
    %dma_wait3A_248 = arith.constant 0 : i32
    %dma_wait3A_249 = tpu.memref_slice %arg8[%dma_wait3A_242, %dma_wait3A_248] : memref<80x128xi32, #tpu.memory_space<vmem>> -> memref<1x128xi32, #tpu.memory_space<vmem>>
    %dma_wait3A_250 = tpu.memref_squeeze %dma_wait3A_249 : memref<1x128xi32, #tpu.memory_space<vmem>> -> memref<128xi32, #tpu.memory_space<vmem>>
    %dma_wait3A_251 = arith.constant 0 : i32
    %dma_wait3A_252 = arith.constant 0 : i32
    %dma_wait3A_253 = tpu.memref_slice %arg3[%dma_wait3A_251, %dma_wait3A_252] : memref<10240x64xf32, #tpu.memory_space<hbm>> -> memref<10240x64xf32, #tpu.memory_space<hbm>>
    tpu.wait_indirect_dma semaphore(%arg15 : memref<!tpu.dma_semaphore, #tpu.memory_space<semaphore_mem>>) src(%dma_wait3A_253 : memref<10240x64xf32, #tpu.memory_space<hbm>>) dst(%dma_wait3A_247 : memref<128x64xf32, #tpu.memory_space<vmem>>)
    %run_scoped3A_254 = arith.constant 2 : i32
    %run_scoped3A_255 = arith.constant 78 : i32
    "tpu.region"() ({
      %run_scoped3A_275 = tpu.sem_alloc : memref<!tpu.dma_semaphore, #tpu.memory_space<semaphore_mem>>
      %dma_start3A_276 = arith.constant 0 : i32
      %dma_start3A_277 = arith.constant 0 : i32
      %dma_start3A_278 = tpu.memref_slice %arg10[%run_scoped3A_254, %dma_start3A_276, %dma_start3A_277] : memref<4x128x64xf32, #tpu.memory_space<vmem>> -> memref<1x128x64xf32, #tpu.memory_space<vmem>>
      %dma_start3A_279 = tpu.memref_squeeze %dma_start3A_278 : memref<1x128x64xf32, #tpu.memory_space<vmem>> -> memref<128x64xf32, #tpu.memory_space<vmem>>
      %dma_start3A_280 = arith.constant 0 : i32
      %dma_start3A_281 = tpu.memref_slice %arg9[%run_scoped3A_255, %dma_start3A_280] : memref<80x128xi32, #tpu.memory_space<vmem>> -> memref<1x128xi32, #tpu.memory_space<vmem>>
      %dma_start3A_282 = tpu.memref_squeeze %dma_start3A_281 : memref<1x128xi32, #tpu.memory_space<vmem>> -> memref<128xi32, #tpu.memory_space<vmem>>
      %dma_start3A_283 = arith.constant 0 : i32
      %dma_start3A_284 = arith.constant 0 : i32
      %dma_start3A_285 = tpu.memref_slice %arg12[%dma_start3A_283, %dma_start3A_284] : memref<10240x64xf32, #tpu.memory_space<vmem_shared>> -> memref<10240x64xf32, #tpu.memory_space<vmem_shared>>
      tpu.enqueue_indirect_dma source(%dma_start3A_279 : memref<128x64xf32, #tpu.memory_space<vmem>>) target(%dma_start3A_285 : memref<10240x64xf32, #tpu.memory_space<vmem_shared>>) offsets(%dma_start3A_282 : memref<128xi32, #tpu.memory_space<vmem>>) semaphore(%run_scoped3A_275 : memref<!tpu.dma_semaphore, #tpu.memory_space<semaphore_mem>>) {add = true}
      %dma_wait3A_286 = arith.constant 0 : i32
      %dma_wait3A_287 = arith.constant 0 : i32
      %dma_wait3A_288 = tpu.memref_slice %arg10[%run_scoped3A_254, %dma_wait3A_286, %dma_wait3A_287] : memref<4x128x64xf32, #tpu.memory_space<vmem>> -> memref<1x128x64xf32, #tpu.memory_space<vmem>>
      %dma_wait3A_289 = tpu.memref_squeeze %dma_wait3A_288 : memref<1x128x64xf32, #tpu.memory_space<vmem>> -> memref<128x64xf32, #tpu.memory_space<vmem>>
      %dma_wait3A_290 = arith.constant 0 : i32
      %dma_wait3A_291 = tpu.memref_slice %arg9[%run_scoped3A_255, %dma_wait3A_290] : memref<80x128xi32, #tpu.memory_space<vmem>> -> memref<1x128xi32, #tpu.memory_space<vmem>>
      %dma_wait3A_292 = tpu.memref_squeeze %dma_wait3A_291 : memref<1x128xi32, #tpu.memory_space<vmem>> -> memref<128xi32, #tpu.memory_space<vmem>>
      %dma_wait3A_293 = arith.constant 0 : i32
      %dma_wait3A_294 = arith.constant 0 : i32
      %dma_wait3A_295 = tpu.memref_slice %arg12[%dma_wait3A_293, %dma_wait3A_294] : memref<10240x64xf32, #tpu.memory_space<vmem_shared>> -> memref<10240x64xf32, #tpu.memory_space<vmem_shared>>
      tpu.wait_indirect_dma semaphore(%run_scoped3A_275 : memref<!tpu.dma_semaphore, #tpu.memory_space<semaphore_mem>>) src(%dma_wait3A_289 : memref<128x64xf32, #tpu.memory_space<vmem>>) dst(%dma_wait3A_295 : memref<10240x64xf32, #tpu.memory_space<vmem_shared>>)
      tpu.yield
    }) : () -> ()
    %dma_wait3A_256 = arith.constant 79 : i32
    %dma_wait3A_257 = arith.constant 3 : i32
    %dma_wait3A_258 = arith.constant 0 : i32
    %dma_wait3A_259 = arith.constant 0 : i32
    %dma_wait3A_260 = tpu.memref_slice %arg10[%dma_wait3A_257, %dma_wait3A_258, %dma_wait3A_259] : memref<4x128x64xf32, #tpu.memory_space<vmem>> -> memref<1x128x64xf32, #tpu.memory_space<vmem>>
    %dma_wait3A_261 = tpu.memref_squeeze %dma_wait3A_260 : memref<1x128x64xf32, #tpu.memory_space<vmem>> -> memref<128x64xf32, #tpu.memory_space<vmem>>
    %dma_wait3A_262 = arith.constant 0 : i32
    %dma_wait3A_263 = tpu.memref_slice %arg8[%dma_wait3A_256, %dma_wait3A_262] : memref<80x128xi32, #tpu.memory_space<vmem>> -> memref<1x128xi32, #tpu.memory_space<vmem>>
    %dma_wait3A_264 = tpu.memref_squeeze %dma_wait3A_263 : memref<1x128xi32, #tpu.memory_space<vmem>> -> memref<128xi32, #tpu.memory_space<vmem>>
    %dma_wait3A_265 = arith.constant 0 : i32
    %dma_wait3A_266 = arith.constant 0 : i32
    %dma_wait3A_267 = tpu.memref_slice %arg3[%dma_wait3A_265, %dma_wait3A_266] : memref<10240x64xf32, #tpu.memory_space<hbm>> -> memref<10240x64xf32, #tpu.memory_space<hbm>>
    tpu.wait_indirect_dma semaphore(%arg16 : memref<!tpu.dma_semaphore, #tpu.memory_space<semaphore_mem>>) src(%dma_wait3A_267 : memref<10240x64xf32, #tpu.memory_space<hbm>>) dst(%dma_wait3A_261 : memref<128x64xf32, #tpu.memory_space<vmem>>)
    %run_scoped3A_268 = arith.constant 3 : i32
    %run_scoped3A_269 = arith.constant 79 : i32
    "tpu.region"() ({
      %run_scoped3A_275 = tpu.sem_alloc : memref<!tpu.dma_semaphore, #tpu.memory_space<semaphore_mem>>
      %dma_start3A_276 = arith.constant 0 : i32
      %dma_start3A_277 = arith.constant 0 : i32
      %dma_start3A_278 = tpu.memref_slice %arg10[%run_scoped3A_268, %dma_start3A_276, %dma_start3A_277] : memref<4x128x64xf32, #tpu.memory_space<vmem>> -> memref<1x128x64xf32, #tpu.memory_space<vmem>>
      %dma_start3A_279 = tpu.memref_squeeze %dma_start3A_278 : memref<1x128x64xf32, #tpu.memory_space<vmem>> -> memref<128x64xf32, #tpu.memory_space<vmem>>
      %dma_start3A_280 = arith.constant 0 : i32
      %dma_start3A_281 = tpu.memref_slice %arg9[%run_scoped3A_269, %dma_start3A_280] : memref<80x128xi32, #tpu.memory_space<vmem>> -> memref<1x128xi32, #tpu.memory_space<vmem>>
      %dma_start3A_282 = tpu.memref_squeeze %dma_start3A_281 : memref<1x128xi32, #tpu.memory_space<vmem>> -> memref<128xi32, #tpu.memory_space<vmem>>
      %dma_start3A_283 = arith.constant 0 : i32
      %dma_start3A_284 = arith.constant 0 : i32
      %dma_start3A_285 = tpu.memref_slice %arg12[%dma_start3A_283, %dma_start3A_284] : memref<10240x64xf32, #tpu.memory_space<vmem_shared>> -> memref<10240x64xf32, #tpu.memory_space<vmem_shared>>
      tpu.enqueue_indirect_dma source(%dma_start3A_279 : memref<128x64xf32, #tpu.memory_space<vmem>>) target(%dma_start3A_285 : memref<10240x64xf32, #tpu.memory_space<vmem_shared>>) offsets(%dma_start3A_282 : memref<128xi32, #tpu.memory_space<vmem>>) semaphore(%run_scoped3A_275 : memref<!tpu.dma_semaphore, #tpu.memory_space<semaphore_mem>>) {add = true}
      %dma_wait3A_286 = arith.constant 0 : i32
      %dma_wait3A_287 = arith.constant 0 : i32
      %dma_wait3A_288 = tpu.memref_slice %arg10[%run_scoped3A_268, %dma_wait3A_286, %dma_wait3A_287] : memref<4x128x64xf32, #tpu.memory_space<vmem>> -> memref<1x128x64xf32, #tpu.memory_space<vmem>>
      %dma_wait3A_289 = tpu.memref_squeeze %dma_wait3A_288 : memref<1x128x64xf32, #tpu.memory_space<vmem>> -> memref<128x64xf32, #tpu.memory_space<vmem>>
      %dma_wait3A_290 = arith.constant 0 : i32
      %dma_wait3A_291 = tpu.memref_slice %arg9[%run_scoped3A_269, %dma_wait3A_290] : memref<80x128xi32, #tpu.memory_space<vmem>> -> memref<1x128xi32, #tpu.memory_space<vmem>>
      %dma_wait3A_292 = tpu.memref_squeeze %dma_wait3A_291 : memref<1x128xi32, #tpu.memory_space<vmem>> -> memref<128xi32, #tpu.memory_space<vmem>>
      %dma_wait3A_293 = arith.constant 0 : i32
      %dma_wait3A_294 = arith.constant 0 : i32
      %dma_wait3A_295 = tpu.memref_slice %arg12[%dma_wait3A_293, %dma_wait3A_294] : memref<10240x64xf32, #tpu.memory_space<vmem_shared>> -> memref<10240x64xf32, #tpu.memory_space<vmem_shared>>
      tpu.wait_indirect_dma semaphore(%run_scoped3A_275 : memref<!tpu.dma_semaphore, #tpu.memory_space<semaphore_mem>>) src(%dma_wait3A_289 : memref<128x64xf32, #tpu.memory_space<vmem>>) dst(%dma_wait3A_295 : memref<10240x64xf32, #tpu.memory_space<vmem_shared>>)
      tpu.yield
    }) : () -> ()
    %barrier3A_270 = arith.constant 0 : index
    tpu.barrier barrier_id(%barrier3A_270)
    %mul3A_271 = arith.constant 640 : i32
    %mul3A_272 = arith.muli %arg1, %mul3A_271 : i32
    %mul3A_273 = arith.constant 640 : i32
    %mul3A_274 = arith.muli %arg1, %mul3A_273 : i32
    "tpu.region"() ({
      %run_scoped3A_275 = tpu.sem_alloc : memref<!tpu.dma_semaphore, #tpu.memory_space<semaphore_mem>>
      %dma_start3A_276 = arith.constant 0 : i32
      %dma_start3A_277 = tpu.memref_slice %arg7[%arg0, %mul3A_274, %dma_start3A_276] : memref<2x10240x64xf32, #tpu.memory_space<hbm>> -> memref<1x640x64xf32, #tpu.memory_space<hbm>>
      %dma_start3A_278 = tpu.memref_squeeze %dma_start3A_277 : memref<1x640x64xf32, #tpu.memory_space<hbm>> -> memref<640x64xf32, #tpu.memory_space<hbm>>
      %dma_start3A_279 = arith.constant 0 : i32
      %dma_start3A_280 = tpu.memref_slice %arg12[%mul3A_272, %dma_start3A_279] : memref<10240x64xf32, #tpu.memory_space<vmem_shared>> -> memref<640x64xf32, #tpu.memory_space<vmem_shared>>
      tpu.enqueue_dma source(%dma_start3A_280 : memref<640x64xf32, #tpu.memory_space<vmem_shared>>) target(%dma_start3A_278 : memref<640x64xf32, #tpu.memory_space<hbm>>) target_semaphore(%run_scoped3A_275 : memref<!tpu.dma_semaphore, #tpu.memory_space<semaphore_mem>>)
      %dma_wait3A_281 = arith.constant 0 : i32
      %dma_wait3A_282 = tpu.memref_slice %arg7[%arg0, %mul3A_274, %dma_wait3A_281] : memref<2x10240x64xf32, #tpu.memory_space<hbm>> -> memref<1x640x64xf32, #tpu.memory_space<hbm>>
      %dma_wait3A_283 = tpu.memref_squeeze %dma_wait3A_282 : memref<1x640x64xf32, #tpu.memory_space<hbm>> -> memref<640x64xf32, #tpu.memory_space<hbm>>
      %dma_wait3A_284 = arith.constant 0 : i32
      %dma_wait3A_285 = tpu.memref_slice %arg12[%mul3A_272, %dma_wait3A_284] : memref<10240x64xf32, #tpu.memory_space<vmem_shared>> -> memref<640x64xf32, #tpu.memory_space<vmem_shared>>
      tpu.wait_dma2 semaphore(%run_scoped3A_275 : memref<!tpu.dma_semaphore, #tpu.memory_space<semaphore_mem>>) src(%dma_wait3A_285 : memref<640x64xf32, #tpu.memory_space<vmem_shared>>) dst(%dma_wait3A_283 : memref<640x64xf32, #tpu.memory_space<hbm>>)
      tpu.yield
    }) : () -> ()
    return
  }
}

#map = affine_map<(d0, d1) -> (0, 0, 0)>
#map1 = affine_map<(d0, d1) -> (0, 0)>
module attributes {stable_mosaic.version = 14 : i64} {
  func.func @_deg_kernel(%arg0: i32, %arg1: i32, %arg2: memref<32x80x128xi32, #tpu.memory_space<hbm>>, %arg3: memref<32x10240xf32, #tpu.memory_space<hbm>>, %arg4: memref<80x128xi32, #tpu.memory_space<vmem>>, %arg5: memref<10240xf32, #tpu.memory_space<vmem>>) attributes {dimension_semantics = [#tpu.dimension_semantics<core_parallel>, #tpu.dimension_semantics<subcore_parallel>], iteration_bounds = array<i64: 2, 16>, scalar_prefetch = 0 : i64, scratch_operands = 2 : i64, tpu.core_type = #tpu.core_type<sc_vector_subcore>, window_params = [{transform_indices = #map}, {transform_indices = #map1}]} {
    %mul3A = arith.constant 16 : i32
    %mul3A_0 = arith.muli %arg0, %mul3A : i32
    %add3A = arith.addi %mul3A_0, %arg1 : i32
    "tpu.region"() ({
      %run_scoped3A = tpu.sem_alloc : memref<!tpu.dma_semaphore, #tpu.memory_space<semaphore_mem>>
      %dma_start3A = arith.constant 0 : i32
      %dma_start3A_15 = arith.constant 0 : i32
      %dma_start3A_16 = tpu.memref_slice %arg2[%add3A, %dma_start3A, %dma_start3A_15] : memref<32x80x128xi32, #tpu.memory_space<hbm>> -> memref<1x80x128xi32, #tpu.memory_space<hbm>>
      %dma_start3A_17 = tpu.memref_squeeze %dma_start3A_16 : memref<1x80x128xi32, #tpu.memory_space<hbm>> -> memref<80x128xi32, #tpu.memory_space<hbm>>
      %dma_start3A_18 = arith.constant 0 : i32
      %dma_start3A_19 = arith.constant 0 : i32
      %dma_start3A_20 = tpu.memref_slice %arg2[%add3A, %dma_start3A_18, %dma_start3A_19] : memref<32x80x128xi32, #tpu.memory_space<hbm>> -> memref<1x80x128xi32, #tpu.memory_space<hbm>>
      %dma_start3A_21 = tpu.memref_squeeze %dma_start3A_20 : memref<1x80x128xi32, #tpu.memory_space<hbm>> -> memref<80x128xi32, #tpu.memory_space<hbm>>
      tpu.enqueue_dma source(%dma_start3A_21 : memref<80x128xi32, #tpu.memory_space<hbm>>) target(%arg4 : memref<80x128xi32, #tpu.memory_space<vmem>>) target_semaphore(%run_scoped3A : memref<!tpu.dma_semaphore, #tpu.memory_space<semaphore_mem>>)
      %dma_wait3A = arith.constant 0 : i32
      %dma_wait3A_22 = arith.constant 0 : i32
      %dma_wait3A_23 = tpu.memref_slice %arg2[%add3A, %dma_wait3A, %dma_wait3A_22] : memref<32x80x128xi32, #tpu.memory_space<hbm>> -> memref<1x80x128xi32, #tpu.memory_space<hbm>>
      %dma_wait3A_24 = tpu.memref_squeeze %dma_wait3A_23 : memref<1x80x128xi32, #tpu.memory_space<hbm>> -> memref<80x128xi32, #tpu.memory_space<hbm>>
      %dma_wait3A_25 = arith.constant 0 : i32
      %dma_wait3A_26 = arith.constant 0 : i32
      %dma_wait3A_27 = tpu.memref_slice %arg2[%add3A, %dma_wait3A_25, %dma_wait3A_26] : memref<32x80x128xi32, #tpu.memory_space<hbm>> -> memref<1x80x128xi32, #tpu.memory_space<hbm>>
      %dma_wait3A_28 = tpu.memref_squeeze %dma_wait3A_27 : memref<1x80x128xi32, #tpu.memory_space<hbm>> -> memref<80x128xi32, #tpu.memory_space<hbm>>
      tpu.wait_dma2 semaphore(%run_scoped3A : memref<!tpu.dma_semaphore, #tpu.memory_space<semaphore_mem>>) src(%dma_wait3A_28 : memref<80x128xi32, #tpu.memory_space<hbm>>) dst(%arg4 : memref<80x128xi32, #tpu.memory_space<vmem>>)
      tpu.yield
    }) : () -> ()
    %broadcast_in_dim3A = arith.constant 0.000000e+00 : f32
    %broadcast_in_dim3A_1 = vector.broadcast %broadcast_in_dim3A : f32 to vector<16xf32>
    %scan3A = arith.constant 0 : i32
    %scan3A_2 = arith.constant 0 : i32
    %scan3A_3 = arith.constant 640 : i32
    %scan3A_4 = arith.addi %scan3A_2, %scan3A_3 : i32
    %scan3A_5 = arith.constant 1 : i32
    scf.for %scan3A_15 = %scan3A_2 to %scan3A_4 step %scan3A_5  : i32 {
      %mul3A_16 = arith.constant 16 : i32
      %mul3A_17 = arith.muli %scan3A_15, %mul3A_16 : i32
      %swap3A = arith.index_cast %mul3A_17 : i32 to index
      %swap3A_18 = tpu.vector_load %arg5[%swap3A] {strides = array<i32>} : memref<10240xf32, #tpu.memory_space<vmem>>, vector<16xf32>,
      tpu.vector_store %arg5[%swap3A], %broadcast_in_dim3A_1 {strides = array<i32>} : memref<10240xf32, #tpu.memory_space<vmem>>, vector<16xf32>,
    }
    %scan3A_6 = arith.constant 640 : i32
    %broadcast_in_dim3A_7 = arith.constant 1.000000e+00 : f32
    %broadcast_in_dim3A_8 = vector.broadcast %broadcast_in_dim3A_7 : f32 to vector<16xf32>
    %scan3A_9 = arith.constant 0 : i32
    %scan3A_10 = arith.constant 0 : i32
    %scan3A_11 = arith.constant 640 : i32
    %scan3A_12 = arith.addi %scan3A_10, %scan3A_11 : i32
    %scan3A_13 = arith.constant 1 : i32
    scf.for %scan3A_15 = %scan3A_10 to %scan3A_12 step %scan3A_13  : i32 {
      %jit3A = arith.constant 8 : i32
      %div3A = arith.divsi %scan3A_15, %jit3A : i32
      %sign3A = arith.constant 0 : i32
      %sign3A_16 = arith.cmpi sgt, %scan3A_15, %sign3A : i32
      %sign3A_17 = arith.extui %sign3A_16 : i1 to i32
      %sign3A_18 = arith.constant 0 : i32
      %sign3A_19 = arith.cmpi slt, %scan3A_15, %sign3A_18 : i32
      %sign3A_20 = arith.extui %sign3A_19 : i1 to i32
      %sign3A_21 = arith.subi %sign3A_17, %sign3A_20 : i32
      %sign3A_22 = arith.constant 0 : i32
      %sign3A_23 = arith.cmpi sgt, %jit3A, %sign3A_22 : i32
      %sign3A_24 = arith.extui %sign3A_23 : i1 to i32
      %sign3A_25 = arith.constant 0 : i32
      %sign3A_26 = arith.cmpi slt, %jit3A, %sign3A_25 : i32
      %sign3A_27 = arith.extui %sign3A_26 : i1 to i32
      %sign3A_28 = arith.subi %sign3A_24, %sign3A_27 : i32
      %ne3A = arith.cmpi ne, %sign3A_21, %sign3A_28 : i32
      %rem3A = arith.remsi %scan3A_15, %jit3A : i32
      %ne3A_29 = arith.constant 0 : i32
      %ne3A_30 = arith.cmpi ne, %rem3A, %ne3A_29 : i32
      %and3A = arith.andi %ne3A, %ne3A_30 : i1
      %sub3A = arith.constant 1 : i32
      %sub3A_31 = arith.subi %div3A, %sub3A : i32
      %select_n3A = arith.select %and3A, %sub3A_31, %div3A : i32
      %jit3A_32 = arith.constant 8 : i32
      %eq3A = arith.constant 0 : i32
      %eq3A_33 = arith.cmpi eq, %jit3A_32, %eq3A : i32
      %jit3A_34 = arith.constant 1 : i32
      %select_n3A_35 = arith.select %eq3A_33, %jit3A_34, %jit3A_32 : i32
      %rem3A_36 = arith.remsi %scan3A_15, %select_n3A_35 : i32
      %ne3A_37 = arith.constant 0 : i32
      %ne3A_38 = arith.cmpi ne, %rem3A_36, %ne3A_37 : i32
      %lt3A = arith.constant 0 : i32
      %lt3A_39 = arith.cmpi slt, %rem3A_36, %lt3A : i32
      %lt3A_40 = arith.constant 0 : i32
      %lt3A_41 = arith.cmpi slt, %select_n3A_35, %lt3A_40 : i32
      %ne3A_42 = arith.xori %lt3A_39, %lt3A_41 : i1
      %and3A_43 = arith.andi %ne3A_42, %ne3A_38 : i1
      %add3A_44 = arith.addi %rem3A_36, %select_n3A_35 : i32
      %select_n3A_45 = arith.select %and3A_43, %add3A_44, %rem3A_36 : i32
      %mul3A_46 = arith.constant 16 : i32
      %mul3A_47 = arith.muli %select_n3A_45, %mul3A_46 : i32
      %get3A = arith.index_cast %select_n3A : i32 to index
      %get3A_48 = arith.index_cast %mul3A_47 : i32 to index
      %get3A_49 = tpu.vector_load %arg4[%get3A, %get3A_48] {strides = array<i32>} : memref<80x128xi32, #tpu.memory_space<vmem>>, vector<16xi32>,
      tpu.vector_store_idx %arg5[%get3A_49], %broadcast_in_dim3A_8 {add = true} : memref<10240xf32, #tpu.memory_space<vmem>>[vector<16xi32>], vector<16xf32>,
    }
    %scan3A_14 = arith.constant 640 : i32
    "tpu.region"() ({
      %run_scoped3A = tpu.sem_alloc : memref<!tpu.dma_semaphore, #tpu.memory_space<semaphore_mem>>
      %dma_start3A = arith.constant 0 : i32
      %dma_start3A_15 = tpu.memref_slice %arg3[%add3A, %dma_start3A] : memref<32x10240xf32, #tpu.memory_space<hbm>> -> memref<1x10240xf32, #tpu.memory_space<hbm>>
      %dma_start3A_16 = tpu.memref_squeeze %dma_start3A_15 : memref<1x10240xf32, #tpu.memory_space<hbm>> -> memref<10240xf32, #tpu.memory_space<hbm>>
      %dma_start3A_17 = arith.constant 0 : i32
      %dma_start3A_18 = tpu.memref_slice %arg3[%add3A, %dma_start3A_17] : memref<32x10240xf32, #tpu.memory_space<hbm>> -> memref<1x10240xf32, #tpu.memory_space<hbm>>
      %dma_start3A_19 = tpu.memref_squeeze %dma_start3A_18 : memref<1x10240xf32, #tpu.memory_space<hbm>> -> memref<10240xf32, #tpu.memory_space<hbm>>
      tpu.enqueue_dma source(%arg5 : memref<10240xf32, #tpu.memory_space<vmem>>) target(%dma_start3A_19 : memref<10240xf32, #tpu.memory_space<hbm>>) target_semaphore(%run_scoped3A : memref<!tpu.dma_semaphore, #tpu.memory_space<semaphore_mem>>)
      %dma_wait3A = arith.constant 0 : i32
      %dma_wait3A_20 = tpu.memref_slice %arg3[%add3A, %dma_wait3A] : memref<32x10240xf32, #tpu.memory_space<hbm>> -> memref<1x10240xf32, #tpu.memory_space<hbm>>
      %dma_wait3A_21 = tpu.memref_squeeze %dma_wait3A_20 : memref<1x10240xf32, #tpu.memory_space<hbm>> -> memref<10240xf32, #tpu.memory_space<hbm>>
      %dma_wait3A_22 = arith.constant 0 : i32
      %dma_wait3A_23 = tpu.memref_slice %arg3[%add3A, %dma_wait3A_22] : memref<32x10240xf32, #tpu.memory_space<hbm>> -> memref<1x10240xf32, #tpu.memory_space<hbm>>
      %dma_wait3A_24 = tpu.memref_squeeze %dma_wait3A_23 : memref<1x10240xf32, #tpu.memory_space<hbm>> -> memref<10240xf32, #tpu.memory_space<hbm>>
      tpu.wait_dma2 semaphore(%run_scoped3A : memref<!tpu.dma_semaphore, #tpu.memory_space<semaphore_mem>>) src(%arg5 : memref<10240xf32, #tpu.memory_space<vmem>>) dst(%dma_wait3A_24 : memref<10240xf32, #tpu.memory_space<hbm>>)
      tpu.yield
    }) : () -> ()
    return
  }
}

module attributes {stable_mosaic.version = 14 : i64} {
  func.func @_tc1_body(%arg0: i32, %arg1: memref<1024x32xf32, #tpu.memory_space<vmem>>, %arg2: memref<1024x128xf32, #tpu.memory_space<vmem>>, %arg3: memref<128x128xf32, #tpu.memory_space<vmem>>, %arg4: memref<1024x64xf32, #tpu.memory_space<vmem>>, %arg5: memref<1024x64xf32, #tpu.memory_space<vmem>>, %arg6: memref<1024x1xf32, #tpu.memory_space<vmem>>) attributes {dimension_semantics = [#tpu.dimension_semantics<arbitrary>], iteration_bounds = array<i64: 10>, scalar_prefetch = 0 : i64, scratch_operands = 0 : i64, tpu.core_type = #tpu.core_type<tc>, window_params = [{transform_indices = @transform_0, window_bounds = array<i64: 1024, 32>}, {transform_indices = @transform_1, window_bounds = array<i64: 1024, 128>}, {pipeline_mode = #tpu.pipeline_mode<synchronous>, transform_indices = @transform_2, window_bounds = array<i64: 128, 128>}, {transform_indices = @transform_3, window_bounds = array<i64: 1024, 64>}, {transform_indices = @transform_4, window_bounds = array<i64: 1024, 64>}, {transform_indices = @transform_5, window_bounds = array<i64: 1024, 1>}]} {
    %get3A = arith.constant 0 : index
    %get3A_0 = arith.constant 0 : index
    %get3A_1 = vector.load %arg1[%get3A, %get3A_0] : memref<1024x32xf32, #tpu.memory_space<vmem>>, vector<1024x32xf32>
    %reduce_sum3A = arith.constant dense<0.000000e+00> : vector<1024xf32>
    %reduce_sum3A_2 = vector.multi_reduction <add>, %get3A_1, %reduce_sum3A [1] : vector<1024x32xf32> to vector<1024xf32>
    %broadcast_in_dim3A = vector.shape_cast %reduce_sum3A_2 : vector<1024xf32> to vector<1024x1xf32>
    %add3A = arith.constant 1.000000e+00 : f32
    %add3A_3 = vector.broadcast %add3A : f32 to vector<1024x1xf32>
    %add3A_4 = arith.addf %broadcast_in_dim3A, %add3A_3 : vector<1024x1xf32>
    %rsqrt3A = math.rsqrt %add3A_4 : vector<1024x1xf32>
    %get3A_5 = arith.constant 0 : index
    %get3A_6 = arith.constant 0 : index
    %get3A_7 = vector.load %arg2[%get3A_5, %get3A_6] : memref<1024x128xf32, #tpu.memory_space<vmem>>, vector<1024x128xf32>
    %get3A_8 = arith.constant 0 : index
    %get3A_9 = arith.constant 0 : index
    %get3A_10 = vector.load %arg3[%get3A_8, %get3A_9] : memref<128x128xf32, #tpu.memory_space<vmem>>, vector<128x128xf32>
    %dot_general3A = arith.constant dense<0.000000e+00> : vector<1024x128xf32>
    %dot_general3A_11 = tpu.matmul %get3A_7, %get3A_10, %dot_general3A {dimension_numbers = #tpu.dot_dimension_numbers<[1], [0], [0], [1], [0, 0, 1, 1], [], []>, transpose_lhs_hint = false} : vector<1024x128xf32>, vector<128x128xf32>, vector<1024x128xf32> -> vector<1024x128xf32>
    %mul3A = vector.broadcast %rsqrt3A : vector<1024x1xf32> to vector<1024x128xf32>
    %mul3A_12 = arith.mulf %dot_general3A_11, %mul3A : vector<1024x128xf32>
    %slice3A = vector.extract_strided_slice %mul3A_12 {offsets = [0, 0], sizes = [1024, 64], strides = [1, 1]} : vector<1024x128xf32> to vector<1024x64xf32>
    %swap3A = arith.constant 0 : index
    %swap3A_13 = arith.constant 0 : index
    %swap3A_14 = vector.load %arg4[%swap3A, %swap3A_13] : memref<1024x64xf32, #tpu.memory_space<vmem>>, vector<1024x64xf32>
    tpu.vector_store %arg4[%swap3A, %swap3A_13], %slice3A {strides = array<i32>} : memref<1024x64xf32, #tpu.memory_space<vmem>>, vector<1024x64xf32>,
    %slice3A_15 = vector.extract_strided_slice %mul3A_12 {offsets = [0, 64], sizes = [1024, 64], strides = [1, 1]} : vector<1024x128xf32> to vector<1024x64xf32>
    %swap3A_16 = arith.constant 0 : index
    %swap3A_17 = arith.constant 0 : index
    %swap3A_18 = vector.load %arg5[%swap3A_16, %swap3A_17] : memref<1024x64xf32, #tpu.memory_space<vmem>>, vector<1024x64xf32>
    tpu.vector_store %arg5[%swap3A_16, %swap3A_17], %slice3A_15 {strides = array<i32>} : memref<1024x64xf32, #tpu.memory_space<vmem>>, vector<1024x64xf32>,
    %swap3A_19 = arith.constant 0 : index
    %swap3A_20 = arith.constant 0 : index
    %swap3A_21 = vector.load %arg6[%swap3A_19, %swap3A_20] : memref<1024x1xf32, #tpu.memory_space<vmem>>, vector<1024x1xf32>
    tpu.vector_store %arg6[%swap3A_19, %swap3A_20], %rsqrt3A {strides = array<i32>} : memref<1024x1xf32, #tpu.memory_space<vmem>>, vector<1024x1xf32>,
    return
  }
  func.func @transform_0(%arg0: i32) -> (i32, i32) {
    %c0_i32 = arith.constant 0 : i32
    %c0_i32_0 = arith.constant 0 : i32
    return %arg0, %c0_i32 : i32, i32
  }
  func.func @transform_1(%arg0: i32) -> (i32, i32) {
    %c0_i32 = arith.constant 0 : i32
    %c0_i32_0 = arith.constant 0 : i32
    return %arg0, %c0_i32 : i32, i32
  }
  func.func @transform_2(%arg0: i32) -> (i32, i32) {
    %c0_i32 = arith.constant 0 : i32
    %c0_i32_0 = arith.constant 0 : i32
    %c0_i32_1 = arith.constant 0 : i32
    return %c0_i32, %c0_i32_0 : i32, i32
  }
  func.func @transform_3(%arg0: i32) -> (i32, i32) {
    %c0_i32 = arith.constant 0 : i32
    %c0_i32_0 = arith.constant 0 : i32
    return %arg0, %c0_i32 : i32, i32
  }
  func.func @transform_4(%arg0: i32) -> (i32, i32) {
    %c0_i32 = arith.constant 0 : i32
    %c0_i32_0 = arith.constant 0 : i32
    return %arg0, %c0_i32 : i32, i32
  }
  func.func @transform_5(%arg0: i32) -> (i32, i32) {
    %c0_i32 = arith.constant 0 : i32
    %c0_i32_0 = arith.constant 0 : i32
    return %arg0, %c0_i32 : i32, i32
  }
}

module attributes {stable_mosaic.version = 14 : i64} {
  func.func @_tc2_body(%arg0: i32, %arg1: memref<1024x128xf32, #tpu.memory_space<vmem>>, %arg2: memref<2x1024x128xf32, #tpu.memory_space<vmem>>, %arg3: memref<2x1024x128xf32, #tpu.memory_space<vmem>>, %arg4: memref<1024x128xf32, #tpu.memory_space<vmem>>, %arg5: memref<1024x128xf32, #tpu.memory_space<vmem>>, %arg6: memref<1x128xf32, #tpu.memory_space<vmem>>, %arg7: memref<1x128xf32, #tpu.memory_space<vmem>>, %arg8: memref<128x128xf32, #tpu.memory_space<vmem>>, %arg9: memref<128x128xf32, #tpu.memory_space<vmem>>, %arg10: memref<1024x128xf32, #tpu.memory_space<vmem>>) attributes {dimension_semantics = [#tpu.dimension_semantics<arbitrary>], iteration_bounds = array<i64: 5>, scalar_prefetch = 0 : i64, scratch_operands = 0 : i64, tpu.core_type = #tpu.core_type<tc>, window_params = [{transform_indices = @transform_0, window_bounds = array<i64: 1024, 128>}, {transform_indices = @transform_1, window_bounds = array<i64: 2, 1024, 128>}, {transform_indices = @transform_2, window_bounds = array<i64: 2, 1024, 128>}, {transform_indices = @transform_3, window_bounds = array<i64: 1024, 128>}, {transform_indices = @transform_4, window_bounds = array<i64: 1024, 128>}, {pipeline_mode = #tpu.pipeline_mode<synchronous>, transform_indices = @transform_5, window_bounds = array<i64: 1, 128>}, {pipeline_mode = #tpu.pipeline_mode<synchronous>, transform_indices = @transform_6, window_bounds = array<i64: 1, 128>}, {pipeline_mode = #tpu.pipeline_mode<synchronous>, transform_indices = @transform_7, window_bounds = array<i64: 128, 128>}, {pipeline_mode = #tpu.pipeline_mode<synchronous>, transform_indices = @transform_8, window_bounds = array<i64: 128, 128>}, {transform_indices = @transform_9, window_bounds = array<i64: 1024, 128>}]} {
    %get3A = arith.constant 0 : index
    %get3A_0 = arith.constant 0 : index
    %get3A_1 = vector.load %arg1[%get3A, %get3A_0] : memref<1024x128xf32, #tpu.memory_space<vmem>>, vector<1024x128xf32>
    %get3A_2 = arith.constant 0 : index
    %get3A_3 = arith.constant 0 : index
    %get3A_4 = arith.constant 0 : index
    %get3A_5 = vector.load %arg2[%get3A_2, %get3A_3, %get3A_4] : memref<2x1024x128xf32, #tpu.memory_space<vmem>>, vector<1x1024x128xf32>
    %get3A_6 = vector.shape_cast %get3A_5 : vector<1x1024x128xf32> to vector<1024x128xf32>
    %get3A_7 = arith.constant 1 : index
    %get3A_8 = arith.constant 0 : index
    %get3A_9 = arith.constant 0 : index
    %get3A_10 = vector.load %arg2[%get3A_7, %get3A_8, %get3A_9] : memref<2x1024x128xf32, #tpu.memory_space<vmem>>, vector<1x1024x128xf32>
    %get3A_11 = vector.shape_cast %get3A_10 : vector<1x1024x128xf32> to vector<1024x128xf32>
    %add3A = arith.addf %get3A_6, %get3A_11 : vector<1024x128xf32>
    %get3A_12 = arith.constant 0 : index
    %get3A_13 = arith.constant 0 : index
    %get3A_14 = vector.load %arg4[%get3A_12, %get3A_13] : memref<1024x128xf32, #tpu.memory_space<vmem>>, vector<1024x128xf32>
    %add3A_15 = arith.addf %add3A, %get3A_14 : vector<1024x128xf32>
    %mul3A = arith.mulf %add3A_15, %get3A_1 : vector<1024x128xf32>
    %get3A_16 = arith.constant 0 : index
    %get3A_17 = arith.constant 0 : index
    %get3A_18 = vector.load %arg6[%get3A_16, %get3A_17] : memref<1x128xf32, #tpu.memory_space<vmem>>, vector<1x128xf32>
    %add3A_19 = vector.broadcast %get3A_18 : vector<1x128xf32> to vector<1024x128xf32>
    %add3A_20 = arith.addf %mul3A, %add3A_19 : vector<1024x128xf32>
    %max3A = arith.constant 0.000000e+00 : f32
    %max3A_21 = vector.broadcast %max3A : f32 to vector<1024x128xf32>
    %max3A_22 = arith.maximumf %add3A_20, %max3A_21 : vector<1024x128xf32>
    %get3A_23 = arith.constant 0 : index
    %get3A_24 = arith.constant 0 : index
    %get3A_25 = arith.constant 0 : index
    %get3A_26 = vector.load %arg3[%get3A_23, %get3A_24, %get3A_25] : memref<2x1024x128xf32, #tpu.memory_space<vmem>>, vector<1x1024x128xf32>
    %get3A_27 = vector.shape_cast %get3A_26 : vector<1x1024x128xf32> to vector<1024x128xf32>
    %get3A_28 = arith.constant 1 : index
    %get3A_29 = arith.constant 0 : index
    %get3A_30 = arith.constant 0 : index
    %get3A_31 = vector.load %arg3[%get3A_28, %get3A_29, %get3A_30] : memref<2x1024x128xf32, #tpu.memory_space<vmem>>, vector<1x1024x128xf32>
    %get3A_32 = vector.shape_cast %get3A_31 : vector<1x1024x128xf32> to vector<1024x128xf32>
    %add3A_33 = arith.addf %get3A_27, %get3A_32 : vector<1024x128xf32>
    %get3A_34 = arith.constant 0 : index
    %get3A_35 = arith.constant 0 : index
    %get3A_36 = vector.load %arg5[%get3A_34, %get3A_35] : memref<1024x128xf32, #tpu.memory_space<vmem>>, vector<1024x128xf32>
    %add3A_37 = arith.addf %add3A_33, %get3A_36 : vector<1024x128xf32>
    %mul3A_38 = arith.mulf %add3A_37, %get3A_1 : vector<1024x128xf32>
    %get3A_39 = arith.constant 0 : index
    %get3A_40 = arith.constant 0 : index
    %get3A_41 = vector.load %arg7[%get3A_39, %get3A_40] : memref<1x128xf32, #tpu.memory_space<vmem>>, vector<1x128xf32>
    %add3A_42 = vector.broadcast %get3A_41 : vector<1x128xf32> to vector<1024x128xf32>
    %add3A_43 = arith.addf %mul3A_38, %add3A_42 : vector<1024x128xf32>
    %max3A_44 = arith.constant 0.000000e+00 : f32
    %max3A_45 = vector.broadcast %max3A_44 : f32 to vector<1024x128xf32>
    %max3A_46 = arith.maximumf %add3A_43, %max3A_45 : vector<1024x128xf32>
    %get3A_47 = arith.constant 0 : index
    %get3A_48 = arith.constant 0 : index
    %get3A_49 = vector.load %arg8[%get3A_47, %get3A_48] : memref<128x128xf32, #tpu.memory_space<vmem>>, vector<128x128xf32>
    %dot_general3A = arith.constant dense<0.000000e+00> : vector<1024x128xf32>
    %dot_general3A_50 = tpu.matmul %max3A_22, %get3A_49, %dot_general3A {dimension_numbers = #tpu.dot_dimension_numbers<[1], [0], [0], [1], [0, 0, 1, 1], [], []>, transpose_lhs_hint = false} : vector<1024x128xf32>, vector<128x128xf32>, vector<1024x128xf32> -> vector<1024x128xf32>
    %get3A_51 = arith.constant 0 : index
    %get3A_52 = arith.constant 0 : index
    %get3A_53 = vector.load %arg9[%get3A_51, %get3A_52] : memref<128x128xf32, #tpu.memory_space<vmem>>, vector<128x128xf32>
    %dot_general3A_54 = arith.constant dense<0.000000e+00> : vector<1024x128xf32>
    %dot_general3A_55 = tpu.matmul %max3A_46, %get3A_53, %dot_general3A_54 {dimension_numbers = #tpu.dot_dimension_numbers<[1], [0], [0], [1], [0, 0, 1, 1], [], []>, transpose_lhs_hint = false} : vector<1024x128xf32>, vector<128x128xf32>, vector<1024x128xf32> -> vector<1024x128xf32>
    %add3A_56 = arith.addf %dot_general3A_50, %dot_general3A_55 : vector<1024x128xf32>
    %mul3A_57 = arith.mulf %add3A_56, %get3A_1 : vector<1024x128xf32>
    %swap3A = arith.constant 0 : index
    %swap3A_58 = arith.constant 0 : index
    %swap3A_59 = vector.load %arg10[%swap3A, %swap3A_58] : memref<1024x128xf32, #tpu.memory_space<vmem>>, vector<1024x128xf32>
    tpu.vector_store %arg10[%swap3A, %swap3A_58], %mul3A_57 {strides = array<i32>} : memref<1024x128xf32, #tpu.memory_space<vmem>>, vector<1024x128xf32>,
    return
  }
  func.func @transform_0(%arg0: i32) -> (i32, i32) {
    %c0_i32 = arith.constant 0 : i32
    %c0_i32_0 = arith.constant 0 : i32
    return %arg0, %c0_i32 : i32, i32
  }
  func.func @transform_1(%arg0: i32) -> (i32, i32, i32) {
    %c0_i32 = arith.constant 0 : i32
    %c0_i32_0 = arith.constant 0 : i32
    %c0_i32_1 = arith.constant 0 : i32
    return %c0_i32, %arg0, %c0_i32_0 : i32, i32, i32
  }
  func.func @transform_2(%arg0: i32) -> (i32, i32, i32) {
    %c0_i32 = arith.constant 0 : i32
    %c0_i32_0 = arith.constant 0 : i32
    %c0_i32_1 = arith.constant 0 : i32
    return %c0_i32, %arg0, %c0_i32_0 : i32, i32, i32
  }
  func.func @transform_3(%arg0: i32) -> (i32, i32) {
    %c0_i32 = arith.constant 0 : i32
    %c0_i32_0 = arith.constant 0 : i32
    return %arg0, %c0_i32 : i32, i32
  }
  func.func @transform_4(%arg0: i32) -> (i32, i32) {
    %c0_i32 = arith.constant 0 : i32
    %c0_i32_0 = arith.constant 0 : i32
    return %arg0, %c0_i32 : i32, i32
  }
  func.func @transform_5(%arg0: i32) -> (i32, i32) {
    %c0_i32 = arith.constant 0 : i32
    %c0_i32_0 = arith.constant 0 : i32
    %c0_i32_1 = arith.constant 0 : i32
    return %c0_i32, %c0_i32_0 : i32, i32
  }
  func.func @transform_6(%arg0: i32) -> (i32, i32) {
    %c0_i32 = arith.constant 0 : i32
    %c0_i32_0 = arith.constant 0 : i32
    %c0_i32_1 = arith.constant 0 : i32
    return %c0_i32, %c0_i32_0 : i32, i32
  }
  func.func @transform_7(%arg0: i32) -> (i32, i32) {
    %c0_i32 = arith.constant 0 : i32
    %c0_i32_0 = arith.constant 0 : i32
    %c0_i32_1 = arith.constant 0 : i32
    return %c0_i32, %c0_i32_0 : i32, i32
  }
  func.func @transform_8(%arg0: i32) -> (i32, i32) {
    %c0_i32 = arith.constant 0 : i32
    %c0_i32_0 = arith.constant 0 : i32
    %c0_i32_1 = arith.constant 0 : i32
    return %c0_i32, %c0_i32_0 : i32, i32
  }
  func.func @transform_9(%arg0: i32) -> (i32, i32) {
    %c0_i32 = arith.constant 0 : i32
    %c0_i32_0 = arith.constant 0 : i32
    return %arg0, %c0_i32 : i32, i32
  }
}

module attributes {stable_mosaic.version = 14 : i64} {
  func.func @_tc3_body(%arg0: i32, %arg1: memref<1024x128xf32, #tpu.memory_space<vmem>>, %arg2: memref<2x1024x128xf32, #tpu.memory_space<vmem>>, %arg3: memref<1024x128xf32, #tpu.memory_space<vmem>>, %arg4: memref<1x128xf32, #tpu.memory_space<vmem>>, %arg5: memref<1024x128xf32, #tpu.memory_space<vmem>>) attributes {dimension_semantics = [#tpu.dimension_semantics<arbitrary>], iteration_bounds = array<i64: 5>, scalar_prefetch = 0 : i64, scratch_operands = 0 : i64, tpu.core_type = #tpu.core_type<tc>, window_params = [{transform_indices = @transform_0, window_bounds = array<i64: 1024, 128>}, {transform_indices = @transform_1, window_bounds = array<i64: 2, 1024, 128>}, {transform_indices = @transform_2, window_bounds = array<i64: 1024, 128>}, {pipeline_mode = #tpu.pipeline_mode<synchronous>, transform_indices = @transform_3, window_bounds = array<i64: 1, 128>}, {transform_indices = @transform_4, window_bounds = array<i64: 1024, 128>}]} {
    %get3A = arith.constant 0 : index
    %get3A_0 = arith.constant 0 : index
    %get3A_1 = vector.load %arg1[%get3A, %get3A_0] : memref<1024x128xf32, #tpu.memory_space<vmem>>, vector<1024x128xf32>
    %get3A_2 = arith.constant 0 : index
    %get3A_3 = arith.constant 0 : index
    %get3A_4 = arith.constant 0 : index
    %get3A_5 = vector.load %arg2[%get3A_2, %get3A_3, %get3A_4] : memref<2x1024x128xf32, #tpu.memory_space<vmem>>, vector<1x1024x128xf32>
    %get3A_6 = vector.shape_cast %get3A_5 : vector<1x1024x128xf32> to vector<1024x128xf32>
    %get3A_7 = arith.constant 1 : index
    %get3A_8 = arith.constant 0 : index
    %get3A_9 = arith.constant 0 : index
    %get3A_10 = vector.load %arg2[%get3A_7, %get3A_8, %get3A_9] : memref<2x1024x128xf32, #tpu.memory_space<vmem>>, vector<1x1024x128xf32>
    %get3A_11 = vector.shape_cast %get3A_10 : vector<1x1024x128xf32> to vector<1024x128xf32>
    %add3A = arith.addf %get3A_6, %get3A_11 : vector<1024x128xf32>
    %get3A_12 = arith.constant 0 : index
    %get3A_13 = arith.constant 0 : index
    %get3A_14 = vector.load %arg3[%get3A_12, %get3A_13] : memref<1024x128xf32, #tpu.memory_space<vmem>>, vector<1024x128xf32>
    %add3A_15 = arith.addf %add3A, %get3A_14 : vector<1024x128xf32>
    %mul3A = arith.mulf %add3A_15, %get3A_1 : vector<1024x128xf32>
    %get3A_16 = arith.constant 0 : index
    %get3A_17 = arith.constant 0 : index
    %get3A_18 = vector.load %arg4[%get3A_16, %get3A_17] : memref<1x128xf32, #tpu.memory_space<vmem>>, vector<1x128xf32>
    %add3A_19 = vector.broadcast %get3A_18 : vector<1x128xf32> to vector<1024x128xf32>
    %add3A_20 = arith.addf %mul3A, %add3A_19 : vector<1024x128xf32>
    %max3A = arith.constant 0.000000e+00 : f32
    %max3A_21 = vector.broadcast %max3A : f32 to vector<1024x128xf32>
    %max3A_22 = arith.maximumf %add3A_20, %max3A_21 : vector<1024x128xf32>
    %swap3A = arith.constant 0 : index
    %swap3A_23 = arith.constant 0 : index
    %swap3A_24 = vector.load %arg5[%swap3A, %swap3A_23] : memref<1024x128xf32, #tpu.memory_space<vmem>>, vector<1024x128xf32>
    tpu.vector_store %arg5[%swap3A, %swap3A_23], %max3A_22 {strides = array<i32>} : memref<1024x128xf32, #tpu.memory_space<vmem>>, vector<1024x128xf32>,
    return
  }
  func.func @transform_0(%arg0: i32) -> (i32, i32) {
    %c0_i32 = arith.constant 0 : i32
    %c0_i32_0 = arith.constant 0 : i32
    return %arg0, %c0_i32 : i32, i32
  }
  func.func @transform_1(%arg0: i32) -> (i32, i32, i32) {
    %c0_i32 = arith.constant 0 : i32
    %c0_i32_0 = arith.constant 0 : i32
    %c0_i32_1 = arith.constant 0 : i32
    return %c0_i32, %arg0, %c0_i32_0 : i32, i32, i32
  }
  func.func @transform_2(%arg0: i32) -> (i32, i32) {
    %c0_i32 = arith.constant 0 : i32
    %c0_i32_0 = arith.constant 0 : i32
    return %arg0, %c0_i32 : i32, i32
  }
  func.func @transform_3(%arg0: i32) -> (i32, i32) {
    %c0_i32 = arith.constant 0 : i32
    %c0_i32_0 = arith.constant 0 : i32
    %c0_i32_1 = arith.constant 0 : i32
    return %c0_i32, %c0_i32_0 : i32, i32
  }
  func.func @transform_4(%arg0: i32) -> (i32, i32) {
    %c0_i32 = arith.constant 0 : i32
    %c0_i32_0 = arith.constant 0 : i32
    return %arg0, %c0_i32 : i32, i32
  }
}

</mosaic_0001>

<sc_bundles>
// kernel: kernel.11.cloned.1.call-start
scs
__scs_entry_jumppad:
0x0: {  	(pc) =	sbr.rel $0x88, $3  }
0x1: {  	(tag) =	ssettag $0x0;
	lr =	simm.s32 $0x1  }
0x2: {  	[smem:$0x3F9B] =	sst lr;
	_ =	strace $0xD0000000  }
0x3: {  	_ = 	snop  }
0x4: {  	_ = 	snop  }
0x5: {  	_ = 	snop  }
0x6: {  	_ = 	snop  }
0x7: {  	_ = 	snop  }
__scs_overlays_trampoline_lowered:
0x8: {  	[smem:$0x3FAA] =	sst s0  }
0x9: {  	[smem:$0x3FAB] =	sst s1  }
0xa: {  	[smem:$0x3FAC] =	sst s2  }
0xb: {  	[smem:$0x3FAD] =	sst s3  }
0xc: {  	[smem:$0x3FAE] =	sst s4  }
0xd: {  	[smem:$0x3FAF] =	sst s5  }
0xe: {  	[smem:$0x3FB0] =	sst s6  }
0xf: {  	[smem:$0x3FB1] =	sst s7  }
0x10: {  	[smem:$0x3FB2] =	sst s8  }
0x11: {  	[smem:$0x3FB3] =	sst s9;
	s0 =	simm.s32 @!p0 $0x0  }
0x12: {  	s1 =	sld [smem:$0x3F99];
	s0 =	simm.s32 @p0 $0x1  }
0x13: {  	[smem:$0x3FB4] =	sst s0;
	s0 =	simm.s32 @!p1 $0x0  }
0x14: {  	s2 =	sld [smem:$0x3F98];
	s0 =	simm.s32 @p1 $0x1  }
0x15: {  	[smem:$0x3FB5] =	sst s0;
	s0 =	simm.s32 @!p2 $0x0  }
0x16: {  	s3 =	sld [smem:$0x3FDB];
	s0 =	simm.s32 @p2 $0x1  }
0x17: {  	s4 =	simm.s32 $0x1BF5;
	[smem:$0x3FB7] =	sst s0  }
0x18: {  	s0 =	sld [smem:$0x3F9A];
	_ =	swait.ge [sflag:s4], $0x0  }
0x19: {  	s7 =	sld [smem:$0x3F9B]  }
0x1a: {  	s8 =	sadd.s32 $0xFFFFE003, lr  }
0x1b: {  	s9 =	sadd.s32 $0xFFFFFEF7, lr;
	s5 =	simm.s32 $0xFFFFFFFF;
	p2 =	slt.u32 s8, $0xFFFFF086  }
0x1c: {  	p1 =	slt.u32 s9, $0xF7A;
	s5 =	simm.s32 @!p2 $0x0  }
0x1d: {  	s5 =	simm.s32 @p1 $0x1;
	p0 =	seq.s32 s7, s2  }
0x1e: {  	s7 =	smul.u32 @!p0 $0xF7A, s2;
	p2 =	seq.s32 @!p0 s5, $0x0  }
0x1f: {  	s9 =	smul.u32 $0xF7A, s1;
	s8 =	simm.s32 @!p0 $0x1BF5;
	p2 =	por !p2, p0  }
0x20: {  	[sflag:s8] =	ssyncset.s32 @!p0 $0xFFFFF086;
	s6 =	sadd.s32 @!p0 s3, s7;
	s7 =	simm.s32 @!p0 $0x108  }
0x21: {  	s3 =	sadd.s32 s3, s9;
	s6 =	sadd.s32 @!p0 $0x88, s6;
	s7 =	simm.s32 @p2 $0x1082  }
0x22: {  	[simem:s7], [sflag:s8] =	dma.local @!p0 [hbm:s6], $0xF7A  }
0x23: {  	s9 =	sor.u32 $0xD0000000, s2;
	s6 =	simm.s32 $0x108;
	_ =	swait.ge @!p0 [sflag:s8], $0x0  }
0x24: {  	s3 =	sadd.s32 $0x88, s3;
	s6 =	simm.s32 @!p1 $0x1082;
	[sflag:s4] =	ssyncset.s32 $0xFFFFF086  }
0x25: {  	[simem:s6], [sflag:s4] =	dma.local [hbm:s3], $0xF7A  }
0x26: {  	[smem:$0x3F9B] =	sst s1;
	(tag) =	ssettag s2;
	_ =	strace s9  }
0x27: {  	s1 =	sld [smem:$0x3FAB]  }
0x28: {  	s2 =	sld [smem:$0x3FAC]  }
0x29: {  	s4 =	sld [smem:$0x3FAE]  }
0x2a: {  	p0 =	seq.s32 s5, $0x0;
	s5 =	sld [smem:$0x3FAF]  }
0x2b: {  	s6 =	sld [smem:$0x3FB0]  }
0x2c: {  	s7 =	sld [smem:$0x3FB1]  }
0x2d: {  	s3 =	simm.s32 $0x108;
	s8 =	sld [smem:$0x3FB2]  }
0x2e: {  	s3 =	simm.s32 @!p0 $0x1082;
	s9 =	sld [smem:$0x3FB3]  }
0x2f: {  	lr =	sadd.s32 s0, s3;
	s0 =	sld [smem:$0x3FAA]  }
0x30: {  	s3 =	sld [smem:$0x3FAD]  }
0x31: {  	[smem:$0x3FB6] =	sst s10  }
0x32: {  	s10 =	sld [smem:$0x3FB4];
	_ =	sdelay $0x3  }
0x33: {  	p0 =	seq.s32 s10, $0x1;
	s10 =	sld [smem:$0x3FB6];
	_ =	sdelay $0x3  }
0x34: {  	[smem:$0x3FB6] =	sst s10  }
0x35: {  	s10 =	sld [smem:$0x3FB5];
	_ =	sdelay $0x3  }
0x36: {  	p1 =	seq.s32 s10, $0x1;
	s10 =	sld [smem:$0x3FB6];
	_ =	sdelay $0x3  }
0x37: {  	[smem:$0x3FB6] =	sst s10  }
0x38: {  	s10 =	sld [smem:$0x3FB7]  }
0x39: {  	_ = 	snop;
	(pc) =	sbr.ind lr, $3  }
0x3a: {  	_ = 	snop  }
0x3b: {  	_ = 	snop  }
0x3c: {  	p2 =	seq.s32 s10, $0x1;
	s10 =	sld [smem:$0x3FB6]  }
0x3d: {  	_ =	shalt  }
0x3e: {  	_ =	shalt  }
0x3f: {  	_ =	shalt  }
0x40: {  	_ =	shalt  }
0x41: {  	_ =	shalt  }
0x42: {  	_ =	shalt  }
0x43: {  	_ =	shalt  }
0x44: {  	_ =	shalt  }
0x45: {  	_ =	shalt  }
0x46: {  	_ =	shalt  }
0x47: {  	_ =	shalt  }
0x48: {  	_ =	shalt  }
0x49: {  	_ =	shalt  }
0x4a: {  	_ =	shalt  }
0x4b: {  	_ =	shalt  }
0x4c: {  	_ =	shalt  }
0x4d: {  	_ =	shalt  }
0x4e: {  	_ =	shalt  }
0x4f: {  	_ =	shalt  }
0x50: {  	_ =	shalt  }
0x51: {  	_ =	shalt  }
0x52: {  	_ =	shalt  }
0x53: {  	_ =	shalt  }
0x54: {  	_ =	shalt  }
0x55: {  	_ =	shalt  }
0x56: {  	_ =	shalt  }
0x57: {  	_ =	shalt  }
0x58: {  	_ =	shalt  }
0x59: {  	_ =	shalt  }
0x5a: {  	_ =	shalt  }
0x5b: {  	_ =	shalt  }
0x5c: {  	_ =	shalt  }
0x5d: {  	_ =	shalt  }
0x5e: {  	_ =	shalt  }
0x5f: {  	_ =	shalt  }
0x60: {  	_ =	shalt  }
0x61: {  	_ =	shalt  }
0x62: {  	_ =	shalt  }
0x63: {  	_ =	shalt  }
0x64: {  	_ =	shalt  }
0x65: {  	_ =	shalt  }
0x66: {  	_ =	shalt  }
0x67: {  	_ =	shalt  }
0x68: {  	_ =	shalt  }
0x69: {  	_ =	shalt  }
0x6a: {  	_ =	shalt  }
0x6b: {  	_ =	shalt  }
0x6c: {  	_ =	shalt  }
0x6d: {  	_ =	shalt  }
0x6e: {  	_ =	shalt  }
0x6f: {  	_ =	shalt  }
0x70: {  	_ =	shalt  }
0x71: {  	_ =	shalt  }
0x72: {  	_ =	shalt  }
0x73: {  	_ =	shalt  }
0x74: {  	_ =	shalt  }
0x75: {  	_ =	shalt  }
0x76: {  	_ =	shalt  }
0x77: {  	_ =	shalt  }
0x78: {  	_ =	shalt  }
0x79: {  	_ =	shalt  }
0x7a: {  	_ =	shalt  }
0x7b: {  	_ =	shalt  }
0x7c: {  	_ =	shalt  }
0x7d: {  	_ =	shalt  }
0x7e: {  	_ =	shalt  }
0x7f: {  	_ =	shalt  }
0x80: {  	_ =	shalt  }
0x81: {  	_ =	shalt  }
0x82: {  	_ =	shalt  }
0x83: {  	_ =	shalt  }
0x84: {  	_ =	shalt  }
0x85: {  	_ =	shalt  }
0x86: {  	_ =	shalt  }
0x87: {  	_ =	shalt  }
.Lfunc_end0:
.L_simem_size_0:
called_computation.1_lowered:
.L_overlay_start_0:
0x88: {  	s2 =	sld [smem:$0x3FD9]  }
0x89: {  	s3 =	sld [smem:$0x3FFE];
	_ =	sdelay $0x1  }
0x8a: {  	s1 =	srdreg.scid  }
0x8b: {  	s0 =	sand.u32 $0x1, s1  }
0x8c: {  	s17 =	sshll.u32 s0, $0xA;
	s2 =	sadd.s32 s3, s2  }
0x8d: {  	s2 =	sadd.s32 s2, s17  }
0x8e: {  	[smem:$0x3FC2] =	sst s2  }
0x8f: {  	_ = 	snop  }
0x90: {  	s2 =	sld [smem:$0x3FD0];
	(tm) =	ssettm $0x1  }
0x91: {  	s18 =	sld [smem:$0x3FFB];
	_ =	sdelay $0x3  }
0x92: {  	_ =	strace s18  }
0x93: {  	s3 =	sld [smem:$0x3FFC];
	_ =	sdelay $0x3  }
0x94: {  	_ =	strace s3  }
0x95: {  	s3 =	sld [smem:$0x3FFD];
	_ =	sdelay $0x3  }
0x96: {  	_ =	strace s3  }
0x97: {  	_ =	strace $0x8FFFFFFF  }
0x98: {  	s19 =	sld [smem:$0x3FDB];
	_ =	sdelay $0x1  }
0x99: {  	s4 =	simm.s32 $_scs_section_size  }
0x9a: {  	s5 =	simm.s32 $_size__tile_overlayer_lowered;
	s6 =	simm.s32 $_tile_overlayer_lowered  }
0x9b: {  	s22 =	simm.s32 $0x1BFF;
	s21 =	sshll.u32 s6, $0x1;
	s3 =	sadd.s32 s4, s19  }
0x9c: {  	s7 =	simm.s32 $0x0;
	s20 =	sshll.u32 s5, $0x1;
	s5 =	sadd.s32 s21, s3  }
0x9d: {  	[timem:s7], [sflag:s22] =	dma.local [hbm:s5], s20  }
0x9e: {  	_ =	swait.ge [sflag:s22], s20  }
0x9f: {  	s4 =	ssub.s32 $0x0, s20;
	[sflag:s22] =	ssyncset.done $0x0  }
0xa0: {  	[sflag:s22] =	ssyncadd.s32 s4;
	_ =	sdelay $0x1  }
0xa1: {  	s23 =	simm.s32 $0x1B8B  }
0xa2: {  	_ =	swait.ge [sflag:s23], $0x1  }
0xa3: {  	[sflag:s23] =	ssyncset.done $0x0  }
0xa4: {  	s25 =	simm.s32 $0x1B8E;
	s24 =	sld [smem:$0x3FFE];
	[sflag:s23] =	ssyncadd.s32 $0xFFFFFFFF  }
0xa5: {  	s26 =	simm.s32 $execute0_lowered;
	[smem:$0x3FD2] =	sst s25  }
0xa6: {  	s5 =	sshll.u32 s26, $0x1;
	_ =	strace $0x80000049;
	[dreg:$0x1] =	wrdreg $0xFFFFFFFF  }
0xa7: {  	s28 =	simm.s32 $_size_execute0_lowered;
	s3 =	sadd.s32 s3, s5;
	[dreg:$0x0] =	wrdreg $0x0  }
0xa8: {  	s5 =	sshll.u32 s28, $0x1;
	[dreg:$0x2] =	wrdreg s3  }
0xa9: {  	[dreg:$0x3] =	wrdreg s5  }
0xaa: {  	[dreg:$0x4] =	wrdreg $0xC0  }
0xab: {  	_ =	task [dreg:s7], $0x5FFFF  }
0xac: {  	[dreg:$0x1] =	wrdreg $0xFFFFFFFF  }
0xad: {  	[dreg:$0x0] =	wrdreg $0x60  }
0xae: {  	[dreg:$0x2] =	wrdreg s24  }
0xaf: {  	[dreg:$0x3] =	wrdreg s2  }
0xb0: {  	[dreg:$0x4] =	wrdreg $0xF0000  }
0xb1: {  	[dreg:$0x5] =	wrdreg $0x9  }
0xb2: {  	_ =	task.clear_ibuf [dreg:s7], $0x6FFFF;
	_ =	strace $0x90000049  }
0xb3: {  	s29 =	simm.s32 $0x9;
	_ =	strace $0x8000004B  }
0xb4: {  	_ =	swait.ge [sflag:s29], $0x1  }
0xb5: {  	[sflag:s29] =	ssyncadd.s32 $0xFFFFFFFF  }
0xb6: {  	_ =	strace $0x9000004B  }
0xb7: {  	_ =	sfence  }
0xb8: {  	s30 =	sld [smem:$0x0];
	_ =	sdelay $0x2  }
0xb9: {  	s31 =	sshll.u32 s1, $0xD;
	s1 =	sshrl.u32 s1, $0x2  }
0xba: {  	s3 =	sand.u32 $0x4000, s31;
	s1 =	sadd.s32 s1, s30  }
0xbb: {  	s0 =	sor.u32 s3, s0;
	s1 =	sshll.u32 s1, $0x11  }
0xbc: {  	s0 =	sor.u32 s1, s0  }
0xbd: {  	s0 =	sadd.s32 $0x8F2B, s0  }
0xbe: {  	[sflag:s0] =	ssyncadd.remote.s32 $0x1  }
0xbf: {  	_ =	sfence.sel $0xFFFF  }
0xc0: {  	[dreg:$0x0] =	wrdreg $0xFFFFFFFF;
	(pc) =	sbr.abs _section_cstart, $3  }
0xc1: {  	[dreg:$0x1] =	wrdreg $0xFFFFFFFF  }
0xc2: {  	_ =	task.clear_ibuf [dreg:s7], $0x2FFFF;
	_ =	strace $0x9FFFFFFF  }
0xc3: {  	(tm) =	ssettm $0x7FFFFFFF  }
tec
execute0_lowered:
.L_overlay_start_1:
0x0: {  	(tag) =	ssettag $0x1  }
0x1: {  	s0 =	rddreg [dreg:$0x0]  }
0x2: {  	s1 =	rddreg [dreg:$0x1]  }
0x3: {  	s2 =	rddreg [dreg:$0x2];
	s4 =	srdreg.scid;
	s3 =	simm.s32 $0x0  }
0x4: {  	s10 =	stileid.u32;
	s16 =	simm.s32 $0x5;
	s18 =	simm.s32 $0x80  }
0x5: {  	s19 =	simm.s32 $0x5000;
	s20 =	simm.s32 $0x7000;
	s15 =	simm.s32 $0x100  }
0x6: {  	s28 =	simm.s32 $0x2;
	s29 =	simm.s32 $0x3;
	s30 =	simm.s32 $0x4  }
0x7: {  	s31 =	simm.s32 $0x4E00;
	s17 =	simm.s32 $0x4F00;
	s6 =	sand.u32 $0x1, s4  }
0x8: {  	[smem:$0x7FF] =	sst s3;
	s7 =	smul.u32 $0xA000, s10;
	s5 =	sadd.s32 $0x20600, s0  }
0x9: {  	s4 =	sshll.u32 s6, $0x4;
	_ =	strace $0x8000004A;
	s9 =	smul.u32 $0xA0000, s6  }
0xa: {  	s6 =	ssub.s32 $0x2, s6;
	s8 =	sor.u32 s10, s4;
	s4 =	sadd.s32 $0xC600, s0  }
0xb: {  	s10 =	smul.u32 $0x28000, s10;
	s12 =	sshrl.u32 s6, $0x1;
	s9 =	sadd.s32 s7, s9  }
0xc: {  	s8 =	smul.u32 $0x500, s8;
	s6 =	ssub.s32 s6, s12;
	s9 =	sshrl.u32 s9, $0x3  }
0xd: {  	s22 =	sshrl.u32 s10, $0x2;
	s26 =	smax.u32 s6, $0x1;
	s6 =	simm.s32 $0x0  }
0xe: {  	s11 =	sadd.s32 s8, s0;
	s0 =	sadd.s32 s9, s0;
	s1 =	sadd.s32 s1, s8  }
0xf: {  	s24 =	sadd.s32 s22, s2;
	s8 =	sadd.s32 s7, s2;
	[dreg:$0x8] =	wrdreg s26  }
0x10: {  	s22 =	simm.s32 $0x9000;
	s26 =	simm.s32 $0x1;
	[dreg:$0x4] =	wrdreg s1  }
0x11: {  	s23 =	sadd.s32 $0x2600, s11;
	s9 =	sadd.s32 $0x2000, s24;
	s10 =	sadd.s32 $0x4000, s24  }
0x12: {  	s11 =	sadd.s32 $0x6000, s24;
	s25 =	sadd.s32 $0x34600, s0;
	[dreg:$0x5] =	wrdreg s23  }
0x13: {  	s12 =	sadd.s32 $0x8000, s24;
	s0 =	sadd.s32 $0x5C600, s0;
	[dreg:$0x6] =	wrdreg s25  }
0x14: {  	s24 =	simm.s32 $0xB000;
	s1 =	simm.s32 $0x4F80;
	[dreg:$0x7] =	wrdreg s0  }
0x15: {  	v0 =	vimm.f32 $0.0e+00;
	s23 =	simm.s32 $0x180;
	s25 =	simm.s32 $0xD000;
	s0 =	simm.s32 $0x4E80  }
.LBB2_1:
0x16: {  	s7 =	rddreg [dreg:$0x4]  }
0x17: {  	[tilespmem:s3], [sflag:$0x5] =	stream.linear.gather [hbm4b:s7+s3], $0x2800, $0x38;
	[tilespmem:$0x19000] =	vst v63  }
0x18: {  	_ =	swait.ge [sflag:s16], $0x2800  }
0x19: {  	[sflag:s16] =	ssyncset.done $0x0  }
0x1a: {  	s13 =	simm.s32 $0x2800;
	s21 =	rddreg [dreg:$0x5];
	[sflag:s16] =	ssyncadd.s32 $0xFFFFD800  }
0x1b: {  	[tilespmem:s13], [sflag:$0x5] =	stream.linear.gather [hbm4b:s21+s3], $0x2800, $0x38;
	[tilespmem:$0x19000] =	vst v63  }
0x1c: {  	_ =	swait.ge [sflag:s16], $0x2800  }
0x1d: {  	[sflag:s16] =	ssyncset.done $0x0  }
0x1e: {  	[sflag:s16] =	ssyncadd.s32 $0xFFFFD800  }
0x1f: {  	[tilespmem:s19], [sflag:$0x1] =	stream.indirect.gather [hbm4b:s4+s18], $0x40, s3, s18, $0xb8;
	[tilespmem:$0x19000] =	vst v63  }
0x20: {  	s14 =	sand.u32 $0x7F00, s3  }
0x21: {  	[tilespmem:s20], [sflag:$0x2] =	stream.indirect.gather [hbm4b:s4+s18], $0x40, s18, s18, $0xb8;
	[tilespmem:$0x19000] =	vst v63  }
0x22: {  	s14 =	sshrl.u32 s14, $0x2;
	s21 =	sand.u32 $0x30, s3  }
0x23: {  	[tilespmem:s22], [sflag:$0x3] =	stream.indirect.gather [hbm4b:s4+s18], $0x40, s15, s18, $0xb8;
	[tilespmem:$0x19000] =	vst v63  }
0x24: {  	s7 =	simm.s32 $0x40;
	s13 =	simm.s32 $0x0;
	s14 =	sor.u32 s21, s14  }
0x25: {  	[tilespmem:s24], [sflag:$0x4] =	stream.indirect.gather [hbm4b:s4+s18], $0x40, s23, s18, $0xb8;
	[tilespmem:$0x19000] =	vst v63  }
.LBB2_2:
0x26: {  	p0 =	sne.s32 s7, $0x7FC0  }
0x27: {  	[tilespmem:s14+$0xD000] =	vst v0;
	s13 =	sadd.s32 $0x10, s13;
	s14 =	smov.u32 s7;
	s7 =	sadd.s32 $0x40, s7  }
.Ltmp0:
0x28: {  	(pc) =	sbr.rel @p0 .LBB2_2-.Ltmp0, $4  }
0x29: {  	_ = 	snop  }
0x2a: {  	s14 =	sand.u32 $0x7F00, s14  }
0x2b: {  	s21 =	sand.u32 $0x30, s13;
	s14 =	sshrl.u32 s14, $0x2  }
0x2c: {  	s14 =	sor.u32 s21, s14  }
0x2d: {  	[tilespmem:s14+$0xD000] =	vst v0  }
0x2e: {  	[spmem:s8] =	stream.linear.scatter [tilespmem:s25], [sflag:$0x5], $0x2000, $0x38;
	[tilespmem:$0x19000] =	vst v63  }
0x2f: {  	_ =	swait.ge [sflag:s16], $0x2000  }
0x30: {  	[sflag:s16] =	ssyncset.done $0x0  }
0x31: {  	[sflag:s16] =	ssyncadd.s32 $0xFFFFE000  }
0x32: {  	[spmem:s9] =	stream.linear.scatter [tilespmem:s25], [sflag:$0x5], $0x2000, $0x38;
	[tilespmem:$0x19000] =	vst v63  }
0x33: {  	_ =	swait.ge [sflag:s16], $0x2000  }
0x34: {  	[sflag:s16] =	ssyncset.done $0x0  }
0x35: {  	[sflag:s16] =	ssyncadd.s32 $0xFFFFE000  }
0x36: {  	[spmem:s10] =	stream.linear.scatter [tilespmem:s25], [sflag:$0x5], $0x2000, $0x38;
	[tilespmem:$0x19000] =	vst v63  }
0x37: {  	_ =	swait.ge [sflag:s16], $0x2000  }
0x38: {  	[sflag:s16] =	ssyncset.done $0x0  }
0x39: {  	[sflag:s16] =	ssyncadd.s32 $0xFFFFE000  }
0x3a: {  	[spmem:s11] =	stream.linear.scatter [tilespmem:s25], [sflag:$0x5], $0x2000, $0x38;
	[tilespmem:$0x19000] =	vst v63  }
0x3b: {  	_ =	swait.ge [sflag:s16], $0x2000  }
0x3c: {  	[sflag:s16] =	ssyncset.done $0x0  }
0x3d: {  	[sflag:s16] =	ssyncadd.s32 $0xFFFFE000  }
0x3e: {  	[spmem:s12] =	stream.linear.scatter [tilespmem:s25], [sflag:$0x5], $0x2000, $0x38;
	[tilespmem:$0x19000] =	vst v63  }
0x3f: {  	_ =	swait.ge [sflag:s16], $0x2000  }
0x40: {  	[sflag:s16] =	ssyncset.done $0x0  }
0x41: {  	[sflag:s16] =	ssyncadd.s32 $0xFFFFE000  }
0x42: {  	[bflag:$0x0] =	sbarrier.arrive $0xFFFF  }
0x43: {  	_ =	swait.ge [sflag:s26], $0x2000  }
0x44: {  	[sflag:s26] =	ssyncset.done $0x0  }
0x45: {  	s7 =	simm.s32 $0x2800;
	[sflag:s26] =	ssyncadd.s32 $0xFFFFE000  }
0x46: {  	[spmem:s2] =	stream.indirect.scatter.add.f32 [tilespmem:s19], [sflag:$0x5], $0x40, s7, s18, $0xb8;
	[tilespmem:$0x19000] =	vst v63  }
0x47: {  	_ =	swait.ge [sflag:s16], $0x2000  }
0x48: {  	[sflag:s16] =	ssyncset.done $0x0  }
0x49: {  	s13 =	simm.s32 $0x200;
	[sflag:s16] =	ssyncadd.s32 $0xFFFFE000  }
0x4a: {  	[tilespmem:s19], [sflag:$0x1] =	stream.indirect.gather [hbm4b:s4+s18], $0x40, s13, s18, $0xb8;
	[tilespmem:$0x19000] =	vst v63  }
0x4b: {  	_ =	swait.ge [sflag:s28], $0x2000  }
0x4c: {  	[sflag:s28] =	ssyncset.done $0x0  }
0x4d: {  	s14 =	simm.s32 $0x2880;
	[sflag:s28] =	ssyncadd.s32 $0xFFFFE000  }
0x4e: {  	[spmem:s2] =	stream.indirect.scatter.add.f32 [tilespmem:s20], [sflag:$0x5], $0x40, s14, s18, $0xb8;
	[tilespmem:$0x19000] =	vst v63  }
0x4f: {  	_ =	swait.ge [sflag:s16], $0x2000  }
0x50: {  	[sflag:s16] =	ssyncset.done $0x0  }
0x51: {  	s21 =	simm.s32 $0x280;
	[sflag:s16] =	ssyncadd.s32 $0xFFFFE000  }
0x52: {  	[tilespmem:s20], [sflag:$0x2] =	stream.indirect.gather [hbm4b:s4+s18], $0x40, s21, s18, $0xb8;
	[tilespmem:$0x19000] =	vst v63  }
0x53: {  	_ =	swait.ge [sflag:s29], $0x2000  }
0x54: {  	[sflag:s29] =	ssyncset.done $0x0  }
0x55: {  	s13 =	simm.s32 $0x2900;
	[sflag:s29] =	ssyncadd.s32 $0xFFFFE000  }
0x56: {  	[spmem:s2] =	stream.indirect.scatter.add.f32 [tilespmem:s22], [sflag:$0x5], $0x40, s13, s18, $0xb8;
	[tilespmem:$0x19000] =	vst v63  }
0x57: {  	_ =	swait.ge [sflag:s16], $0x2000  }
0x58: {  	[sflag:s16] =	ssyncset.done $0x0  }
0x59: {  	s14 =	simm.s32 $0x300;
	[sflag:s16] =	ssyncadd.s32 $0xFFFFE000  }
0x5a: {  	[tilespmem:s22], [sflag:$0x3] =	stream.indirect.gather [hbm4b:s4+s18], $0x40, s14, s18, $0xb8;
	[tilespmem:$0x19000] =	vst v63  }
0x5b: {  	_ =	swait.ge [sflag:s30], $0x2000  }
0x5c: {  	[sflag:s30] =	ssyncset.done $0x0  }
0x5d: {  	s21 =	simm.s32 $0x2980;
	[sflag:s30] =	ssyncadd.s32 $0xFFFFE000  }
0x5e: {  	[spmem:s2] =	stream.indirect.scatter.add.f32 [tilespmem:s24], [sflag:$0x5], $0x40, s21, s18, $0xb8;
	[tilespmem:$0x19000] =	vst v63  }
0x5f: {  	_ =	swait.ge [sflag:s16], $0x2000  }
0x60: {  	[sflag:s16] =	ssyncset.done $0x0  }
0x61: {  	s7 =	simm.s32 $0x800;
	s13 =	simm.s32 $0x380;
	[sflag:s16] =	ssyncadd.s32 $0xFFFFE000  }
.LBB2_4:
0x62: {  	[tilespmem:s24], [sflag:$0x4] =	stream.indirect.gather [hbm4b:s4+s18], $0x40, s13, s18, $0xb8;
	[tilespmem:$0x19000] =	vst v63  }
0x63: {  	s13 =	smov.u32 s7  }
0x64: {  	p0 =	sne.s32 s7, $0x9000;
	s7 =	sadd.s32 $0x800, s7;
	_ =	swait.ge [sflag:s26], $0x2000  }
0x65: {  	s13 =	sshra.s32 s13, $0x2;
	[sflag:s26] =	ssyncset.done $0x0  }
0x66: {  	s14 =	sadd.s32 $0x2800, s13;
	[sflag:s26] =	ssyncadd.s32 $0xFFFFE000  }
0x67: {  	[spmem:s2] =	stream.indirect.scatter.add.f32 [tilespmem:s19], [sflag:$0x5], $0x40, s14, s18, $0xb8;
	[tilespmem:$0x19000] =	vst v63  }
0x68: {  	_ =	swait.ge [sflag:s16], $0x2000  }
0x69: {  	[sflag:s16] =	ssyncset.done $0x0  }
0x6a: {  	s14 =	sadd.s32 $0x200, s13;
	[sflag:s16] =	ssyncadd.s32 $0xFFFFE000  }
0x6b: {  	[tilespmem:s19], [sflag:$0x1] =	stream.indirect.gather [hbm4b:s4+s18], $0x40, s14, s18, $0xb8;
	[tilespmem:$0x19000] =	vst v63  }
0x6c: {  	_ =	swait.ge [sflag:s28], $0x2000  }
0x6d: {  	[sflag:s28] =	ssyncset.done $0x0  }
0x6e: {  	s14 =	sadd.s32 $0x2880, s13;
	[sflag:s28] =	ssyncadd.s32 $0xFFFFE000  }
0x6f: {  	[spmem:s2] =	stream.indirect.scatter.add.f32 [tilespmem:s20], [sflag:$0x5], $0x40, s14, s18, $0xb8;
	[tilespmem:$0x19000] =	vst v63  }
0x70: {  	_ =	swait.ge [sflag:s16], $0x2000  }
0x71: {  	[sflag:s16] =	ssyncset.done $0x0  }
0x72: {  	s14 =	sadd.s32 $0x280, s13;
	[sflag:s16] =	ssyncadd.s32 $0xFFFFE000  }
0x73: {  	[tilespmem:s20], [sflag:$0x2] =	stream.indirect.gather [hbm4b:s4+s18], $0x40, s14, s18, $0xb8;
	[tilespmem:$0x19000] =	vst v63  }
0x74: {  	_ =	swait.ge [sflag:s29], $0x2000  }
0x75: {  	[sflag:s29] =	ssyncset.done $0x0  }
0x76: {  	s14 =	sadd.s32 $0x2900, s13;
	[sflag:s29] =	ssyncadd.s32 $0xFFFFE000  }
0x77: {  	[spmem:s2] =	stream.indirect.scatter.add.f32 [tilespmem:s22], [sflag:$0x5], $0x40, s14, s18, $0xb8;
	[tilespmem:$0x19000] =	vst v63  }
0x78: {  	_ =	swait.ge [sflag:s16], $0x2000  }
0x79: {  	[sflag:s16] =	ssyncset.done $0x0  }
0x7a: {  	s14 =	sadd.s32 $0x300, s13;
	[sflag:s16] =	ssyncadd.s32 $0xFFFFE000  }
0x7b: {  	[tilespmem:s22], [sflag:$0x3] =	stream.indirect.gather [hbm4b:s4+s18], $0x40, s14, s18, $0xb8;
	[tilespmem:$0x19000] =	vst v63  }
0x7c: {  	_ =	swait.ge [sflag:s30], $0x2000  }
0x7d: {  	[sflag:s30] =	ssyncset.done $0x0  }
.Ltmp1:
0x7e: {  	s14 =	sadd.s32 $0x2980, s13;
	[sflag:s30] =	ssyncadd.s32 $0xFFFFE000;
	(pc) =	sbr.rel @p0 .LBB2_4-.Ltmp1, $4  }
0x7f: {  	[spmem:s2] =	stream.indirect.scatter.add.f32 [tilespmem:s24], [sflag:$0x5], $0x40, s14, s18, $0xb8;
	[tilespmem:$0x19000] =	vst v63  }
0x80: {  	_ =	swait.ge [sflag:s16], $0x2000  }
0x81: {  	[sflag:s16] =	ssyncset.done $0x0  }
0x82: {  	s13 =	sadd.s32 $0x380, s13;
	[sflag:s16] =	ssyncadd.s32 $0xFFFFE000  }
0x83: {  	[tilespmem:s24], [sflag:$0x4] =	stream.indirect.gather [hbm4b:s4+s18], $0x40, s13, s18, $0xb8;
	[tilespmem:$0x19000] =	vst v63  }
0x84: {  	_ =	swait.ge [sflag:s26], $0x2000  }
0x85: {  	[sflag:s26] =	ssyncset.done $0x0  }
0x86: {  	[sflag:s26] =	ssyncadd.s32 $0xFFFFE000  }
0x87: {  	[spmem:s2] =	stream.indirect.scatter.add.f32 [tilespmem:s19], [sflag:$0x5], $0x40, s31, s18, $0xb8;
	[tilespmem:$0x19000] =	vst v63  }
0x88: {  	_ =	swait.ge [sflag:s16], $0x2000  }
0x89: {  	[sflag:s16] =	ssyncset.done $0x0  }
0x8a: {  	s7 =	simm.s32 $0x0;
	[sflag:s16] =	ssyncadd.s32 $0xFFFFE000  }
0x8b: {  	[tilespmem:s19], [sflag:$0x1] =	stream.indirect.gather [hbm4b:s5+s18], $0x40, s7, s18, $0xb8;
	[tilespmem:$0x19000] =	vst v63  }
0x8c: {  	_ =	swait.ge [sflag:s28], $0x2000  }
0x8d: {  	[sflag:s28] =	ssyncset.done $0x0  }
0x8e: {  	[sflag:s28] =	ssyncadd.s32 $0xFFFFE000  }
0x8f: {  	[spmem:s2] =	stream.indirect.scatter.add.f32 [tilespmem:s20], [sflag:$0x5], $0x40, s0, s18, $0xb8;
	[tilespmem:$0x19000] =	vst v63  }
0x90: {  	_ =	swait.ge [sflag:s16], $0x2000  }
0x91: {  	[sflag:s16] =	ssyncset.done $0x0  }
0x92: {  	[sflag:s16] =	ssyncadd.s32 $0xFFFFE000  }
0x93: {  	[tilespmem:s20], [sflag:$0x2] =	stream.indirect.gather [hbm4b:s5+s18], $0x40, s18, s18, $0xb8;
	[tilespmem:$0x19000] =	vst v63  }
0x94: {  	_ =	swait.ge [sflag:s29], $0x2000  }
0x95: {  	[sflag:s29] =	ssyncset.done $0x0  }
0x96: {  	[sflag:s29] =	ssyncadd.s32 $0xFFFFE000  }
0x97: {  	[spmem:s2] =	stream.indirect.scatter.add.f32 [tilespmem:s22], [sflag:$0x5], $0x40, s17, s18, $0xb8;
	[tilespmem:$0x19000] =	vst v63  }
0x98: {  	_ =	swait.ge [sflag:s16], $0x2000  }
0x99: {  	[sflag:s16] =	ssyncset.done $0x0  }
0x9a: {  	[sflag:s16] =	ssyncadd.s32 $0xFFFFE000  }
0x9b: {  	[tilespmem:s22], [sflag:$0x3] =	stream.indirect.gather [hbm4b:s5+s18], $0x40, s15, s18, $0xb8;
	[tilespmem:$0x19000] =	vst v63  }
0x9c: {  	_ =	swait.ge [sflag:s30], $0x2000  }
0x9d: {  	[sflag:s30] =	ssyncset.done $0x0  }
0x9e: {  	[sflag:s30] =	ssyncadd.s32 $0xFFFFE000  }
0x9f: {  	[spmem:s2] =	stream.indirect.scatter.add.f32 [tilespmem:s24], [sflag:$0x5], $0x40, s1, s18, $0xb8;
	[tilespmem:$0x19000] =	vst v63  }
0xa0: {  	_ =	swait.ge [sflag:s16], $0x2000  }
0xa1: {  	[sflag:s16] =	ssyncset.done $0x0  }
0xa2: {  	s15 =	stileid.u32;
	[sflag:s16] =	ssyncadd.s32 $0xFFFFE000  }
0xa3: {  	[tilespmem:s24], [sflag:$0x4] =	stream.indirect.gather [hbm4b:s5+s18], $0x40, s23, s18, $0xb8;
	[tilespmem:$0x19000] =	vst v63  }
0xa4: {  	s7 =	sshll.u32 s15, $0x6;
	[bflag:$0x0] =	sbarrier.arrive $0xFFFF  }
0xa5: {  	s13 =	sshrl.u32 s8, $0x3;
	s7 =	sor.u32 $0x1C05, s7;
	s14 =	rddreg [dreg:$0x6]  }
0xa6: {  	[hbm:s14], [sflag:s7] =	dma.local [spmem:s13], $0x1400  }
0xa7: {  	_ =	swait.ge [sflag:s16], $0x1400  }
0xa8: {  	[sflag:s16] =	ssyncset.done $0x0  }
0xa9: {  	[sflag:s16] =	ssyncadd.s32 $0xFFFFEC00  }
0xaa: {  	[spmem:s8] =	stream.linear.scatter [tilespmem:s25], [sflag:$0x5], $0x2000, $0x38;
	[tilespmem:$0x19000] =	vst v63  }
0xab: {  	_ =	swait.ge [sflag:s16], $0x2000  }
0xac: {  	[sflag:s16] =	ssyncset.done $0x0  }
0xad: {  	[sflag:s16] =	ssyncadd.s32 $0xFFFFE000  }
0xae: {  	[spmem:s9] =	stream.linear.scatter [tilespmem:s25], [sflag:$0x5], $0x2000, $0x38;
	[tilespmem:$0x19000] =	vst v63  }
0xaf: {  	_ =	swait.ge [sflag:s16], $0x2000  }
0xb0: {  	[sflag:s16] =	ssyncset.done $0x0  }
0xb1: {  	[sflag:s16] =	ssyncadd.s32 $0xFFFFE000  }
0xb2: {  	[spmem:s10] =	stream.linear.scatter [tilespmem:s25], [sflag:$0x5], $0x2000, $0x38;
	[tilespmem:$0x19000] =	vst v63  }
0xb3: {  	_ =	swait.ge [sflag:s16], $0x2000  }
0xb4: {  	[sflag:s16] =	ssyncset.done $0x0  }
0xb5: {  	[sflag:s16] =	ssyncadd.s32 $0xFFFFE000  }
0xb6: {  	[spmem:s11] =	stream.linear.scatter [tilespmem:s25], [sflag:$0x5], $0x2000, $0x38;
	[tilespmem:$0x19000] =	vst v63  }
0xb7: {  	_ =	swait.ge [sflag:s16], $0x2000  }
0xb8: {  	[sflag:s16] =	ssyncset.done $0x0  }
0xb9: {  	[sflag:s16] =	ssyncadd.s32 $0xFFFFE000  }
0xba: {  	[spmem:s12] =	stream.linear.scatter [tilespmem:s25], [sflag:$0x5], $0x2000, $0x38;
	[tilespmem:$0x19000] =	vst v63  }
0xbb: {  	_ =	swait.ge [sflag:s16], $0x2000  }
0xbc: {  	[sflag:s16] =	ssyncset.done $0x0  }
0xbd: {  	[sflag:s16] =	ssyncadd.s32 $0xFFFFE000  }
0xbe: {  	[bflag:$0x0] =	sbarrier.arrive $0xFFFF  }
0xbf: {  	_ =	swait.ge [sflag:s26], $0x2000  }
0xc0: {  	[sflag:s26] =	ssyncset.done $0x0  }
0xc1: {  	s21 =	simm.s32 $0x2800;
	[sflag:s26] =	ssyncadd.s32 $0xFFFFE000  }
0xc2: {  	[spmem:s2] =	stream.indirect.scatter.add.f32 [tilespmem:s19], [sflag:$0x5], $0x40, s21, s18, $0xb8;
	[tilespmem:$0x19000] =	vst v63  }
0xc3: {  	_ =	swait.ge [sflag:s16], $0x2000  }
0xc4: {  	[sflag:s16] =	ssyncset.done $0x0  }
0xc5: {  	s15 =	simm.s32 $0x200;
	[sflag:s16] =	ssyncadd.s32 $0xFFFFE000  }
0xc6: {  	[tilespmem:s19], [sflag:$0x1] =	stream.indirect.gather [hbm4b:s5+s18], $0x40, s15, s18, $0xb8;
	[tilespmem:$0x19000] =	vst v63  }
0xc7: {  	_ =	swait.ge [sflag:s28], $0x2000  }
0xc8: {  	[sflag:s28] =	ssyncset.done $0x0  }
0xc9: {  	s21 =	simm.s32 $0x2880;
	[sflag:s28] =	ssyncadd.s32 $0xFFFFE000  }
0xca: {  	[spmem:s2] =	stream.indirect.scatter.add.f32 [tilespmem:s20], [sflag:$0x5], $0x40, s21, s18, $0xb8;
	[tilespmem:$0x19000] =	vst v63  }
0xcb: {  	_ =	swait.ge [sflag:s16], $0x2000  }
0xcc: {  	[sflag:s16] =	ssyncset.done $0x0  }
0xcd: {  	s15 =	simm.s32 $0x280;
	[sflag:s16] =	ssyncadd.s32 $0xFFFFE000  }
0xce: {  	[tilespmem:s20], [sflag:$0x2] =	stream.indirect.gather [hbm4b:s5+s18], $0x40, s15, s18, $0xb8;
	[tilespmem:$0x19000] =	vst v63  }
0xcf: {  	_ =	swait.ge [sflag:s29], $0x2000  }
0xd0: {  	[sflag:s29] =	ssyncset.done $0x0  }
0xd1: {  	s21 =	simm.s32 $0x2900;
	[sflag:s29] =	ssyncadd.s32 $0xFFFFE000  }
0xd2: {  	[spmem:s2] =	stream.indirect.scatter.add.f32 [tilespmem:s22], [sflag:$0x5], $0x40, s21, s18, $0xb8;
	[tilespmem:$0x19000] =	vst v63  }
0xd3: {  	_ =	swait.ge [sflag:s16], $0x2000  }
0xd4: {  	[sflag:s16] =	ssyncset.done $0x0  }
0xd5: {  	s15 =	simm.s32 $0x300;
	[sflag:s16] =	ssyncadd.s32 $0xFFFFE000  }
0xd6: {  	[tilespmem:s22], [sflag:$0x3] =	stream.indirect.gather [hbm4b:s5+s18], $0x40, s15, s18, $0xb8;
	[tilespmem:$0x19000] =	vst v63  }
0xd7: {  	_ =	swait.ge [sflag:s30], $0x2000  }
0xd8: {  	[sflag:s30] =	ssyncset.done $0x0  }
0xd9: {  	s21 =	simm.s32 $0x2980;
	[sflag:s30] =	ssyncadd.s32 $0xFFFFE000  }
0xda: {  	[spmem:s2] =	stream.indirect.scatter.add.f32 [tilespmem:s24], [sflag:$0x5], $0x40, s21, s18, $0xb8;
	[tilespmem:$0x19000] =	vst v63  }
0xdb: {  	_ =	swait.ge [sflag:s16], $0x2000  }
0xdc: {  	[sflag:s16] =	ssyncset.done $0x0  }
0xdd: {  	s14 =	simm.s32 $0x800;
	s21 =	simm.s32 $0x380;
	[sflag:s16] =	ssyncadd.s32 $0xFFFFE000  }
.LBB2_6:
0xde: {  	[tilespmem:s24], [sflag:$0x4] =	stream.indirect.gather [hbm4b:s5+s18], $0x40, s21, s18, $0xb8;
	[tilespmem:$0x19000] =	vst v63  }
0xdf: {  	s21 =	smov.u32 s14  }
0xe0: {  	p0 =	sne.s32 s14, $0x9000;
	s14 =	sadd.s32 $0x800, s14;
	_ =	swait.ge [sflag:s26], $0x2000  }
0xe1: {  	s21 =	sshra.s32 s21, $0x2;
	[sflag:s26] =	ssyncset.done $0x0  }
0xe2: {  	s15 =	sadd.s32 $0x2800, s21;
	[sflag:s26] =	ssyncadd.s32 $0xFFFFE000  }
0xe3: {  	[spmem:s2] =	stream.indirect.scatter.add.f32 [tilespmem:s19], [sflag:$0x5], $0x40, s15, s18, $0xb8;
	[tilespmem:$0x19000] =	vst v63  }
0xe4: {  	_ =	swait.ge [sflag:s16], $0x2000  }
0xe5: {  	[sflag:s16] =	ssyncset.done $0x0  }
0xe6: {  	s15 =	sadd.s32 $0x200, s21;
	[sflag:s16] =	ssyncadd.s32 $0xFFFFE000  }
0xe7: {  	[tilespmem:s19], [sflag:$0x1] =	stream.indirect.gather [hbm4b:s5+s18], $0x40, s15, s18, $0xb8;
	[tilespmem:$0x19000] =	vst v63  }
0xe8: {  	_ =	swait.ge [sflag:s28], $0x2000  }
0xe9: {  	[sflag:s28] =	ssyncset.done $0x0  }
0xea: {  	s15 =	sadd.s32 $0x2880, s21;
	[sflag:s28] =	ssyncadd.s32 $0xFFFFE000  }
0xeb: {  	[spmem:s2] =	stream.indirect.scatter.add.f32 [tilespmem:s20], [sflag:$0x5], $0x40, s15, s18, $0xb8;
	[tilespmem:$0x19000] =	vst v63  }
0xec: {  	_ =	swait.ge [sflag:s16], $0x2000  }
0xed: {  	[sflag:s16] =	ssyncset.done $0x0  }
0xee: {  	s15 =	sadd.s32 $0x280, s21;
	[sflag:s16] =	ssyncadd.s32 $0xFFFFE000  }
0xef: {  	[tilespmem:s20], [sflag:$0x2] =	stream.indirect.gather [hbm4b:s5+s18], $0x40, s15, s18, $0xb8;
	[tilespmem:$0x19000] =	vst v63  }
0xf0: {  	_ =	swait.ge [sflag:s29], $0x2000  }
0xf1: {  	[sflag:s29] =	ssyncset.done $0x0  }
0xf2: {  	s15 =	sadd.s32 $0x2900, s21;
	[sflag:s29] =	ssyncadd.s32 $0xFFFFE000  }
0xf3: {  	[spmem:s2] =	stream.indirect.scatter.add.f32 [tilespmem:s22], [sflag:$0x5], $0x40, s15, s18, $0xb8;
	[tilespmem:$0x19000] =	vst v63  }
0xf4: {  	_ =	swait.ge [sflag:s16], $0x2000  }
0xf5: {  	[sflag:s16] =	ssyncset.done $0x0  }
0xf6: {  	s15 =	sadd.s32 $0x300, s21;
	[sflag:s16] =	ssyncadd.s32 $0xFFFFE000  }
0xf7: {  	[tilespmem:s22], [sflag:$0x3] =	stream.indirect.gather [hbm4b:s5+s18], $0x40, s15, s18, $0xb8;
	[tilespmem:$0x19000] =	vst v63  }
0xf8: {  	_ =	swait.ge [sflag:s30], $0x2000  }
0xf9: {  	[sflag:s30] =	ssyncset.done $0x0  }
.Ltmp2:
0xfa: {  	s15 =	sadd.s32 $0x2980, s21;
	[sflag:s30] =	ssyncadd.s32 $0xFFFFE000;
	(pc) =	sbr.rel @p0 .LBB2_6-.Ltmp2, $4  }
0xfb: {  	[spmem:s2] =	stream.indirect.scatter.add.f32 [tilespmem:s24], [sflag:$0x5], $0x40, s15, s18, $0xb8;
	[tilespmem:$0x19000] =	vst v63  }
0xfc: {  	_ =	swait.ge [sflag:s16], $0x2000  }
0xfd: {  	[sflag:s16] =	ssyncset.done $0x0  }
0xfe: {  	s21 =	sadd.s32 $0x380, s21;
	[sflag:s16] =	ssyncadd.s32 $0xFFFFE000  }
0xff: {  	[tilespmem:s24], [sflag:$0x4] =	stream.indirect.gather [hbm4b:s5+s18], $0x40, s21, s18, $0xb8;
	[tilespmem:$0x19000] =	vst v63  }
0x100: {  	_ =	swait.ge [sflag:s26], $0x2000  }
0x101: {  	[sflag:s26] =	ssyncset.done $0x0  }
0x102: {  	[sflag:s26] =	ssyncadd.s32 $0xFFFFE000  }
0x103: {  	[spmem:s2] =	stream.indirect.scatter.add.f32 [tilespmem:s19], [sflag:$0x5], $0x40, s31, s18, $0xb8;
	[tilespmem:$0x19000] =	vst v63  }
0x104: {  	_ =	swait.ge [sflag:s16], $0x2000  }
0x105: {  	[sflag:s16] =	ssyncset.done $0x0  }
0x106: {  	[sflag:s16] =	ssyncadd.s32 $0xFFFFE000  }
0x107: {  	_ =	swait.ge [sflag:s28], $0x2000  }
0x108: {  	[sflag:s28] =	ssyncset.done $0x0  }
0x109: {  	[sflag:s28] =	ssyncadd.s32 $0xFFFFE000  }
0x10a: {  	[spmem:s2] =	stream.indirect.scatter.add.f32 [tilespmem:s20], [sflag:$0x5], $0x40, s0, s18, $0xb8;
	[tilespmem:$0x19000] =	vst v63  }
0x10b: {  	_ =	swait.ge [sflag:s16], $0x2000  }
0x10c: {  	[sflag:s16] =	ssyncset.done $0x0  }
0x10d: {  	[sflag:s16] =	ssyncadd.s32 $0xFFFFE000  }
0x10e: {  	_ =	swait.ge [sflag:s29], $0x2000  }
0x10f: {  	[sflag:s29] =	ssyncset.done $0x0  }
0x110: {  	[sflag:s29] =	ssyncadd.s32 $0xFFFFE000  }
0x111: {  	[spmem:s2] =	stream.indirect.scatter.add.f32 [tilespmem:s22], [sflag:$0x5], $0x40, s17, s18, $0xb8;
	[tilespmem:$0x19000] =	vst v63  }
0x112: {  	_ =	swait.ge [sflag:s16], $0x2000  }
0x113: {  	[sflag:s16] =	ssyncset.done $0x0  }
0x114: {  	[sflag:s16] =	ssyncadd.s32 $0xFFFFE000  }
0x115: {  	_ =	swait.ge [sflag:s30], $0x2000  }
0x116: {  	[sflag:s30] =	ssyncset.done $0x0  }
0x117: {  	[sflag:s30] =	ssyncadd.s32 $0xFFFFE000  }
0x118: {  	[spmem:s2] =	stream.indirect.scatter.add.f32 [tilespmem:s24], [sflag:$0x5], $0x40, s1, s18, $0xb8;
	[tilespmem:$0x19000] =	vst v63  }
0x119: {  	_ =	swait.ge [sflag:s16], $0x2000  }
0x11a: {  	[sflag:s16] =	ssyncset.done $0x0  }
0x11b: {  	[sflag:s16] =	ssyncadd.s32 $0xFFFFE000  }
0x11c: {  	[bflag:$0x0] =	sbarrier.arrive $0xFFFF  }
0x11d: {  	s14 =	rddreg [dreg:$0x7]  }
0x11e: {  	[hbm:s14], [sflag:s7] =	dma.local [spmem:s13], $0x1400  }
0x11f: {  	_ =	swait.ge [sflag:s16], $0x1400  }
0x120: {  	s6 =	sadd.s32 $0x1, s6;
	s21 =	rddreg [dreg:$0x8]  }
0x121: {  	p0 =	sne.s32 s6, s21  }
.Ltmp3:
0x122: {  	_ = 	snop;
	(pc) =	sbr.rel @p0 .LBB2_1-.Ltmp3, $3  }
0x123: {  	_ =	sdelay $0x1  }
0x124: {  	[sflag:s16] =	ssyncset.done $0x0  }
0x125: {  	s15 =	simm.s32 $0x100;
	[sflag:s16] =	ssyncadd.s32 $0xFFFFEC00  }
0x126: {  	_ =	sfence.sel $0x180000  }
0x127: {  	[bflag:$0x0] =	sbarrier.arrive $0xFFFF  }
0x128: {  	_ =	strace $0x9000004A  }
0x129: {  	s0 =	stileid.u32;
	[bflag:$0x2] =	sbarrier.arrive $0xFFFF  }
0x12a: {  	p0 =	sne.s32 s0, $0x0;
	s0 =	rddreg [dreg:$0x3]  }
0x12b: {  	s0 =	sadd.s32 @!p0 $0x100000, s0  }
0x12c: {  	[sflag:s0] =	ssyncadd.tile.s32 @!p0 $0x1;
	_ =	shalt  }
.Lfunc_end2:
_tile_overlayer_lowered:
.L_overlay_start_2:
0x12d: {  	(tag) =	ssettag $0x2  }
0x12e: {  	s0 =	rddreg [dreg:$0x0];
	s2 =	stileid.u32  }
0x12f: {  	s1 =	rddreg [dreg:$0x1];
	p0 =	sne.s32 s2, $0x0  }
0x130: {  	s3 =	rddreg [dreg:$0x2];
	[bflag:$0x3] =	sbarrier.arrive $0xFFFF;
	s2 =	simm.s32 @!p0 $0x1C05  }
0x131: {  	[timem:s3], [sflag:s2] =	dma.local @!p0 [hbm:s0], s1  }
0x132: {  	s0 =	simm.s32 @!p0 $0x5  }
0x133: {  	_ =	swait.ge @!p0 [sflag:s0], s1  }
0x134: {  	s1 =	ssub.s32 @!p0 $0x0, s1;
	[sflag:s0] =	ssyncset.done @!p0 $0x0  }
0x135: {  	[sflag:s0] =	ssyncadd.s32 @!p0 s1  }
0x136: {  	[bflag:$0x3] =	sbarrier.arrive $0xFFFF  }
0x137: {  	_ =	shalt  }

// kernel: kernel.14.cloned.1.call-start
scs
__scs_entry_jumppad:
0x0: {  	(pc) =	sbr.rel $0x88, $3  }
0x1: {  	(tag) =	ssettag $0x0;
	lr =	simm.s32 $0x1  }
0x2: {  	[smem:$0x3F9B] =	sst lr;
	_ =	strace $0xD0000000  }
0x3: {  	_ = 	snop  }
0x4: {  	_ = 	snop  }
0x5: {  	_ = 	snop  }
0x6: {  	_ = 	snop  }
0x7: {  	_ = 	snop  }
__scs_overlays_trampoline_lowered:
0x8: {  	[smem:$0x3FAA] =	sst s0  }
0x9: {  	[smem:$0x3FAB] =	sst s1  }
0xa: {  	[smem:$0x3FAC] =	sst s2  }
0xb: {  	[smem:$0x3FAD] =	sst s3  }
0xc: {  	[smem:$0x3FAE] =	sst s4  }
0xd: {  	[smem:$0x3FAF] =	sst s5  }
0xe: {  	[smem:$0x3FB0] =	sst s6  }
0xf: {  	[smem:$0x3FB1] =	sst s7  }
0x10: {  	[smem:$0x3FB2] =	sst s8  }
0x11: {  	[smem:$0x3FB3] =	sst s9;
	s0 =	simm.s32 @!p0 $0x0  }
0x12: {  	s1 =	sld [smem:$0x3F99];
	s0 =	simm.s32 @p0 $0x1  }
0x13: {  	[smem:$0x3FB4] =	sst s0;
	s0 =	simm.s32 @!p1 $0x0  }
0x14: {  	s2 =	sld [smem:$0x3F98];
	s0 =	simm.s32 @p1 $0x1  }
0x15: {  	[smem:$0x3FB5] =	sst s0;
	s0 =	simm.s32 @!p2 $0x0  }
0x16: {  	s3 =	sld [smem:$0x3FDB];
	s0 =	simm.s32 @p2 $0x1  }
0x17: {  	s4 =	simm.s32 $0x1BF5;
	[smem:$0x3FB7] =	sst s0  }
0x18: {  	s0 =	sld [smem:$0x3F9A];
	_ =	swait.ge [sflag:s4], $0x0  }
0x19: {  	s7 =	sld [smem:$0x3F9B]  }
0x1a: {  	s8 =	sadd.s32 $0xFFFFE003, lr  }
0x1b: {  	s9 =	sadd.s32 $0xFFFFFEF7, lr;
	s5 =	simm.s32 $0xFFFFFFFF;
	p2 =	slt.u32 s8, $0xFFFFF086  }
0x1c: {  	p1 =	slt.u32 s9, $0xF7A;
	s5 =	simm.s32 @!p2 $0x0  }
0x1d: {  	s5 =	simm.s32 @p1 $0x1;
	p0 =	seq.s32 s7, s2  }
0x1e: {  	s7 =	smul.u32 @!p0 $0xF7A, s2;
	p2 =	seq.s32 @!p0 s5, $0x0  }
0x1f: {  	s9 =	smul.u32 $0xF7A, s1;
	s8 =	simm.s32 @!p0 $0x1BF5;
	p2 =	por !p2, p0  }
0x20: {  	[sflag:s8] =	ssyncset.s32 @!p0 $0xFFFFF086;
	s6 =	sadd.s32 @!p0 s3, s7;
	s7 =	simm.s32 @!p0 $0x108  }
0x21: {  	s3 =	sadd.s32 s3, s9;
	s6 =	sadd.s32 @!p0 $0x88, s6;
	s7 =	simm.s32 @p2 $0x1082  }
0x22: {  	[simem:s7], [sflag:s8] =	dma.local @!p0 [hbm:s6], $0xF7A  }
0x23: {  	s9 =	sor.u32 $0xD0000000, s2;
	s6 =	simm.s32 $0x108;
	_ =	swait.ge @!p0 [sflag:s8], $0x0  }
0x24: {  	s3 =	sadd.s32 $0x88, s3;
	s6 =	simm.s32 @!p1 $0x1082;
	[sflag:s4] =	ssyncset.s32 $0xFFFFF086  }
0x25: {  	[simem:s6], [sflag:s4] =	dma.local [hbm:s3], $0xF7A  }
0x26: {  	[smem:$0x3F9B] =	sst s1;
	(tag) =	ssettag s2;
	_ =	strace s9  }
0x27: {  	s1 =	sld [smem:$0x3FAB]  }
0x28: {  	s2 =	sld [smem:$0x3FAC]  }
0x29: {  	s4 =	sld [smem:$0x3FAE]  }
0x2a: {  	p0 =	seq.s32 s5, $0x0;
	s5 =	sld [smem:$0x3FAF]  }
0x2b: {  	s6 =	sld [smem:$0x3FB0]  }
0x2c: {  	s7 =	sld [smem:$0x3FB1]  }
0x2d: {  	s3 =	simm.s32 $0x108;
	s8 =	sld [smem:$0x3FB2]  }
0x2e: {  	s3 =	simm.s32 @!p0 $0x1082;
	s9 =	sld [smem:$0x3FB3]  }
0x2f: {  	lr =	sadd.s32 s0, s3;
	s0 =	sld [smem:$0x3FAA]  }
0x30: {  	s3 =	sld [smem:$0x3FAD]  }
0x31: {  	[smem:$0x3FB6] =	sst s10  }
0x32: {  	s10 =	sld [smem:$0x3FB4];
	_ =	sdelay $0x3  }
0x33: {  	p0 =	seq.s32 s10, $0x1;
	s10 =	sld [smem:$0x3FB6];
	_ =	sdelay $0x3  }
0x34: {  	[smem:$0x3FB6] =	sst s10  }
0x35: {  	s10 =	sld [smem:$0x3FB5];
	_ =	sdelay $0x3  }
0x36: {  	p1 =	seq.s32 s10, $0x1;
	s10 =	sld [smem:$0x3FB6];
	_ =	sdelay $0x3  }
0x37: {  	[smem:$0x3FB6] =	sst s10  }
0x38: {  	s10 =	sld [smem:$0x3FB7]  }
0x39: {  	_ = 	snop;
	(pc) =	sbr.ind lr, $3  }
0x3a: {  	_ = 	snop  }
0x3b: {  	_ = 	snop  }
0x3c: {  	p2 =	seq.s32 s10, $0x1;
	s10 =	sld [smem:$0x3FB6]  }
0x3d: {  	_ =	shalt  }
0x3e: {  	_ =	shalt  }
0x3f: {  	_ =	shalt  }
0x40: {  	_ =	shalt  }
0x41: {  	_ =	shalt  }
0x42: {  	_ =	shalt  }
0x43: {  	_ =	shalt  }
0x44: {  	_ =	shalt  }
0x45: {  	_ =	shalt  }
0x46: {  	_ =	shalt  }
0x47: {  	_ =	shalt  }
0x48: {  	_ =	shalt  }
0x49: {  	_ =	shalt  }
0x4a: {  	_ =	shalt  }
0x4b: {  	_ =	shalt  }
0x4c: {  	_ =	shalt  }
0x4d: {  	_ =	shalt  }
0x4e: {  	_ =	shalt  }
0x4f: {  	_ =	shalt  }
0x50: {  	_ =	shalt  }
0x51: {  	_ =	shalt  }
0x52: {  	_ =	shalt  }
0x53: {  	_ =	shalt  }
0x54: {  	_ =	shalt  }
0x55: {  	_ =	shalt  }
0x56: {  	_ =	shalt  }
0x57: {  	_ =	shalt  }
0x58: {  	_ =	shalt  }
0x59: {  	_ =	shalt  }
0x5a: {  	_ =	shalt  }
0x5b: {  	_ =	shalt  }
0x5c: {  	_ =	shalt  }
0x5d: {  	_ =	shalt  }
0x5e: {  	_ =	shalt  }
0x5f: {  	_ =	shalt  }
0x60: {  	_ =	shalt  }
0x61: {  	_ =	shalt  }
0x62: {  	_ =	shalt  }
0x63: {  	_ =	shalt  }
0x64: {  	_ =	shalt  }
0x65: {  	_ =	shalt  }
0x66: {  	_ =	shalt  }
0x67: {  	_ =	shalt  }
0x68: {  	_ =	shalt  }
0x69: {  	_ =	shalt  }
0x6a: {  	_ =	shalt  }
0x6b: {  	_ =	shalt  }
0x6c: {  	_ =	shalt  }
0x6d: {  	_ =	shalt  }
0x6e: {  	_ =	shalt  }
0x6f: {  	_ =	shalt  }
0x70: {  	_ =	shalt  }
0x71: {  	_ =	shalt  }
0x72: {  	_ =	shalt  }
0x73: {  	_ =	shalt  }
0x74: {  	_ =	shalt  }
0x75: {  	_ =	shalt  }
0x76: {  	_ =	shalt  }
0x77: {  	_ =	shalt  }
0x78: {  	_ =	shalt  }
0x79: {  	_ =	shalt  }
0x7a: {  	_ =	shalt  }
0x7b: {  	_ =	shalt  }
0x7c: {  	_ =	shalt  }
0x7d: {  	_ =	shalt  }
0x7e: {  	_ =	shalt  }
0x7f: {  	_ =	shalt  }
0x80: {  	_ =	shalt  }
0x81: {  	_ =	shalt  }
0x82: {  	_ =	shalt  }
0x83: {  	_ =	shalt  }
0x84: {  	_ =	shalt  }
0x85: {  	_ =	shalt  }
0x86: {  	_ =	shalt  }
0x87: {  	_ =	shalt  }
.Lfunc_end0:
.L_simem_size_0:
called_computation.2_lowered:
.L_overlay_start_0:
0x88: {  	s2 =	sld [smem:$0x3FD9]  }
0x89: {  	s3 =	sld [smem:$0x3FFE];
	_ =	sdelay $0x1  }
0x8a: {  	s1 =	srdreg.scid  }
0x8b: {  	s0 =	sand.u32 $0x1, s1  }
0x8c: {  	s17 =	sshll.u32 s0, $0xA;
	s2 =	sadd.s32 s3, s2  }
0x8d: {  	s2 =	sadd.s32 s2, s17  }
0x8e: {  	[smem:$0x3FC2] =	sst s2  }
0x8f: {  	_ = 	snop  }
0x90: {  	s2 =	sld [smem:$0x3FD0];
	(tm) =	ssettm $0x1  }
0x91: {  	s18 =	sld [smem:$0x3FFB];
	_ =	sdelay $0x3  }
0x92: {  	_ =	strace s18  }
0x93: {  	s3 =	sld [smem:$0x3FFC];
	_ =	sdelay $0x3  }
0x94: {  	_ =	strace s3  }
0x95: {  	s3 =	sld [smem:$0x3FFD];
	_ =	sdelay $0x3  }
0x96: {  	_ =	strace s3  }
0x97: {  	_ =	strace $0x8FFFFFFF  }
0x98: {  	s19 =	sld [smem:$0x3FDB];
	_ =	sdelay $0x1  }
0x99: {  	s4 =	simm.s32 $_scs_section_size  }
0x9a: {  	s5 =	simm.s32 $_size__tile_overlayer_lowered;
	s6 =	simm.s32 $_tile_overlayer_lowered  }
0x9b: {  	s22 =	simm.s32 $0x1BFF;
	s21 =	sshll.u32 s6, $0x1;
	s3 =	sadd.s32 s4, s19  }
0x9c: {  	s7 =	simm.s32 $0x0;
	s20 =	sshll.u32 s5, $0x1;
	s5 =	sadd.s32 s21, s3  }
0x9d: {  	[timem:s7], [sflag:s22] =	dma.local [hbm:s5], s20  }
0x9e: {  	_ =	swait.ge [sflag:s22], s20  }
0x9f: {  	s4 =	ssub.s32 $0x0, s20;
	[sflag:s22] =	ssyncset.done $0x0  }
0xa0: {  	[sflag:s22] =	ssyncadd.s32 s4;
	_ =	sdelay $0x1  }
0xa1: {  	s23 =	simm.s32 $0x1B8B  }
0xa2: {  	_ =	swait.ge [sflag:s23], $0x1  }
0xa3: {  	[sflag:s23] =	ssyncset.done $0x0  }
0xa4: {  	s25 =	simm.s32 $0x1B8E;
	s24 =	sld [smem:$0x3FFE];
	[sflag:s23] =	ssyncadd.s32 $0xFFFFFFFF  }
0xa5: {  	s26 =	simm.s32 $execute0_lowered;
	[smem:$0x3FD2] =	sst s25  }
0xa6: {  	s5 =	sshll.u32 s26, $0x1;
	_ =	strace $0x8000004C;
	[dreg:$0x1] =	wrdreg $0xFFFFFFFF  }
0xa7: {  	s28 =	simm.s32 $_size_execute0_lowered;
	s3 =	sadd.s32 s3, s5;
	[dreg:$0x0] =	wrdreg $0x0  }
0xa8: {  	s5 =	sshll.u32 s28, $0x1;
	[dreg:$0x2] =	wrdreg s3  }
0xa9: {  	[dreg:$0x3] =	wrdreg s5  }
0xaa: {  	[dreg:$0x4] =	wrdreg $0xC0  }
0xab: {  	_ =	task [dreg:s7], $0x5FFFF  }
0xac: {  	[dreg:$0x1] =	wrdreg $0xFFFFFFFF  }
0xad: {  	[dreg:$0x0] =	wrdreg $0x60  }
0xae: {  	[dreg:$0x2] =	wrdreg s24  }
0xaf: {  	[dreg:$0x3] =	wrdreg s2  }
0xb0: {  	[dreg:$0x4] =	wrdreg $0xF0000  }
0xb1: {  	[dreg:$0x5] =	wrdreg $0x9  }
0xb2: {  	_ =	task.clear_ibuf [dreg:s7], $0x6FFFF;
	_ =	strace $0x9000004C  }
0xb3: {  	s29 =	simm.s32 $0x9;
	_ =	strace $0x8000004E  }
0xb4: {  	_ =	swait.ge [sflag:s29], $0x1  }
0xb5: {  	[sflag:s29] =	ssyncadd.s32 $0xFFFFFFFF  }
0xb6: {  	_ =	strace $0x9000004E  }
0xb7: {  	_ =	sfence  }
0xb8: {  	s30 =	sld [smem:$0x0];
	_ =	sdelay $0x2  }
0xb9: {  	s31 =	sshll.u32 s1, $0xD;
	s1 =	sshrl.u32 s1, $0x2  }
0xba: {  	s3 =	sand.u32 $0x4000, s31;
	s1 =	sadd.s32 s1, s30  }
0xbb: {  	s0 =	sor.u32 s3, s0;
	s1 =	sshll.u32 s1, $0x11  }
0xbc: {  	s0 =	sor.u32 s1, s0  }
0xbd: {  	s0 =	sadd.s32 $0x8F2B, s0  }
0xbe: {  	[sflag:s0] =	ssyncadd.remote.s32 $0x1  }
0xbf: {  	_ =	sfence.sel $0xFFFF  }
0xc0: {  	[dreg:$0x0] =	wrdreg $0xFFFFFFFF;
	(pc) =	sbr.abs _section_cstart, $3  }
0xc1: {  	[dreg:$0x1] =	wrdreg $0xFFFFFFFF  }
0xc2: {  	_ =	task.clear_ibuf [dreg:s7], $0x2FFFF;
	_ =	strace $0x9FFFFFFF  }
0xc3: {  	(tm) =	ssettm $0x7FFFFFFF  }
tec
execute0_lowered:
.L_overlay_start_1:
0x0: {  	(tag) =	ssettag $0x1  }
0x1: {  	s0 =	rddreg [dreg:$0x0]  }
0x2: {  	s1 =	rddreg [dreg:$0x1]  }
0x3: {  	s2 =	rddreg [dreg:$0x2];
	s3 =	srdreg.scid  }
0x4: {  	s9 =	stileid.u32;
	s14 =	simm.s32 $0x5;
	s16 =	simm.s32 $0x80  }
0x5: {  	s17 =	simm.s32 $0x5000;
	s18 =	simm.s32 $0x7000;
	s20 =	simm.s32 $0x9000  }
0x6: {  	s22 =	simm.s32 $0xB000;
	s23 =	simm.s32 $0xD000;
	s24 =	simm.s32 $0x1  }
0x7: {  	s25 =	simm.s32 $0x2;
	s28 =	simm.s32 $0x4;
	s30 =	simm.s32 $0x4E80  }
0x8: {  	s31 =	simm.s32 $0x4F00;
	s5 =	sand.u32 $0x1, s3;
	s3 =	simm.s32 $0x0  }
0x9: {  	s7 =	smul.u32 $0xA000, s9;
	s4 =	sshll.u32 s5, $0x4;
	[smem:$0x7FF] =	sst s3  }
0xa: {  	s6 =	smul.u32 $0xA0000, s5;
	s5 =	ssub.s32 $0x2, s5;
	s4 =	sor.u32 s9, s4  }
0xb: {  	_ =	strace $0x8000004D;
	s9 =	smul.u32 $0x28000, s9;
	s26 =	sshrl.u32 s5, $0x1  }
0xc: {  	s8 =	smul.u32 $0x500, s4;
	s4 =	sadd.s32 $0xC600, s0;
	s6 =	sadd.s32 s7, s6  }
0xd: {  	s13 =	ssub.s32 s5, s26;
	s7 =	sadd.s32 s7, s2;
	s26 =	simm.s32 $0x3  }
0xe: {  	s6 =	sshrl.u32 s6, $0x3;
	s9 =	sshrl.u32 s9, $0x2;
	s13 =	smax.u32 s13, $0x1  }
0xf: {  	s10 =	sadd.s32 s8, s0;
	s0 =	sadd.s32 s6, s0;
	s5 =	sadd.s32 s1, s8  }
0x10: {  	s29 =	sadd.s32 s9, s2;
	s1 =	simm.s32 $0x0;
	s6 =	sadd.s32 $0x2600, s10  }
0x11: {  	s8 =	sadd.s32 $0x2000, s29;
	s9 =	sadd.s32 $0x4000, s29;
	s10 =	sadd.s32 $0x6000, s29  }
0x12: {  	v0 =	vimm.f32 $0.0e+00;
	s11 =	sadd.s32 $0x8000, s29;
	s12 =	sadd.s32 $0x20600, s0;
	s0 =	simm.s32 $0x4F80  }
.LBB2_1:
0x13: {  	[tilespmem:s3], [sflag:$0x5] =	stream.linear.gather [hbm4b:s5+s3], $0x2800, $0x38;
	[tilespmem:$0x19000] =	vst v63  }
0x14: {  	_ =	swait.ge [sflag:s14], $0x2800  }
0x15: {  	[sflag:s14] =	ssyncset.done $0x0  }
0x16: {  	s15 =	simm.s32 $0x2800;
	[sflag:s14] =	ssyncadd.s32 $0xFFFFD800  }
0x17: {  	[tilespmem:s15], [sflag:$0x5] =	stream.linear.gather [hbm4b:s6+s3], $0x2800, $0x38;
	[tilespmem:$0x19000] =	vst v63  }
0x18: {  	_ =	swait.ge [sflag:s14], $0x2800  }
0x19: {  	[sflag:s14] =	ssyncset.done $0x0  }
0x1a: {  	[sflag:s14] =	ssyncadd.s32 $0xFFFFD800  }
0x1b: {  	[tilespmem:s17], [sflag:$0x1] =	stream.indirect.gather [hbm4b:s4+s16], $0x40, s3, s16, $0xb8;
	[tilespmem:$0x19000] =	vst v63  }
0x1c: {  	_ = 	snop  }
0x1d: {  	[tilespmem:s18], [sflag:$0x2] =	stream.indirect.gather [hbm4b:s4+s16], $0x40, s16, s16, $0xb8;
	[tilespmem:$0x19000] =	vst v63  }
0x1e: {  	s19 =	simm.s32 $0x100  }
0x1f: {  	[tilespmem:s20], [sflag:$0x3] =	stream.indirect.gather [hbm4b:s4+s16], $0x40, s19, s16, $0xb8;
	[tilespmem:$0x19000] =	vst v63  }
0x20: {  	s21 =	simm.s32 $0x180;
	s29 =	sand.u32 $0x7F00, s3  }
0x21: {  	[tilespmem:s22], [sflag:$0x4] =	stream.indirect.gather [hbm4b:s4+s16], $0x40, s21, s16, $0xb8;
	[tilespmem:$0x19000] =	vst v63  }
0x22: {  	s19 =	sand.u32 $0x30, s3;
	s21 =	sshrl.u32 s29, $0x2  }
0x23: {  	s15 =	simm.s32 $0x40;
	s21 =	sor.u32 s19, s21;
	s19 =	simm.s32 $0x0  }
.LBB2_2:
0x24: {  	p0 =	sne.s32 s15, $0x7FC0  }
0x25: {  	[tilespmem:s21+$0xD000] =	vst v0;
	s19 =	sadd.s32 $0x10, s19;
	s21 =	smov.u32 s15;
	s15 =	sadd.s32 $0x40, s15  }
.Ltmp0:
0x26: {  	(pc) =	sbr.rel @p0 .LBB2_2-.Ltmp0, $4  }
0x27: {  	_ = 	snop  }
0x28: {  	s21 =	sand.u32 $0x7F00, s21  }
0x29: {  	s29 =	sand.u32 $0x30, s19;
	s21 =	sshrl.u32 s21, $0x2  }
0x2a: {  	s21 =	sor.u32 s29, s21  }
0x2b: {  	[tilespmem:s21+$0xD000] =	vst v0  }
0x2c: {  	[spmem:s7] =	stream.linear.scatter [tilespmem:s23], [sflag:$0x5], $0x2000, $0x38;
	[tilespmem:$0x19000] =	vst v63  }
0x2d: {  	_ =	swait.ge [sflag:s14], $0x2000  }
0x2e: {  	[sflag:s14] =	ssyncset.done $0x0  }
0x2f: {  	[sflag:s14] =	ssyncadd.s32 $0xFFFFE000  }
0x30: {  	[spmem:s8] =	stream.linear.scatter [tilespmem:s23], [sflag:$0x5], $0x2000, $0x38;
	[tilespmem:$0x19000] =	vst v63  }
0x31: {  	_ =	swait.ge [sflag:s14], $0x2000  }
0x32: {  	[sflag:s14] =	ssyncset.done $0x0  }
0x33: {  	[sflag:s14] =	ssyncadd.s32 $0xFFFFE000  }
0x34: {  	[spmem:s9] =	stream.linear.scatter [tilespmem:s23], [sflag:$0x5], $0x2000, $0x38;
	[tilespmem:$0x19000] =	vst v63  }
0x35: {  	_ =	swait.ge [sflag:s14], $0x2000  }
0x36: {  	[sflag:s14] =	ssyncset.done $0x0  }
0x37: {  	[sflag:s14] =	ssyncadd.s32 $0xFFFFE000  }
0x38: {  	[spmem:s10] =	stream.linear.scatter [tilespmem:s23], [sflag:$0x5], $0x2000, $0x38;
	[tilespmem:$0x19000] =	vst v63  }
0x39: {  	_ =	swait.ge [sflag:s14], $0x2000  }
0x3a: {  	[sflag:s14] =	ssyncset.done $0x0  }
0x3b: {  	[sflag:s14] =	ssyncadd.s32 $0xFFFFE000  }
0x3c: {  	[spmem:s11] =	stream.linear.scatter [tilespmem:s23], [sflag:$0x5], $0x2000, $0x38;
	[tilespmem:$0x19000] =	vst v63  }
0x3d: {  	_ =	swait.ge [sflag:s14], $0x2000  }
0x3e: {  	[sflag:s14] =	ssyncset.done $0x0  }
0x3f: {  	[sflag:s14] =	ssyncadd.s32 $0xFFFFE000  }
0x40: {  	[bflag:$0x0] =	sbarrier.arrive $0xFFFF  }
0x41: {  	_ =	swait.ge [sflag:s24], $0x2000  }
0x42: {  	[sflag:s24] =	ssyncset.done $0x0  }
0x43: {  	s15 =	simm.s32 $0x2800;
	[sflag:s24] =	ssyncadd.s32 $0xFFFFE000  }
0x44: {  	[spmem:s2] =	stream.indirect.scatter.add.f32 [tilespmem:s17], [sflag:$0x5], $0x40, s15, s16, $0xb8;
	[tilespmem:$0x19000] =	vst v63  }
0x45: {  	_ =	swait.ge [sflag:s14], $0x2000  }
0x46: {  	[sflag:s14] =	ssyncset.done $0x0  }
0x47: {  	s19 =	simm.s32 $0x200;
	[sflag:s14] =	ssyncadd.s32 $0xFFFFE000  }
0x48: {  	[tilespmem:s17], [sflag:$0x1] =	stream.indirect.gather [hbm4b:s4+s16], $0x40, s19, s16, $0xb8;
	[tilespmem:$0x19000] =	vst v63  }
0x49: {  	_ =	swait.ge [sflag:s25], $0x2000  }
0x4a: {  	[sflag:s25] =	ssyncset.done $0x0  }
0x4b: {  	s21 =	simm.s32 $0x2880;
	[sflag:s25] =	ssyncadd.s32 $0xFFFFE000  }
0x4c: {  	[spmem:s2] =	stream.indirect.scatter.add.f32 [tilespmem:s18], [sflag:$0x5], $0x40, s21, s16, $0xb8;
	[tilespmem:$0x19000] =	vst v63  }
0x4d: {  	_ =	swait.ge [sflag:s14], $0x2000  }
0x4e: {  	[sflag:s14] =	ssyncset.done $0x0  }
0x4f: {  	s29 =	simm.s32 $0x280;
	[sflag:s14] =	ssyncadd.s32 $0xFFFFE000  }
0x50: {  	[tilespmem:s18], [sflag:$0x2] =	stream.indirect.gather [hbm4b:s4+s16], $0x40, s29, s16, $0xb8;
	[tilespmem:$0x19000] =	vst v63  }
0x51: {  	_ =	swait.ge [sflag:s26], $0x2000  }
0x52: {  	[sflag:s26] =	ssyncset.done $0x0  }
0x53: {  	s19 =	simm.s32 $0x2900;
	[sflag:s26] =	ssyncadd.s32 $0xFFFFE000  }
0x54: {  	[spmem:s2] =	stream.indirect.scatter.add.f32 [tilespmem:s20], [sflag:$0x5], $0x40, s19, s16, $0xb8;
	[tilespmem:$0x19000] =	vst v63  }
0x55: {  	_ =	swait.ge [sflag:s14], $0x2000  }
0x56: {  	[sflag:s14] =	ssyncset.done $0x0  }
0x57: {  	s21 =	simm.s32 $0x300;
	[sflag:s14] =	ssyncadd.s32 $0xFFFFE000  }
0x58: {  	[tilespmem:s20], [sflag:$0x3] =	stream.indirect.gather [hbm4b:s4+s16], $0x40, s21, s16, $0xb8;
	[tilespmem:$0x19000] =	vst v63  }
0x59: {  	_ =	swait.ge [sflag:s28], $0x2000  }
0x5a: {  	[sflag:s28] =	ssyncset.done $0x0  }
0x5b: {  	s29 =	simm.s32 $0x2980;
	[sflag:s28] =	ssyncadd.s32 $0xFFFFE000  }
0x5c: {  	[spmem:s2] =	stream.indirect.scatter.add.f32 [tilespmem:s22], [sflag:$0x5], $0x40, s29, s16, $0xb8;
	[tilespmem:$0x19000] =	vst v63  }
0x5d: {  	_ =	swait.ge [sflag:s14], $0x2000  }
0x5e: {  	[sflag:s14] =	ssyncset.done $0x0  }
0x5f: {  	s15 =	simm.s32 $0x800;
	s19 =	simm.s32 $0x380;
	[sflag:s14] =	ssyncadd.s32 $0xFFFFE000  }
.LBB2_4:
0x60: {  	[tilespmem:s22], [sflag:$0x4] =	stream.indirect.gather [hbm4b:s4+s16], $0x40, s19, s16, $0xb8;
	[tilespmem:$0x19000] =	vst v63  }
0x61: {  	s19 =	smov.u32 s15  }
0x62: {  	p0 =	sne.s32 s15, $0x9000;
	s15 =	sadd.s32 $0x800, s15;
	_ =	swait.ge [sflag:s24], $0x2000  }
0x63: {  	s19 =	sshra.s32 s19, $0x2;
	[sflag:s24] =	ssyncset.done $0x0  }
0x64: {  	s21 =	sadd.s32 $0x2800, s19;
	[sflag:s24] =	ssyncadd.s32 $0xFFFFE000  }
0x65: {  	[spmem:s2] =	stream.indirect.scatter.add.f32 [tilespmem:s17], [sflag:$0x5], $0x40, s21, s16, $0xb8;
	[tilespmem:$0x19000] =	vst v63  }
0x66: {  	_ =	swait.ge [sflag:s14], $0x2000  }
0x67: {  	[sflag:s14] =	ssyncset.done $0x0  }
0x68: {  	s21 =	sadd.s32 $0x200, s19;
	[sflag:s14] =	ssyncadd.s32 $0xFFFFE000  }
0x69: {  	[tilespmem:s17], [sflag:$0x1] =	stream.indirect.gather [hbm4b:s4+s16], $0x40, s21, s16, $0xb8;
	[tilespmem:$0x19000] =	vst v63  }
0x6a: {  	_ =	swait.ge [sflag:s25], $0x2000  }
0x6b: {  	[sflag:s25] =	ssyncset.done $0x0  }
0x6c: {  	s21 =	sadd.s32 $0x2880, s19;
	[sflag:s25] =	ssyncadd.s32 $0xFFFFE000  }
0x6d: {  	[spmem:s2] =	stream.indirect.scatter.add.f32 [tilespmem:s18], [sflag:$0x5], $0x40, s21, s16, $0xb8;
	[tilespmem:$0x19000] =	vst v63  }
0x6e: {  	_ =	swait.ge [sflag:s14], $0x2000  }
0x6f: {  	[sflag:s14] =	ssyncset.done $0x0  }
0x70: {  	s21 =	sadd.s32 $0x280, s19;
	[sflag:s14] =	ssyncadd.s32 $0xFFFFE000  }
0x71: {  	[tilespmem:s18], [sflag:$0x2] =	stream.indirect.gather [hbm4b:s4+s16], $0x40, s21, s16, $0xb8;
	[tilespmem:$0x19000] =	vst v63  }
0x72: {  	_ =	swait.ge [sflag:s26], $0x2000  }
0x73: {  	[sflag:s26] =	ssyncset.done $0x0  }
0x74: {  	s21 =	sadd.s32 $0x2900, s19;
	[sflag:s26] =	ssyncadd.s32 $0xFFFFE000  }
0x75: {  	[spmem:s2] =	stream.indirect.scatter.add.f32 [tilespmem:s20], [sflag:$0x5], $0x40, s21, s16, $0xb8;
	[tilespmem:$0x19000] =	vst v63  }
0x76: {  	_ =	swait.ge [sflag:s14], $0x2000  }
0x77: {  	[sflag:s14] =	ssyncset.done $0x0  }
0x78: {  	s21 =	sadd.s32 $0x300, s19;
	[sflag:s14] =	ssyncadd.s32 $0xFFFFE000  }
0x79: {  	[tilespmem:s20], [sflag:$0x3] =	stream.indirect.gather [hbm4b:s4+s16], $0x40, s21, s16, $0xb8;
	[tilespmem:$0x19000] =	vst v63  }
0x7a: {  	_ =	swait.ge [sflag:s28], $0x2000  }
0x7b: {  	[sflag:s28] =	ssyncset.done $0x0  }
.Ltmp1:
0x7c: {  	s21 =	sadd.s32 $0x2980, s19;
	[sflag:s28] =	ssyncadd.s32 $0xFFFFE000;
	(pc) =	sbr.rel @p0 .LBB2_4-.Ltmp1, $4  }
0x7d: {  	[spmem:s2] =	stream.indirect.scatter.add.f32 [tilespmem:s22], [sflag:$0x5], $0x40, s21, s16, $0xb8;
	[tilespmem:$0x19000] =	vst v63  }
0x7e: {  	_ =	swait.ge [sflag:s14], $0x2000  }
0x7f: {  	[sflag:s14] =	ssyncset.done $0x0  }
0x80: {  	s19 =	sadd.s32 $0x380, s19;
	[sflag:s14] =	ssyncadd.s32 $0xFFFFE000  }
0x81: {  	[tilespmem:s22], [sflag:$0x4] =	stream.indirect.gather [hbm4b:s4+s16], $0x40, s19, s16, $0xb8;
	[tilespmem:$0x19000] =	vst v63  }
0x82: {  	_ =	swait.ge [sflag:s24], $0x2000  }
0x83: {  	[sflag:s24] =	ssyncset.done $0x0  }
0x84: {  	s15 =	simm.s32 $0x4E00;
	[sflag:s24] =	ssyncadd.s32 $0xFFFFE000  }
0x85: {  	[spmem:s2] =	stream.indirect.scatter.add.f32 [tilespmem:s17], [sflag:$0x5], $0x40, s15, s16, $0xb8;
	[tilespmem:$0x19000] =	vst v63  }
0x86: {  	_ =	swait.ge [sflag:s14], $0x2000  }
0x87: {  	[sflag:s14] =	ssyncset.done $0x0  }
0x88: {  	[sflag:s14] =	ssyncadd.s32 $0xFFFFE000  }
0x89: {  	_ =	swait.ge [sflag:s25], $0x2000  }
0x8a: {  	[sflag:s25] =	ssyncset.done $0x0  }
0x8b: {  	[sflag:s25] =	ssyncadd.s32 $0xFFFFE000  }
0x8c: {  	[spmem:s2] =	stream.indirect.scatter.add.f32 [tilespmem:s18], [sflag:$0x5], $0x40, s30, s16, $0xb8;
	[tilespmem:$0x19000] =	vst v63  }
0x8d: {  	_ =	swait.ge [sflag:s14], $0x2000  }
0x8e: {  	[sflag:s14] =	ssyncset.done $0x0  }
0x8f: {  	[sflag:s14] =	ssyncadd.s32 $0xFFFFE000  }
0x90: {  	_ =	swait.ge [sflag:s26], $0x2000  }
0x91: {  	[sflag:s26] =	ssyncset.done $0x0  }
0x92: {  	[sflag:s26] =	ssyncadd.s32 $0xFFFFE000  }
0x93: {  	[spmem:s2] =	stream.indirect.scatter.add.f32 [tilespmem:s20], [sflag:$0x5], $0x40, s31, s16, $0xb8;
	[tilespmem:$0x19000] =	vst v63  }
0x94: {  	_ =	swait.ge [sflag:s14], $0x2000  }
0x95: {  	[sflag:s14] =	ssyncset.done $0x0  }
0x96: {  	[sflag:s14] =	ssyncadd.s32 $0xFFFFE000  }
0x97: {  	_ =	swait.ge [sflag:s28], $0x2000  }
0x98: {  	[sflag:s28] =	ssyncset.done $0x0  }
0x99: {  	[sflag:s28] =	ssyncadd.s32 $0xFFFFE000  }
0x9a: {  	[spmem:s2] =	stream.indirect.scatter.add.f32 [tilespmem:s22], [sflag:$0x5], $0x40, s0, s16, $0xb8;
	[tilespmem:$0x19000] =	vst v63  }
0x9b: {  	s21 =	stileid.u32;
	_ =	swait.ge [sflag:s14], $0x2000  }
0x9c: {  	s29 =	sshrl.u32 s7, $0x3;
	s1 =	sadd.s32 $0x1, s1;
	[sflag:s14] =	ssyncset.done $0x0  }
0x9d: {  	p0 =	sne.s32 s1, s13;
	s15 =	sshll.u32 s21, $0x6;
	[sflag:s14] =	ssyncadd.s32 $0xFFFFE000  }
.Ltmp2:
0x9e: {  	s15 =	sor.u32 $0x1C05, s15;
	[bflag:$0x0] =	sbarrier.arrive $0xFFFF;
	(pc) =	sbr.rel @p0 .LBB2_1-.Ltmp2, $4  }
0x9f: {  	[hbm:s12], [sflag:s15] =	dma.local [spmem:s29], $0x1400  }
0xa0: {  	_ =	swait.ge [sflag:s14], $0x1400  }
0xa1: {  	[sflag:s14] =	ssyncset.done $0x0  }
0xa2: {  	[sflag:s14] =	ssyncadd.s32 $0xFFFFEC00  }
0xa3: {  	_ =	sfence.sel $0x180000  }
0xa4: {  	[bflag:$0x0] =	sbarrier.arrive $0xFFFF  }
0xa5: {  	_ =	strace $0x9000004D  }
0xa6: {  	s0 =	stileid.u32;
	[bflag:$0x2] =	sbarrier.arrive $0xFFFF  }
0xa7: {  	p0 =	sne.s32 s0, $0x0;
	s0 =	rddreg [dreg:$0x3]  }
0xa8: {  	s0 =	sadd.s32 @!p0 $0x100000, s0  }
0xa9: {  	[sflag:s0] =	ssyncadd.tile.s32 @!p0 $0x1;
	_ =	shalt  }
.Lfunc_end2:
_tile_overlayer_lowered:
.L_overlay_start_2:
0xaa: {  	(tag) =	ssettag $0x2  }
0xab: {  	s0 =	rddreg [dreg:$0x0];
	s2 =	stileid.u32  }
0xac: {  	s1 =	rddreg [dreg:$0x1];
	p0 =	sne.s32 s2, $0x0  }
0xad: {  	s3 =	rddreg [dreg:$0x2];
	[bflag:$0x3] =	sbarrier.arrive $0xFFFF;
	s2 =	simm.s32 @!p0 $0x1C05  }
0xae: {  	[timem:s3], [sflag:s2] =	dma.local @!p0 [hbm:s0], s1  }
0xaf: {  	s0 =	simm.s32 @!p0 $0x5  }
0xb0: {  	_ =	swait.ge @!p0 [sflag:s0], s1  }
0xb1: {  	s1 =	ssub.s32 @!p0 $0x0, s1;
	[sflag:s0] =	ssyncset.done @!p0 $0x0  }
0xb2: {  	[sflag:s0] =	ssyncadd.s32 @!p0 s1  }
0xb3: {  	[bflag:$0x3] =	sbarrier.arrive $0xFFFF  }
0xb4: {  	_ =	shalt  }

// kernel: kernel.8.cloned.1.call-start
scs
__scs_entry_jumppad:
0x0: {  	(pc) =	sbr.rel $0x88, $3  }
0x1: {  	(tag) =	ssettag $0x0;
	lr =	simm.s32 $0x1  }
0x2: {  	[smem:$0x3F9B] =	sst lr;
	_ =	strace $0xD0000000  }
0x3: {  	_ = 	snop  }
0x4: {  	_ = 	snop  }
0x5: {  	_ = 	snop  }
0x6: {  	_ = 	snop  }
0x7: {  	_ = 	snop  }
__scs_overlays_trampoline_lowered:
0x8: {  	[smem:$0x3FAA] =	sst s0  }
0x9: {  	[smem:$0x3FAB] =	sst s1  }
0xa: {  	[smem:$0x3FAC] =	sst s2  }
0xb: {  	[smem:$0x3FAD] =	sst s3  }
0xc: {  	[smem:$0x3FAE] =	sst s4  }
0xd: {  	[smem:$0x3FAF] =	sst s5  }
0xe: {  	[smem:$0x3FB0] =	sst s6  }
0xf: {  	[smem:$0x3FB1] =	sst s7  }
0x10: {  	[smem:$0x3FB2] =	sst s8  }
0x11: {  	[smem:$0x3FB3] =	sst s9;
	s0 =	simm.s32 @!p0 $0x0  }
0x12: {  	s1 =	sld [smem:$0x3F99];
	s0 =	simm.s32 @p0 $0x1  }
0x13: {  	[smem:$0x3FB4] =	sst s0;
	s0 =	simm.s32 @!p1 $0x0  }
0x14: {  	s2 =	sld [smem:$0x3F98];
	s0 =	simm.s32 @p1 $0x1  }
0x15: {  	[smem:$0x3FB5] =	sst s0;
	s0 =	simm.s32 @!p2 $0x0  }
0x16: {  	s3 =	sld [smem:$0x3FDB];
	s0 =	simm.s32 @p2 $0x1  }
0x17: {  	s4 =	simm.s32 $0x1BF5;
	[smem:$0x3FB7] =	sst s0  }
0x18: {  	s0 =	sld [smem:$0x3F9A];
	_ =	swait.ge [sflag:s4], $0x0  }
0x19: {  	s7 =	sld [smem:$0x3F9B]  }
0x1a: {  	s8 =	sadd.s32 $0xFFFFE003, lr  }
0x1b: {  	s9 =	sadd.s32 $0xFFFFFEF7, lr;
	s5 =	simm.s32 $0xFFFFFFFF;
	p2 =	slt.u32 s8, $0xFFFFF086  }
0x1c: {  	p1 =	slt.u32 s9, $0xF7A;
	s5 =	simm.s32 @!p2 $0x0  }
0x1d: {  	s5 =	simm.s32 @p1 $0x1;
	p0 =	seq.s32 s7, s2  }
0x1e: {  	s7 =	smul.u32 @!p0 $0xF7A, s2;
	p2 =	seq.s32 @!p0 s5, $0x0  }
0x1f: {  	s9 =	smul.u32 $0xF7A, s1;
	s8 =	simm.s32 @!p0 $0x1BF5;
	p2 =	por !p2, p0  }
0x20: {  	[sflag:s8] =	ssyncset.s32 @!p0 $0xFFFFF086;
	s6 =	sadd.s32 @!p0 s3, s7;
	s7 =	simm.s32 @!p0 $0x108  }
0x21: {  	s3 =	sadd.s32 s3, s9;
	s6 =	sadd.s32 @!p0 $0x88, s6;
	s7 =	simm.s32 @p2 $0x1082  }
0x22: {  	[simem:s7], [sflag:s8] =	dma.local @!p0 [hbm:s6], $0xF7A  }
0x23: {  	s9 =	sor.u32 $0xD0000000, s2;
	s6 =	simm.s32 $0x108;
	_ =	swait.ge @!p0 [sflag:s8], $0x0  }
0x24: {  	s3 =	sadd.s32 $0x88, s3;
	s6 =	simm.s32 @!p1 $0x1082;
	[sflag:s4] =	ssyncset.s32 $0xFFFFF086  }
0x25: {  	[simem:s6], [sflag:s4] =	dma.local [hbm:s3], $0xF7A  }
0x26: {  	[smem:$0x3F9B] =	sst s1;
	(tag) =	ssettag s2;
	_ =	strace s9  }
0x27: {  	s1 =	sld [smem:$0x3FAB]  }
0x28: {  	s2 =	sld [smem:$0x3FAC]  }
0x29: {  	s4 =	sld [smem:$0x3FAE]  }
0x2a: {  	p0 =	seq.s32 s5, $0x0;
	s5 =	sld [smem:$0x3FAF]  }
0x2b: {  	s6 =	sld [smem:$0x3FB0]  }
0x2c: {  	s7 =	sld [smem:$0x3FB1]  }
0x2d: {  	s3 =	simm.s32 $0x108;
	s8 =	sld [smem:$0x3FB2]  }
0x2e: {  	s3 =	simm.s32 @!p0 $0x1082;
	s9 =	sld [smem:$0x3FB3]  }
0x2f: {  	lr =	sadd.s32 s0, s3;
	s0 =	sld [smem:$0x3FAA]  }
0x30: {  	s3 =	sld [smem:$0x3FAD]  }
0x31: {  	[smem:$0x3FB6] =	sst s10  }
0x32: {  	s10 =	sld [smem:$0x3FB4];
	_ =	sdelay $0x3  }
0x33: {  	p0 =	seq.s32 s10, $0x1;
	s10 =	sld [smem:$0x3FB6];
	_ =	sdelay $0x3  }
0x34: {  	[smem:$0x3FB6] =	sst s10  }
0x35: {  	s10 =	sld [smem:$0x3FB5];
	_ =	sdelay $0x3  }
0x36: {  	p1 =	seq.s32 s10, $0x1;
	s10 =	sld [smem:$0x3FB6];
	_ =	sdelay $0x3  }
0x37: {  	[smem:$0x3FB6] =	sst s10  }
0x38: {  	s10 =	sld [smem:$0x3FB7]  }
0x39: {  	_ = 	snop;
	(pc) =	sbr.ind lr, $3  }
0x3a: {  	_ = 	snop  }
0x3b: {  	_ = 	snop  }
0x3c: {  	p2 =	seq.s32 s10, $0x1;
	s10 =	sld [smem:$0x3FB6]  }
0x3d: {  	_ =	shalt  }
0x3e: {  	_ =	shalt  }
0x3f: {  	_ =	shalt  }
0x40: {  	_ =	shalt  }
0x41: {  	_ =	shalt  }
0x42: {  	_ =	shalt  }
0x43: {  	_ =	shalt  }
0x44: {  	_ =	shalt  }
0x45: {  	_ =	shalt  }
0x46: {  	_ =	shalt  }
0x47: {  	_ =	shalt  }
0x48: {  	_ =	shalt  }
0x49: {  	_ =	shalt  }
0x4a: {  	_ =	shalt  }
0x4b: {  	_ =	shalt  }
0x4c: {  	_ =	shalt  }
0x4d: {  	_ =	shalt  }
0x4e: {  	_ =	shalt  }
0x4f: {  	_ =	shalt  }
0x50: {  	_ =	shalt  }
0x51: {  	_ =	shalt  }
0x52: {  	_ =	shalt  }
0x53: {  	_ =	shalt  }
0x54: {  	_ =	shalt  }
0x55: {  	_ =	shalt  }
0x56: {  	_ =	shalt  }
0x57: {  	_ =	shalt  }
0x58: {  	_ =	shalt  }
0x59: {  	_ =	shalt  }
0x5a: {  	_ =	shalt  }
0x5b: {  	_ =	shalt  }
0x5c: {  	_ =	shalt  }
0x5d: {  	_ =	shalt  }
0x5e: {  	_ =	shalt  }
0x5f: {  	_ =	shalt  }
0x60: {  	_ =	shalt  }
0x61: {  	_ =	shalt  }
0x62: {  	_ =	shalt  }
0x63: {  	_ =	shalt  }
0x64: {  	_ =	shalt  }
0x65: {  	_ =	shalt  }
0x66: {  	_ =	shalt  }
0x67: {  	_ =	shalt  }
0x68: {  	_ =	shalt  }
0x69: {  	_ =	shalt  }
0x6a: {  	_ =	shalt  }
0x6b: {  	_ =	shalt  }
0x6c: {  	_ =	shalt  }
0x6d: {  	_ =	shalt  }
0x6e: {  	_ =	shalt  }
0x6f: {  	_ =	shalt  }
0x70: {  	_ =	shalt  }
0x71: {  	_ =	shalt  }
0x72: {  	_ =	shalt  }
0x73: {  	_ =	shalt  }
0x74: {  	_ =	shalt  }
0x75: {  	_ =	shalt  }
0x76: {  	_ =	shalt  }
0x77: {  	_ =	shalt  }
0x78: {  	_ =	shalt  }
0x79: {  	_ =	shalt  }
0x7a: {  	_ =	shalt  }
0x7b: {  	_ =	shalt  }
0x7c: {  	_ =	shalt  }
0x7d: {  	_ =	shalt  }
0x7e: {  	_ =	shalt  }
0x7f: {  	_ =	shalt  }
0x80: {  	_ =	shalt  }
0x81: {  	_ =	shalt  }
0x82: {  	_ =	shalt  }
0x83: {  	_ =	shalt  }
0x84: {  	_ =	shalt  }
0x85: {  	_ =	shalt  }
0x86: {  	_ =	shalt  }
0x87: {  	_ =	shalt  }
.Lfunc_end0:
.L_simem_size_0:
called_computation_lowered:
.L_overlay_start_0:
0x88: {  	s2 =	sld [smem:$0x3FD9]  }
0x89: {  	s3 =	sld [smem:$0x3FFE];
	_ =	sdelay $0x1  }
0x8a: {  	s1 =	srdreg.scid  }
0x8b: {  	s0 =	sand.u32 $0x1, s1  }
0x8c: {  	s16 =	sshll.u32 s0, $0xA;
	s2 =	sadd.s32 s3, s2  }
0x8d: {  	s2 =	sadd.s32 s2, s16  }
0x8e: {  	[smem:$0x3FC2] =	sst s2  }
0x8f: {  	_ = 	snop  }
0x90: {  	(tm) =	ssettm $0x1  }
0x91: {  	s17 =	sld [smem:$0x3FFB];
	_ =	sdelay $0x3  }
0x92: {  	_ =	strace s17  }
0x93: {  	s2 =	sld [smem:$0x3FFC];
	_ =	sdelay $0x3  }
0x94: {  	_ =	strace s2  }
0x95: {  	s2 =	sld [smem:$0x3FFD];
	_ =	sdelay $0x3  }
0x96: {  	_ =	strace s2  }
0x97: {  	_ =	strace $0x8FFFFFFF  }
0x98: {  	s18 =	sld [smem:$0x3FDB];
	_ =	sdelay $0x1  }
0x99: {  	s19 =	simm.s32 $_scs_section_size  }
0x9a: {  	s4 =	simm.s32 $_size__tile_overlayer_lowered;
	s5 =	simm.s32 $_tile_overlayer_lowered  }
0x9b: {  	s22 =	simm.s32 $0x1BFF;
	s21 =	sshll.u32 s5, $0x1;
	s2 =	sadd.s32 s19, s18  }
0x9c: {  	s6 =	simm.s32 $0x0;
	s20 =	sshll.u32 s4, $0x1;
	s4 =	sadd.s32 s21, s2  }
0x9d: {  	[timem:s6], [sflag:s22] =	dma.local [hbm:s4], s20  }
0x9e: {  	_ =	swait.ge [sflag:s22], s20  }
0x9f: {  	s3 =	ssub.s32 $0x0, s20;
	[sflag:s22] =	ssyncset.done $0x0  }
0xa0: {  	[sflag:s22] =	ssyncadd.s32 s3;
	_ =	sdelay $0x1  }
0xa1: {  	s23 =	simm.s32 $0x1B8B  }
0xa2: {  	_ =	swait.ge [sflag:s23], $0x1  }
0xa3: {  	[sflag:s23] =	ssyncset.done $0x0  }
0xa4: {  	s25 =	simm.s32 $0x1B8E;
	s24 =	sld [smem:$0x3FFE];
	[sflag:s23] =	ssyncadd.s32 $0xFFFFFFFF  }
0xa5: {  	s26 =	simm.s32 $execute0_lowered;
	[smem:$0x3FD2] =	sst s25  }
0xa6: {  	s4 =	sshll.u32 s26, $0x1;
	_ =	strace $0x80000046;
	[dreg:$0x1] =	wrdreg $0xFFFFFFFF  }
0xa7: {  	s28 =	simm.s32 $_size_execute0_lowered;
	s2 =	sadd.s32 s2, s4;
	[dreg:$0x0] =	wrdreg $0x0  }
0xa8: {  	s4 =	sshll.u32 s28, $0x1;
	[dreg:$0x2] =	wrdreg s2  }
0xa9: {  	[dreg:$0x3] =	wrdreg s4  }
0xaa: {  	[dreg:$0x4] =	wrdreg $0xC0  }
0xab: {  	_ =	task [dreg:s6], $0x5FFFF  }
0xac: {  	[dreg:$0x1] =	wrdreg $0xFFFFFFFF  }
0xad: {  	[dreg:$0x0] =	wrdreg $0x60  }
0xae: {  	[dreg:$0x2] =	wrdreg s24  }
0xaf: {  	[dreg:$0x3] =	wrdreg $0x9  }
0xb0: {  	_ =	task.clear_ibuf [dreg:s6], $0x4FFFF;
	_ =	strace $0x90000046  }
0xb1: {  	s29 =	simm.s32 $0x9;
	_ =	strace $0x80000048  }
0xb2: {  	_ =	swait.ge [sflag:s29], $0x1  }
0xb3: {  	[sflag:s29] =	ssyncadd.s32 $0xFFFFFFFF  }
0xb4: {  	_ =	strace $0x90000048  }
0xb5: {  	_ =	sfence  }
0xb6: {  	s30 =	sld [smem:$0x0];
	_ =	sdelay $0x2  }
0xb7: {  	s31 =	sshll.u32 s1, $0xD;
	s1 =	sshrl.u32 s1, $0x2  }
0xb8: {  	s3 =	sand.u32 $0x4000, s31;
	s1 =	sadd.s32 s1, s30  }
0xb9: {  	s0 =	sor.u32 s3, s0;
	s1 =	sshll.u32 s1, $0x11  }
0xba: {  	s0 =	sor.u32 s1, s0  }
0xbb: {  	s0 =	sadd.s32 $0x8F2B, s0  }
0xbc: {  	[sflag:s0] =	ssyncadd.remote.s32 $0x1  }
0xbd: {  	_ =	sfence.sel $0xFFFF  }
0xbe: {  	[dreg:$0x0] =	wrdreg $0xFFFFFFFF;
	(pc) =	sbr.abs _section_cstart, $3  }
0xbf: {  	[dreg:$0x1] =	wrdreg $0xFFFFFFFF  }
0xc0: {  	_ =	task.clear_ibuf [dreg:s6], $0x2FFFF;
	_ =	strace $0x9FFFFFFF  }
0xc1: {  	(tm) =	ssettm $0x7FFFFFFF  }
tec
execute0_lowered:
.L_overlay_start_1:
0x0: {  	(tag) =	ssettag $0x1  }
0x1: {  	s0 =	srdreg.scid  }
0x2: {  	s5 =	rddreg [dreg:$0x0];
	s3 =	sand.u32 $0x1, s0  }
0x3: {  	s2 =	simm.s32 $0x0;
	s0 =	stileid.u32;
	s1 =	sshll.u32 s3, $0x4  }
0x4: {  	s8 =	simm.s32 $0x80;
	s9 =	simm.s32 $0x400;
	s4 =	sor.u32 s0, s1  }
0x5: {  	s10 =	simm.s32 $0x0;
	[smem:$0x7FF] =	sst s2;
	s1 =	sshrl.u32 s4, $0x3  }
0x6: {  	s7 =	sshll.u32 s0, $0x7;
	s3 =	ssub.s32 $0x2, s3;
	s6 =	smul.u32 $0x14000, s1  }
0x7: {  	s7 =	sand.u32 $0x380, s7;
	s31 =	sshrl.u32 s3, $0x1;
	s4 =	smul.u32 $0x500, s4  }
0x8: {  	s1 =	rddreg [dreg:$0x1];
	_ =	strace $0x80000047;
	s6 =	sor.u32 s7, s6  }
0x9: {  	s4 =	sadd.s32 s4, s5;
	s7 =	simm.s32 $0x2800;
	s6 =	sshrl.u32 s6, $0x3  }
0xa: {  	s5 =	sadd.s32 s6, s5;
	s6 =	ssub.s32 s3, s31;
	s3 =	sadd.s32 $0x2600, s4  }
0xb: {  	v0 =	vimm.f32 $0.0e+00;
	v1 =	vimm.f32 $1.000000000e+00;
	s4 =	sadd.s32 $0xC600, s5;
	s5 =	smax.u32 s6, $0x1;
	s6 =	simm.s32 $0x1  }
.LBB2_1:
0xc: {  	[tilespmem:s2], [sflag:$0x1] =	stream.linear.gather [hbm4b:s3+s2], $0x2800, $0x38;
	[tilespmem:$0x5000] =	vst v63  }
0xd: {  	_ =	swait.ge [sflag:s6], $0x2800  }
0xe: {  	[sflag:s6] =	ssyncset.done $0x0  }
0xf: {  	s11 =	simm.s32 $0x0;
	[sflag:s6] =	ssyncadd.s32 $0xFFFFD800  }
.LBB2_2:
0x10: {  	p0 =	sne.s32 s11, $0x9FC0  }
.Ltmp0:
0x11: {  	_ = 	snop;
	(pc) =	sbr.rel @p0 .LBB2_2-.Ltmp0, $3  }
0x12: {  	_ =	sdelay $0x1  }
0x13: {  	s12 =	sshra.s32 s11, $0x2  }
0x14: {  	s11 =	sadd.s32 $0x40, s11;
	[tilespmem:s12+$0x2800] =	vst v0  }
0x15: {  	s11 =	simm.s32 $0x0  }
0x16: {  	s12 =	sand.u32 $0xFE00, s11  }
0x17: {  	s11 =	sand.u32 $0x70, s11;
	s12 =	sshrl.u32 s12, $0x2  }
0x18: {  	s11 =	sor.u32 s11, s12  }
0x19: {  	v2 =	vld [tilespmem:s11+$0x0];
	_ =	sdelay $0x4  }
0x1a: {  	s13 =	simm.s32 $0x40  }
0x1b: {  	s13 =	sand.u32 $0xFE00, s13;
	s12 =	simm.s32 $0x80;
	s11 =	simm.s32 $0x10  }
.LBB2_4:
0x1c: {  	p0 =	sne.s32 s12, $0x9FC0;
	s14 =	sand.u32 $0x70, s11;
	s13 =	sshrl.u32 s13, $0x2  }
0x1d: {  	s13 =	sor.u32 s14, s13;
	[tilespmem:v2+s7+$0x0] =	vst.idx.add.f32.msk $0xffff, v1  }
0x1e: {  	v2 =	vld [tilespmem:s13+$0x0];
	_ =	sdelay $0x1  }
.Ltmp1:
0x1f: {  	(pc) =	sbr.rel @p0 .LBB2_4-.Ltmp1, $2  }
0x20: {  	_ =	sdelay $0x2  }
0x21: {  	s11 =	sadd.s32 $0x10, s11;
	s13 =	sand.u32 $0xFE00, s12;
	s12 =	sadd.s32 $0x40, s12  }
0x22: {  	_ =	sdelay $0x2  }
0x23: {  	s11 =	sand.u32 $0x70, s11;
	s12 =	sshrl.u32 s13, $0x2  }
0x24: {  	[tilespmem:v2+s7+$0x0] =	vst.idx.add.f32.msk $0xffff, v1;
	s11 =	sor.u32 s11, s12  }
0x25: {  	v2 =	vld [tilespmem:s11+$0x0];
	_ =	sdelay $0x5  }
0x26: {  	s10 =	sadd.s32 $0x1, s10  }
0x27: {  	p0 =	sne.s32 s10, s5  }
.Ltmp2:
0x28: {  	[tilespmem:v2+s7+$0x0] =	vst.idx.add.f32.msk $0xffff, v1;
	(pc) =	sbr.rel @p0 .LBB2_1-.Ltmp2, $4  }
0x29: {  	[hbm4b:s4+s8] =	stream.strided.scatter [tilespmem:s7], [sflag:$0x1], $0x2800, s9, s8, $0x38;
	[tilespmem:$0x5000] =	vst v63  }
0x2a: {  	_ =	swait.ge [sflag:s6], $0x2800  }
0x2b: {  	[sflag:s6] =	ssyncset.done $0x0  }
0x2c: {  	[sflag:s6] =	ssyncadd.s32 $0xFFFFD800  }
0x2d: {  	_ =	sfence.sel $0x180000  }
0x2e: {  	[bflag:$0x0] =	sbarrier.arrive $0xFFFF  }
0x2f: {  	p0 =	sne.s32 s0, $0x0;
	_ =	strace $0x90000047  }
0x30: {  	s0 =	sadd.s32 @!p0 $0x100000, s1;
	[bflag:$0x2] =	sbarrier.arrive $0xFFFF  }
0x31: {  	[sflag:s0] =	ssyncadd.tile.s32 @!p0 $0x1;
	_ =	shalt  }
.Lfunc_end2:
_tile_overlayer_lowered:
.L_overlay_start_2:
0x32: {  	(tag) =	ssettag $0x2  }
0x33: {  	s0 =	rddreg [dreg:$0x0];
	s2 =	stileid.u32  }
0x34: {  	s1 =	rddreg [dreg:$0x1];
	p0 =	sne.s32 s2, $0x0  }
0x35: {  	s3 =	rddreg [dreg:$0x2];
	[bflag:$0x3] =	sbarrier.arrive $0xFFFF;
	s2 =	simm.s32 @!p0 $0x1C01  }
0x36: {  	[timem:s3], [sflag:s2] =	dma.local @!p0 [hbm:s0], s1  }
0x37: {  	s0 =	simm.s32 @!p0 $0x1  }
0x38: {  	_ =	swait.ge @!p0 [sflag:s0], s1  }
0x39: {  	s1 =	ssub.s32 @!p0 $0x0, s1;
	[sflag:s0] =	ssyncset.done @!p0 $0x0  }
0x3a: {  	[sflag:s0] =	ssyncadd.s32 @!p0 s1  }
0x3b: {  	[bflag:$0x3] =	sbarrier.arrive $0xFFFF  }
0x3c: {  	_ =	shalt  }

</sc_bundles>
